<compile_context>
chip_gen: v7x
topology: tpu7x:2x2x1
jax: 0.10.2.dev20260603
libtpu: 0.0.44.dev20260713+nightly
codegen_flags: <defaults>
</compile_context>

<pallas_src>
import functools

import jax
import jax.numpy as jnp
from jax import lax
from jax.experimental import pallas as pl
from jax.experimental.pallas import tpu as pltpu
from jax.experimental.pallas import tpu_sc as plsc

NC = 2
NS = 16
L = 16


def _npad(N, R):
    NP = ((N + R - 1) // R) * R
    assert NP % (NS * 8) == 0
    return NP


CNT_C = 80


@functools.lru_cache(maxsize=None)
def _make_count(NP, E):
    NW = NC * NS
    C = CNT_C
    assert E % (NW * C) == 0
    EPW = E // NW
    NCHUNK = EPW // C
    RPT = NP // NS
    ZR = RPT // 5
    assert RPT % ZR == 0 and ZR >= C

    mesh = plsc.VectorSubcoreMesh(core_axis_name="c", subcore_axis_name="s")

    SLAG = 4

    @functools.partial(
        pl.kernel,
        mesh=mesh,
        out_type=jax.ShapeDtypeStruct((NC, NP), jnp.float32),
        scratch_types=[
            pltpu.VMEM((NCHUNK, C), jnp.int32),
            pltpu.VMEM((C,), jnp.float32),
            pltpu.VMEM((RPT,), jnp.float32),
            pltpu.VMEM_SHARED((NP,), jnp.float32),
            pltpu.SemaphoreType.DMA,
        ],
        compiler_params=pltpu.CompilerParams(use_tc_tiling_on_sc=False),
    )
    def count_kernel(edges_hbm, out_hbm, didx_all, ones_v, zbuf, acc_sh,
                     ssem):
        cid = lax.axis_index("c")
        sid = lax.axis_index("s")
        wid = sid * NC + cid

        def fill(r, carry):
            zbuf[pl.ds(r * L, L)] = jnp.zeros((L,), jnp.float32)
            return carry

        lax.fori_loop(0, RPT // L, fill, 0)

        def fill_ones(r, carry):
            ones_v[pl.ds(r * L, L)] = jnp.ones((L,), jnp.float32)
            return carry

        lax.fori_loop(0, C // L, fill_ones, 0)

        pltpu.sync_copy(edges_hbm.at[1, wid], didx_all)
        pltpu.sync_copy(zbuf, acc_sh.at[pl.ds(sid * RPT, RPT)])
        plsc.subcore_barrier()

        def drain_one():
            pltpu.make_async_copy(
                ones_v, acc_sh.at[didx_all.at[0]], ssem).wait()

        def step(j, carry):
            pltpu.async_copy(ones_v, acc_sh.at[didx_all.at[j]], ssem,
                             add=True)

            @pl.when(j >= SLAG)
            def _():
                drain_one()

            return carry

        lax.fori_loop(0, NCHUNK, step, 0)
        for _ in range(SLAG):
            drain_one()
        plsc.subcore_barrier()

        pltpu.sync_copy(acc_sh.at[pl.ds(sid * RPT, RPT)],
                        out_hbm.at[cid, pl.ds(sid * RPT, RPT)])

    return count_kernel


def _agg_c(D):
    return 40 if D > 64 else 80


@functools.lru_cache(maxsize=None)
def _make_agg(NP, E, D):
    NW = NC * NS
    C = _agg_c(D)
    assert E % (NW * C) == 0
    EPW = E // NW
    NCHUNK = EPW // C
    RPT = NP // NS
    assert RPT % C == 0

    mesh = plsc.VectorSubcoreMesh(core_axis_name="c", subcore_axis_name="s")

    P = 5
    G = 2
    assert NCHUNK % P == 0 and G < P

    @functools.partial(
        pl.kernel,
        mesh=mesh,
        out_type=jax.ShapeDtypeStruct((NC, NP, D), jnp.float32),
        scratch_types=[
            pltpu.VMEM((NCHUNK, C), jnp.int32),
            pltpu.VMEM((NCHUNK, C), jnp.int32),
            pltpu.VMEM((P, C, D), jnp.float32),
            pltpu.VMEM_SHARED((NP, D), jnp.float32),
            pltpu.SemaphoreType.DMA,
            pltpu.SemaphoreType.DMA,
        ],
        compiler_params=pltpu.CompilerParams(use_tc_tiling_on_sc=False),
    )
    def agg_kernel(hs_hbm, edges_hbm, out_hbm,
                   sidx_all, didx_all, rows, acc_sh, gsem, ssem):
        cid = lax.axis_index("c")
        sid = lax.axis_index("s")
        wid = sid * NC + cid

        def fill(r, carry):
            for cc in range(D // L):
                rows[0, r, pl.ds(cc * L, L)] = jnp.zeros((L,), jnp.float32)
            return carry

        lax.fori_loop(0, C, fill, 0)

        pltpu.sync_copy(edges_hbm.at[0, wid], sidx_all)
        pltpu.sync_copy(edges_hbm.at[1, wid], didx_all)
        for z in range(RPT // C):
            pltpu.sync_copy(rows.at[0],
                            acc_sh.at[pl.ds(sid * RPT + z * C, C)])
        plsc.subcore_barrier()

        def issue_gather(j, b):
            pltpu.async_copy(hs_hbm.at[sidx_all.at[j]], rows.at[b], gsem)

        def drain_gather():
            pltpu.make_async_copy(
                hs_hbm.at[sidx_all.at[0]], rows.at[0], gsem).wait()

        def drain_scatter():
            pltpu.make_async_copy(
                rows.at[0], acc_sh.at[didx_all.at[0]], ssem).wait()

        for b in range(G):
            issue_gather(b, b)

        def turn(g, carry):
            for b in range(P):
                t = g * P + b

                @pl.when(t >= G)
                def _():
                    drain_scatter()

                @pl.when(t + G < NCHUNK)
                def _():
                    issue_gather(t + G, (b + G) % P)

                drain_gather()
                pltpu.async_copy(rows.at[b], acc_sh.at[didx_all.at[t]],
                                 ssem, add=True)
            return carry

        lax.fori_loop(0, NCHUNK // P, turn, 0)
        for _ in range(G):
            drain_scatter()
        plsc.subcore_barrier()

        pltpu.sync_copy(acc_sh.at[pl.ds(sid * RPT, RPT)],
                        out_hbm.at[cid, pl.ds(sid * RPT, RPT)])

    return agg_kernel


def _dinv_block(cnt_ref):
    cnt = cnt_ref[0]
    deg = cnt[0] + cnt[1] + 1.0
    return lax.rsqrt(deg)


def _leaky(z):
    return jnp.where(z >= 0, z, 0.01 * z)


def _cnt_spec(R):
    return pl.BlockSpec((1, 2, R), lambda i: (i, 0, 0))


def _tc_pre_body(x_ref, w1_ref, wd_ref, bd_ref, cnt_ref, hs1_ref, ident_ref):
    dinv = _dinv_block(cnt_ref)
    x = x_ref[...]
    h1 = jnp.dot(x, w1_ref[...], preferred_element_type=jnp.float32)
    hs1_ref[...] = h1 * dinv[:, None]
    ident_ref[...] = (
        jnp.dot(x, wd_ref[...], preferred_element_type=jnp.float32)
        + bd_ref[...]
    )


def _tc_mid_body(agg_ref, hs1_ref, cnt_ref, b1_ref, w2_ref, hs2_ref):
    dinv = _dinv_block(cnt_ref)
    a = agg_ref[0] + agg_ref[1] + hs1_ref[...]
    o1 = _leaky(a * dinv[:, None] + b1_ref[...])
    h2 = jnp.dot(o1, w2_ref[...], preferred_element_type=jnp.float32)
    hs2_ref[...] = h2 * dinv[:, None]


def _tc_post_body(agg_ref, hs2_ref, cnt_ref, b2_ref, ident_ref, out_ref):
    dinv = _dinv_block(cnt_ref)
    a = agg_ref[0] + agg_ref[1] + hs2_ref[...]
    o2 = _leaky(a * dinv[:, None] + b2_ref[...])
    out_ref[...] = o2 + ident_ref[...]


def _row_spec(R, D):
    return pl.BlockSpec((R, D), lambda i: (i, 0))


def _part_spec(R, D):
    return pl.BlockSpec((2, R, D), lambda i: (0, i, 0))


def _full_spec(shape):
    nd = len(shape)
    return pl.BlockSpec(shape, lambda i: (0,) * nd)


def _tc_pre(x, W1, Wd, bd, cnt, R):
    NP, F = x.shape
    H = W1.shape[1]
    O = Wd.shape[1]
    grid = NP // R
    return pl.pallas_call(
        _tc_pre_body,
        grid=(grid,),
        in_specs=[
            _row_spec(R, F),
            _full_spec(W1.shape),
            _full_spec(Wd.shape),
            _full_spec((1, O)),
            _cnt_spec(R),
        ],
        out_specs=[_row_spec(R, H), _row_spec(R, O)],
        out_shape=[
            jax.ShapeDtypeStruct((NP, H), jnp.float32),
            jax.ShapeDtypeStruct((NP, O), jnp.float32),
        ],
    )(x, W1, Wd, bd.reshape(1, O), cnt)


def _tc_mid(agg1, hs1, cnt, b1, W2, R):
    NP, H = hs1.shape
    O = W2.shape[1]
    grid = NP // R
    return pl.pallas_call(
        _tc_mid_body,
        grid=(grid,),
        in_specs=[
            _part_spec(R, H),
            _row_spec(R, H),
            _cnt_spec(R),
            _full_spec((1, H)),
            _full_spec(W2.shape),
        ],
        out_specs=_row_spec(R, O),
        out_shape=jax.ShapeDtypeStruct((NP, O), jnp.float32),
    )(agg1, hs1, cnt, b1.reshape(1, H), W2)


def _tc_post(agg2, hs2, cnt, b2, ident, R):
    NP, O = hs2.shape
    grid = NP // R
    return pl.pallas_call(
        _tc_post_body,
        grid=(grid,),
        in_specs=[
            _part_spec(R, O),
            _row_spec(R, O),
            _cnt_spec(R),
            _full_spec((1, O)),
            _row_spec(R, O),
        ],
        out_specs=_row_spec(R, O),
        out_shape=jax.ShapeDtypeStruct((NP, O), jnp.float32),
    )(agg2, hs2, cnt, b2.reshape(1, O), ident)


@jax.jit
def kernel(x, edge_idx, W1, b1, W2, b2, Wd, bd):
    N, F = x.shape
    E = edge_idx.shape[1]
    H = W1.shape[1]
    O = W2.shape[1]
    R = 2000
    NP = _npad(N, 2048)

    NW = NC * NS
    C1, C2 = _agg_c(H), _agg_c(O)
    e3_1 = edge_idx.reshape(2, NW, E // (NW * C1), C1)
    e3_2 = edge_idx.reshape(2, NW, E // (NW * C2), C2)
    e3_c = edge_idx.reshape(2, NW, E // (NW * CNT_C), CNT_C)

    cnt_parts = _make_count(NP, E)(e3_c)
    cnt = cnt_parts[:, :N]
    cnt = cnt.reshape(2, N // R, R).transpose(1, 0, 2)

    hs1, ident = _tc_pre(x, W1, Wd, bd, cnt, R)
    agg1 = _make_agg(NP, E, H)(hs1, e3_1)
    hs2 = _tc_mid(agg1, hs1, cnt, b1, W2, R)
    agg2 = _make_agg(NP, E, O)(hs2, e3_2)
    return _tc_post(agg2, hs2, cnt, b2, ident, R)

# --- scband reference (transcript-rebuilt; emitter-appended) ---
"""Pipeline reference for scband-res-gcnencoder-64364379898083 (READ-ONLY COPY).

The authoritative reference and input builder live on the scoring server;
editing this copy changes nothing except your own understanding.
"""

import jax, jax.numpy as jnp
import numpy as np

N = 10000
E = 320000
F_IN = 128
H = 128
OUT = 64  # nhid // 2


def setup_inputs(seed: int = 0) -> dict:
    key = jax.random.key(seed)
    ks = jax.random.split(key, 9)
    x = jax.random.normal(ks[0], (N, F_IN), dtype=jnp.float32)
    edge_idx = jax.random.randint(ks[1], (2, E), 0, N, dtype=jnp.int32)
    W1 = jax.random.normal(ks[2], (F_IN, H), dtype=jnp.float32) * 0.05
    b1 = jax.random.normal(ks[3], (H,), dtype=jnp.float32) * 0.05
    W2 = jax.random.normal(ks[4], (H, OUT), dtype=jnp.float32) * 0.05
    b2 = jax.random.normal(ks[5], (OUT,), dtype=jnp.float32) * 0.05
    Wd = jax.random.normal(ks[6], (F_IN, OUT), dtype=jnp.float32) * 0.05
    bd = jax.random.normal(ks[7], (OUT,), dtype=jnp.float32) * 0.05
    return {"x": x, "edge_idx": edge_idx, "W1": W1, "b1": b1, "W2": W2, "b2": b2, "Wd": Wd, "bd": bd}


def gcn_conv(x, edge_idx, W, b):
    # PyG-style GCNConv: add self-loops, symmetric deg^{-1/2} normalization,
    # linear transform, scatter-add aggregation at dst, plus bias.
    n = x.shape[0]
    loop = jnp.arange(n, dtype=edge_idx.dtype)
    src = jnp.concatenate([edge_idx[0], loop])
    dst = jnp.concatenate([edge_idx[1], loop])
    h = x @ W
    ones = jnp.ones(src.shape[0], dtype=h.dtype)
    deg = jax.ops.segment_sum(ones, dst, num_segments=n)
    dinv = jnp.where(deg > 0, deg ** -0.5, 0.0)
    norm = dinv[src] * dinv[dst]
    msgs = h[src] * norm[:, None]
    out = jax.ops.segment_sum(msgs, dst, num_segments=n)
    return out + b


def reference(x, edge_idx, W1, b1, W2, b2, Wd, bd):
    identity = x @ Wd + bd          # downsample Linear
    out = jax.nn.leaky_relu(gcn_conv(x, edge_idx, W1, b1), negative_slope=0.01)
    # dropout omitted (eval-mode / deterministic reference)
    out = jax.nn.leaky_relu(gcn_conv(out, edge_idx, W2, b2), negative_slope=0.01)
    out = out + identity
    return out

if __name__ == "__main__":
    import jax
    _d = setup_inputs()
    print(jax.jit(kernel)(*tuple(_d.values())))

</pallas_src>

<mosaic_0001>
#map = affine_map<(d0, d1) -> (0, 0)>
#map1 = affine_map<(d0, d1) -> (0, 0, 0, 0)>
#map2 = affine_map<(d0, d1) -> (0, 0, 0)>
module attributes {stable_mosaic.version = 14 : i64} {
  func.func @agg_kernel(%arg0: i32, %arg1: i32, %arg2: memref<10000x128xf32, #tpu.memory_space<hbm>>, %arg3: memref<2x32x250x40xi32, #tpu.memory_space<hbm>>, %arg4: memref<2x10240x128xf32, #tpu.memory_space<hbm>>, %arg5: memref<250x40xi32, #tpu.memory_space<vmem>>, %arg6: memref<250x40xi32, #tpu.memory_space<vmem>>, %arg7: memref<5x40x128xf32, #tpu.memory_space<vmem>>, %arg8: memref<10240x128xf32, #tpu.memory_space<vmem_shared>>, %arg9: memref<!tpu.dma_semaphore, #tpu.memory_space<semaphore_mem>>, %arg10: memref<!tpu.dma_semaphore, #tpu.memory_space<semaphore_mem>>) attributes {dimension_semantics = [#tpu.dimension_semantics<core_parallel>, #tpu.dimension_semantics<subcore_parallel>], iteration_bounds = array<i64: 2, 16>, scalar_prefetch = 0 : i64, scratch_operands = 6 : i64, tpu.core_type = #tpu.core_type<sc_vector_subcore>, window_params = [{transform_indices = #map}, {transform_indices = #map1}, {transform_indices = #map2}]} {
    %mul3A = arith.constant 2 : i32
    %mul3A_0 = arith.muli %arg1, %mul3A : i32
    %add3A = arith.addi %mul3A_0, %arg0 : i32
    %scan3A = arith.constant 0 : i32
    %scan3A_1 = arith.constant 0 : i32
    %scan3A_2 = arith.constant 40 : i32
    %scan3A_3 = arith.addi %scan3A_1, %scan3A_2 : i32
    %scan3A_4 = arith.constant 1 : i32
    scf.for %scan3A_144 = %scan3A_1 to %scan3A_3 step %scan3A_4  : i32 {
      %broadcast_in_dim3A = arith.constant 0.000000e+00 : f32
      %broadcast_in_dim3A_145 = vector.broadcast %broadcast_in_dim3A : f32 to vector<16xf32>
      %swap3A = arith.constant 0 : i32
      %swap3A_146 = arith.index_cast %swap3A : i32 to index
      %swap3A_147 = arith.index_cast %scan3A_144 : i32 to index
      %swap3A_148 = arith.constant 0 : index
      %swap3A_149 = tpu.vector_load %arg7[%swap3A_146, %swap3A_147, %swap3A_148] {strides = array<i32>} : memref<5x40x128xf32, #tpu.memory_space<vmem>>, vector<1x1x16xf32>,
      %swap3A_150 = vector.shape_cast %swap3A_149 : vector<1x1x16xf32> to vector<16xf32>
      %swap3A_151 = vector.shape_cast %broadcast_in_dim3A_145 : vector<16xf32> to vector<1x1x16xf32>
      tpu.vector_store %arg7[%swap3A_146, %swap3A_147, %swap3A_148], %swap3A_151 {strides = array<i32>} : memref<5x40x128xf32, #tpu.memory_space<vmem>>, vector<1x1x16xf32>,
      %broadcast_in_dim3A_152 = arith.constant 0.000000e+00 : f32
      %broadcast_in_dim3A_153 = vector.broadcast %broadcast_in_dim3A_152 : f32 to vector<16xf32>
      %swap3A_154 = arith.constant 0 : i32
      %swap3A_155 = arith.index_cast %swap3A_154 : i32 to index
      %swap3A_156 = arith.index_cast %scan3A_144 : i32 to index
      %swap3A_157 = arith.constant 16 : index
      %swap3A_158 = tpu.vector_load %arg7[%swap3A_155, %swap3A_156, %swap3A_157] {strides = array<i32>} : memref<5x40x128xf32, #tpu.memory_space<vmem>>, vector<1x1x16xf32>,
      %swap3A_159 = vector.shape_cast %swap3A_158 : vector<1x1x16xf32> to vector<16xf32>
      %swap3A_160 = vector.shape_cast %broadcast_in_dim3A_153 : vector<16xf32> to vector<1x1x16xf32>
      tpu.vector_store %arg7[%swap3A_155, %swap3A_156, %swap3A_157], %swap3A_160 {strides = array<i32>} : memref<5x40x128xf32, #tpu.memory_space<vmem>>, vector<1x1x16xf32>,
      %broadcast_in_dim3A_161 = arith.constant 0.000000e+00 : f32
      %broadcast_in_dim3A_162 = vector.broadcast %broadcast_in_dim3A_161 : f32 to vector<16xf32>
      %swap3A_163 = arith.constant 0 : i32
      %swap3A_164 = arith.index_cast %swap3A_163 : i32 to index
      %swap3A_165 = arith.index_cast %scan3A_144 : i32 to index
      %swap3A_166 = arith.constant 32 : index
      %swap3A_167 = tpu.vector_load %arg7[%swap3A_164, %swap3A_165, %swap3A_166] {strides = array<i32>} : memref<5x40x128xf32, #tpu.memory_space<vmem>>, vector<1x1x16xf32>,
      %swap3A_168 = vector.shape_cast %swap3A_167 : vector<1x1x16xf32> to vector<16xf32>
      %swap3A_169 = vector.shape_cast %broadcast_in_dim3A_162 : vector<16xf32> to vector<1x1x16xf32>
      tpu.vector_store %arg7[%swap3A_164, %swap3A_165, %swap3A_166], %swap3A_169 {strides = array<i32>} : memref<5x40x128xf32, #tpu.memory_space<vmem>>, vector<1x1x16xf32>,
      %broadcast_in_dim3A_170 = arith.constant 0.000000e+00 : f32
      %broadcast_in_dim3A_171 = vector.broadcast %broadcast_in_dim3A_170 : f32 to vector<16xf32>
      %swap3A_172 = arith.constant 0 : i32
      %swap3A_173 = arith.index_cast %swap3A_172 : i32 to index
      %swap3A_174 = arith.index_cast %scan3A_144 : i32 to index
      %swap3A_175 = arith.constant 48 : index
      %swap3A_176 = tpu.vector_load %arg7[%swap3A_173, %swap3A_174, %swap3A_175] {strides = array<i32>} : memref<5x40x128xf32, #tpu.memory_space<vmem>>, vector<1x1x16xf32>,
      %swap3A_177 = vector.shape_cast %swap3A_176 : vector<1x1x16xf32> to vector<16xf32>
      %swap3A_178 = vector.shape_cast %broadcast_in_dim3A_171 : vector<16xf32> to vector<1x1x16xf32>
      tpu.vector_store %arg7[%swap3A_173, %swap3A_174, %swap3A_175], %swap3A_178 {strides = array<i32>} : memref<5x40x128xf32, #tpu.memory_space<vmem>>, vector<1x1x16xf32>,
      %broadcast_in_dim3A_179 = arith.constant 0.000000e+00 : f32
      %broadcast_in_dim3A_180 = vector.broadcast %broadcast_in_dim3A_179 : f32 to vector<16xf32>
      %swap3A_181 = arith.constant 0 : i32
      %swap3A_182 = arith.index_cast %swap3A_181 : i32 to index
      %swap3A_183 = arith.index_cast %scan3A_144 : i32 to index
      %swap3A_184 = arith.constant 64 : index
      %swap3A_185 = tpu.vector_load %arg7[%swap3A_182, %swap3A_183, %swap3A_184] {strides = array<i32>} : memref<5x40x128xf32, #tpu.memory_space<vmem>>, vector<1x1x16xf32>,
      %swap3A_186 = vector.shape_cast %swap3A_185 : vector<1x1x16xf32> to vector<16xf32>
      %swap3A_187 = vector.shape_cast %broadcast_in_dim3A_180 : vector<16xf32> to vector<1x1x16xf32>
      tpu.vector_store %arg7[%swap3A_182, %swap3A_183, %swap3A_184], %swap3A_187 {strides = array<i32>} : memref<5x40x128xf32, #tpu.memory_space<vmem>>, vector<1x1x16xf32>,
      %broadcast_in_dim3A_188 = arith.constant 0.000000e+00 : f32
      %broadcast_in_dim3A_189 = vector.broadcast %broadcast_in_dim3A_188 : f32 to vector<16xf32>
      %swap3A_190 = arith.constant 0 : i32
      %swap3A_191 = arith.index_cast %swap3A_190 : i32 to index
      %swap3A_192 = arith.index_cast %scan3A_144 : i32 to index
      %swap3A_193 = arith.constant 80 : index
      %swap3A_194 = tpu.vector_load %arg7[%swap3A_191, %swap3A_192, %swap3A_193] {strides = array<i32>} : memref<5x40x128xf32, #tpu.memory_space<vmem>>, vector<1x1x16xf32>,
      %swap3A_195 = vector.shape_cast %swap3A_194 : vector<1x1x16xf32> to vector<16xf32>
      %swap3A_196 = vector.shape_cast %broadcast_in_dim3A_189 : vector<16xf32> to vector<1x1x16xf32>
      tpu.vector_store %arg7[%swap3A_191, %swap3A_192, %swap3A_193], %swap3A_196 {strides = array<i32>} : memref<5x40x128xf32, #tpu.memory_space<vmem>>, vector<1x1x16xf32>,
      %broadcast_in_dim3A_197 = arith.constant 0.000000e+00 : f32
      %broadcast_in_dim3A_198 = vector.broadcast %broadcast_in_dim3A_197 : f32 to vector<16xf32>
      %swap3A_199 = arith.constant 0 : i32
      %swap3A_200 = arith.index_cast %swap3A_199 : i32 to index
      %swap3A_201 = arith.index_cast %scan3A_144 : i32 to index
      %swap3A_202 = arith.constant 96 : index
      %swap3A_203 = tpu.vector_load %arg7[%swap3A_200, %swap3A_201, %swap3A_202] {strides = array<i32>} : memref<5x40x128xf32, #tpu.memory_space<vmem>>, vector<1x1x16xf32>,
      %swap3A_204 = vector.shape_cast %swap3A_203 : vector<1x1x16xf32> to vector<16xf32>
      %swap3A_205 = vector.shape_cast %broadcast_in_dim3A_198 : vector<16xf32> to vector<1x1x16xf32>
      tpu.vector_store %arg7[%swap3A_200, %swap3A_201, %swap3A_202], %swap3A_205 {strides = array<i32>} : memref<5x40x128xf32, #tpu.memory_space<vmem>>, vector<1x1x16xf32>,
      %broadcast_in_dim3A_206 = arith.constant 0.000000e+00 : f32
      %broadcast_in_dim3A_207 = vector.broadcast %broadcast_in_dim3A_206 : f32 to vector<16xf32>
      %swap3A_208 = arith.constant 0 : i32
      %swap3A_209 = arith.index_cast %swap3A_208 : i32 to index
      %swap3A_210 = arith.index_cast %scan3A_144 : i32 to index
      %swap3A_211 = arith.constant 112 : index
      %swap3A_212 = tpu.vector_load %arg7[%swap3A_209, %swap3A_210, %swap3A_211] {strides = array<i32>} : memref<5x40x128xf32, #tpu.memory_space<vmem>>, vector<1x1x16xf32>,
      %swap3A_213 = vector.shape_cast %swap3A_212 : vector<1x1x16xf32> to vector<16xf32>
      %swap3A_214 = vector.shape_cast %broadcast_in_dim3A_207 : vector<16xf32> to vector<1x1x16xf32>
      tpu.vector_store %arg7[%swap3A_209, %swap3A_210, %swap3A_211], %swap3A_214 {strides = array<i32>} : memref<5x40x128xf32, #tpu.memory_space<vmem>>, vector<1x1x16xf32>,
    }
    %scan3A_5 = arith.constant 40 : i32
    %run_scoped3A = arith.constant 0 : i32
    "tpu.region"() ({
      %run_scoped3A_144 = tpu.sem_alloc : memref<!tpu.dma_semaphore, #tpu.memory_space<semaphore_mem>>
      %dma_start3A_145 = arith.constant 0 : i32
      %dma_start3A_146 = arith.constant 0 : i32
      %dma_start3A_147 = tpu.memref_slice %arg3[%run_scoped3A, %add3A, %dma_start3A_145, %dma_start3A_146] : memref<2x32x250x40xi32, #tpu.memory_space<hbm>> -> memref<1x1x250x40xi32, #tpu.memory_space<hbm>>
      %dma_start3A_148 = tpu.memref_squeeze %dma_start3A_147 : memref<1x1x250x40xi32, #tpu.memory_space<hbm>> -> memref<250x40xi32, #tpu.memory_space<hbm>>
      %dma_start3A_149 = arith.constant 0 : i32
      %dma_start3A_150 = arith.constant 0 : i32
      %dma_start3A_151 = tpu.memref_slice %arg3[%run_scoped3A, %add3A, %dma_start3A_149, %dma_start3A_150] : memref<2x32x250x40xi32, #tpu.memory_space<hbm>> -> memref<1x1x250x40xi32, #tpu.memory_space<hbm>>
      %dma_start3A_152 = tpu.memref_squeeze %dma_start3A_151 : memref<1x1x250x40xi32, #tpu.memory_space<hbm>> -> memref<250x40xi32, #tpu.memory_space<hbm>>
      tpu.enqueue_dma source(%dma_start3A_152 : memref<250x40xi32, #tpu.memory_space<hbm>>) target(%arg5 : memref<250x40xi32, #tpu.memory_space<vmem>>) target_semaphore(%run_scoped3A_144 : memref<!tpu.dma_semaphore, #tpu.memory_space<semaphore_mem>>)
      %dma_wait3A_153 = arith.constant 0 : i32
      %dma_wait3A_154 = arith.constant 0 : i32
      %dma_wait3A_155 = tpu.memref_slice %arg3[%run_scoped3A, %add3A, %dma_wait3A_153, %dma_wait3A_154] : memref<2x32x250x40xi32, #tpu.memory_space<hbm>> -> memref<1x1x250x40xi32, #tpu.memory_space<hbm>>
      %dma_wait3A_156 = tpu.memref_squeeze %dma_wait3A_155 : memref<1x1x250x40xi32, #tpu.memory_space<hbm>> -> memref<250x40xi32, #tpu.memory_space<hbm>>
      %dma_wait3A_157 = arith.constant 0 : i32
      %dma_wait3A_158 = arith.constant 0 : i32
      %dma_wait3A_159 = tpu.memref_slice %arg3[%run_scoped3A, %add3A, %dma_wait3A_157, %dma_wait3A_158] : memref<2x32x250x40xi32, #tpu.memory_space<hbm>> -> memref<1x1x250x40xi32, #tpu.memory_space<hbm>>
      %dma_wait3A_160 = tpu.memref_squeeze %dma_wait3A_159 : memref<1x1x250x40xi32, #tpu.memory_space<hbm>> -> memref<250x40xi32, #tpu.memory_space<hbm>>
      tpu.wait_dma2 semaphore(%run_scoped3A_144 : memref<!tpu.dma_semaphore, #tpu.memory_space<semaphore_mem>>) src(%dma_wait3A_160 : memref<250x40xi32, #tpu.memory_space<hbm>>) dst(%arg5 : memref<250x40xi32, #tpu.memory_space<vmem>>)
      tpu.yield
    }) : () -> ()
    %run_scoped3A_6 = arith.constant 1 : i32
    "tpu.region"() ({
      %run_scoped3A_144 = tpu.sem_alloc : memref<!tpu.dma_semaphore, #tpu.memory_space<semaphore_mem>>
      %dma_start3A_145 = arith.constant 0 : i32
      %dma_start3A_146 = arith.constant 0 : i32
      %dma_start3A_147 = tpu.memref_slice %arg3[%run_scoped3A_6, %add3A, %dma_start3A_145, %dma_start3A_146] : memref<2x32x250x40xi32, #tpu.memory_space<hbm>> -> memref<1x1x250x40xi32, #tpu.memory_space<hbm>>
      %dma_start3A_148 = tpu.memref_squeeze %dma_start3A_147 : memref<1x1x250x40xi32, #tpu.memory_space<hbm>> -> memref<250x40xi32, #tpu.memory_space<hbm>>
      %dma_start3A_149 = arith.constant 0 : i32
      %dma_start3A_150 = arith.constant 0 : i32
      %dma_start3A_151 = tpu.memref_slice %arg3[%run_scoped3A_6, %add3A, %dma_start3A_149, %dma_start3A_150] : memref<2x32x250x40xi32, #tpu.memory_space<hbm>> -> memref<1x1x250x40xi32, #tpu.memory_space<hbm>>
      %dma_start3A_152 = tpu.memref_squeeze %dma_start3A_151 : memref<1x1x250x40xi32, #tpu.memory_space<hbm>> -> memref<250x40xi32, #tpu.memory_space<hbm>>
      tpu.enqueue_dma source(%dma_start3A_152 : memref<250x40xi32, #tpu.memory_space<hbm>>) target(%arg6 : memref<250x40xi32, #tpu.memory_space<vmem>>) target_semaphore(%run_scoped3A_144 : memref<!tpu.dma_semaphore, #tpu.memory_space<semaphore_mem>>)
      %dma_wait3A_153 = arith.constant 0 : i32
      %dma_wait3A_154 = arith.constant 0 : i32
      %dma_wait3A_155 = tpu.memref_slice %arg3[%run_scoped3A_6, %add3A, %dma_wait3A_153, %dma_wait3A_154] : memref<2x32x250x40xi32, #tpu.memory_space<hbm>> -> memref<1x1x250x40xi32, #tpu.memory_space<hbm>>
      %dma_wait3A_156 = tpu.memref_squeeze %dma_wait3A_155 : memref<1x1x250x40xi32, #tpu.memory_space<hbm>> -> memref<250x40xi32, #tpu.memory_space<hbm>>
      %dma_wait3A_157 = arith.constant 0 : i32
      %dma_wait3A_158 = arith.constant 0 : i32
      %dma_wait3A_159 = tpu.memref_slice %arg3[%run_scoped3A_6, %add3A, %dma_wait3A_157, %dma_wait3A_158] : memref<2x32x250x40xi32, #tpu.memory_space<hbm>> -> memref<1x1x250x40xi32, #tpu.memory_space<hbm>>
      %dma_wait3A_160 = tpu.memref_squeeze %dma_wait3A_159 : memref<1x1x250x40xi32, #tpu.memory_space<hbm>> -> memref<250x40xi32, #tpu.memory_space<hbm>>
      tpu.wait_dma2 semaphore(%run_scoped3A_144 : memref<!tpu.dma_semaphore, #tpu.memory_space<semaphore_mem>>) src(%dma_wait3A_160 : memref<250x40xi32, #tpu.memory_space<hbm>>) dst(%arg6 : memref<250x40xi32, #tpu.memory_space<vmem>>)
      tpu.yield
    }) : () -> ()
    %mul3A_7 = arith.constant 640 : i32
    %mul3A_8 = arith.muli %arg1, %mul3A_7 : i32
    %add3A_9 = arith.constant 0 : i32
    %add3A_10 = arith.addi %mul3A_8, %add3A_9 : i32
    %run_scoped3A_11 = arith.constant 0 : i32
    "tpu.region"() ({
      %run_scoped3A_144 = tpu.sem_alloc : memref<!tpu.dma_semaphore, #tpu.memory_space<semaphore_mem>>
      %dma_start3A_145 = arith.constant 0 : i32
      %dma_start3A_146 = arith.constant 0 : i32
      %dma_start3A_147 = tpu.memref_slice %arg7[%run_scoped3A_11, %dma_start3A_145, %dma_start3A_146] : memref<5x40x128xf32, #tpu.memory_space<vmem>> -> memref<1x40x128xf32, #tpu.memory_space<vmem>>
      %dma_start3A_148 = tpu.memref_squeeze %dma_start3A_147 : memref<1x40x128xf32, #tpu.memory_space<vmem>> -> memref<40x128xf32, #tpu.memory_space<vmem>>
      %dma_start3A_149 = arith.constant 0 : i32
      %dma_start3A_150 = tpu.memref_slice %arg8[%add3A_10, %dma_start3A_149] : memref<10240x128xf32, #tpu.memory_space<vmem_shared>> -> memref<40x128xf32, #tpu.memory_space<vmem_shared>>
      %dma_start3A_151 = arith.constant 0 : i32
      %dma_start3A_152 = tpu.memref_slice %arg8[%add3A_10, %dma_start3A_151] : memref<10240x128xf32, #tpu.memory_space<vmem_shared>> -> memref<40x128xf32, #tpu.memory_space<vmem_shared>>
      %dma_start3A_153 = arith.constant 0 : i32
      %dma_start3A_154 = arith.constant 0 : i32
      %dma_start3A_155 = tpu.memref_slice %arg7[%run_scoped3A_11, %dma_start3A_153, %dma_start3A_154] : memref<5x40x128xf32, #tpu.memory_space<vmem>> -> memref<1x40x128xf32, #tpu.memory_space<vmem>>
      %dma_start3A_156 = tpu.memref_squeeze %dma_start3A_155 : memref<1x40x128xf32, #tpu.memory_space<vmem>> -> memref<40x128xf32, #tpu.memory_space<vmem>>
      tpu.enqueue_dma source(%dma_start3A_156 : memref<40x128xf32, #tpu.memory_space<vmem>>) target(%dma_start3A_152 : memref<40x128xf32, #tpu.memory_space<vmem_shared>>) target_semaphore(%run_scoped3A_144 : memref<!tpu.dma_semaphore, #tpu.memory_space<semaphore_mem>>)
      %dma_wait3A_157 = arith.constant 0 : i32
      %dma_wait3A_158 = arith.constant 0 : i32
      %dma_wait3A_159 = tpu.memref_slice %arg7[%run_scoped3A_11, %dma_wait3A_157, %dma_wait3A_158] : memref<5x40x128xf32, #tpu.memory_space<vmem>> -> memref<1x40x128xf32, #tpu.memory_space<vmem>>
      %dma_wait3A_160 = tpu.memref_squeeze %dma_wait3A_159 : memref<1x40x128xf32, #tpu.memory_space<vmem>> -> memref<40x128xf32, #tpu.memory_space<vmem>>
      %dma_wait3A_161 = arith.constant 0 : i32
      %dma_wait3A_162 = tpu.memref_slice %arg8[%add3A_10, %dma_wait3A_161] : memref<10240x128xf32, #tpu.memory_space<vmem_shared>> -> memref<40x128xf32, #tpu.memory_space<vmem_shared>>
      %dma_wait3A_163 = arith.constant 0 : i32
      %dma_wait3A_164 = tpu.memref_slice %arg8[%add3A_10, %dma_wait3A_163] : memref<10240x128xf32, #tpu.memory_space<vmem_shared>> -> memref<40x128xf32, #tpu.memory_space<vmem_shared>>
      %dma_wait3A_165 = arith.constant 0 : i32
      %dma_wait3A_166 = arith.constant 0 : i32
      %dma_wait3A_167 = tpu.memref_slice %arg7[%run_scoped3A_11, %dma_wait3A_165, %dma_wait3A_166] : memref<5x40x128xf32, #tpu.memory_space<vmem>> -> memref<1x40x128xf32, #tpu.memory_space<vmem>>
      %dma_wait3A_168 = tpu.memref_squeeze %dma_wait3A_167 : memref<1x40x128xf32, #tpu.memory_space<vmem>> -> memref<40x128xf32, #tpu.memory_space<vmem>>
      tpu.wait_dma2 semaphore(%run_scoped3A_144 : memref<!tpu.dma_semaphore, #tpu.memory_space<semaphore_mem>>) src(%dma_wait3A_168 : memref<40x128xf32, #tpu.memory_space<vmem>>) dst(%dma_wait3A_164 : memref<40x128xf32, #tpu.memory_space<vmem_shared>>)
      tpu.yield
    }) : () -> ()
    %mul3A_12 = arith.constant 640 : i32
    %mul3A_13 = arith.muli %arg1, %mul3A_12 : i32
    %add3A_14 = arith.constant 40 : i32
    %add3A_15 = arith.addi %mul3A_13, %add3A_14 : i32
    %run_scoped3A_16 = arith.constant 0 : i32
    "tpu.region"() ({
      %run_scoped3A_144 = tpu.sem_alloc : memref<!tpu.dma_semaphore, #tpu.memory_space<semaphore_mem>>
      %dma_start3A_145 = arith.constant 0 : i32
      %dma_start3A_146 = arith.constant 0 : i32
      %dma_start3A_147 = tpu.memref_slice %arg7[%run_scoped3A_16, %dma_start3A_145, %dma_start3A_146] : memref<5x40x128xf32, #tpu.memory_space<vmem>> -> memref<1x40x128xf32, #tpu.memory_space<vmem>>
      %dma_start3A_148 = tpu.memref_squeeze %dma_start3A_147 : memref<1x40x128xf32, #tpu.memory_space<vmem>> -> memref<40x128xf32, #tpu.memory_space<vmem>>
      %dma_start3A_149 = arith.constant 0 : i32
      %dma_start3A_150 = tpu.memref_slice %arg8[%add3A_15, %dma_start3A_149] : memref<10240x128xf32, #tpu.memory_space<vmem_shared>> -> memref<40x128xf32, #tpu.memory_space<vmem_shared>>
      %dma_start3A_151 = arith.constant 0 : i32
      %dma_start3A_152 = tpu.memref_slice %arg8[%add3A_15, %dma_start3A_151] : memref<10240x128xf32, #tpu.memory_space<vmem_shared>> -> memref<40x128xf32, #tpu.memory_space<vmem_shared>>
      %dma_start3A_153 = arith.constant 0 : i32
      %dma_start3A_154 = arith.constant 0 : i32
      %dma_start3A_155 = tpu.memref_slice %arg7[%run_scoped3A_16, %dma_start3A_153, %dma_start3A_154] : memref<5x40x128xf32, #tpu.memory_space<vmem>> -> memref<1x40x128xf32, #tpu.memory_space<vmem>>
      %dma_start3A_156 = tpu.memref_squeeze %dma_start3A_155 : memref<1x40x128xf32, #tpu.memory_space<vmem>> -> memref<40x128xf32, #tpu.memory_space<vmem>>
      tpu.enqueue_dma source(%dma_start3A_156 : memref<40x128xf32, #tpu.memory_space<vmem>>) target(%dma_start3A_152 : memref<40x128xf32, #tpu.memory_space<vmem_shared>>) target_semaphore(%run_scoped3A_144 : memref<!tpu.dma_semaphore, #tpu.memory_space<semaphore_mem>>)
      %dma_wait3A_157 = arith.constant 0 : i32
      %dma_wait3A_158 = arith.constant 0 : i32
      %dma_wait3A_159 = tpu.memref_slice %arg7[%run_scoped3A_16, %dma_wait3A_157, %dma_wait3A_158] : memref<5x40x128xf32, #tpu.memory_space<vmem>> -> memref<1x40x128xf32, #tpu.memory_space<vmem>>
      %dma_wait3A_160 = tpu.memref_squeeze %dma_wait3A_159 : memref<1x40x128xf32, #tpu.memory_space<vmem>> -> memref<40x128xf32, #tpu.memory_space<vmem>>
      %dma_wait3A_161 = arith.constant 0 : i32
      %dma_wait3A_162 = tpu.memref_slice %arg8[%add3A_15, %dma_wait3A_161] : memref<10240x128xf32, #tpu.memory_space<vmem_shared>> -> memref<40x128xf32, #tpu.memory_space<vmem_shared>>
      %dma_wait3A_163 = arith.constant 0 : i32
      %dma_wait3A_164 = tpu.memref_slice %arg8[%add3A_15, %dma_wait3A_163] : memref<10240x128xf32, #tpu.memory_space<vmem_shared>> -> memref<40x128xf32, #tpu.memory_space<vmem_shared>>
      %dma_wait3A_165 = arith.constant 0 : i32
      %dma_wait3A_166 = arith.constant 0 : i32
      %dma_wait3A_167 = tpu.memref_slice %arg7[%run_scoped3A_16, %dma_wait3A_165, %dma_wait3A_166] : memref<5x40x128xf32, #tpu.memory_space<vmem>> -> memref<1x40x128xf32, #tpu.memory_space<vmem>>
      %dma_wait3A_168 = tpu.memref_squeeze %dma_wait3A_167 : memref<1x40x128xf32, #tpu.memory_space<vmem>> -> memref<40x128xf32, #tpu.memory_space<vmem>>
      tpu.wait_dma2 semaphore(%run_scoped3A_144 : memref<!tpu.dma_semaphore, #tpu.memory_space<semaphore_mem>>) src(%dma_wait3A_168 : memref<40x128xf32, #tpu.memory_space<vmem>>) dst(%dma_wait3A_164 : memref<40x128xf32, #tpu.memory_space<vmem_shared>>)
      tpu.yield
    }) : () -> ()
    %mul3A_17 = arith.constant 640 : i32
    %mul3A_18 = arith.muli %arg1, %mul3A_17 : i32
    %add3A_19 = arith.constant 80 : i32
    %add3A_20 = arith.addi %mul3A_18, %add3A_19 : i32
    %run_scoped3A_21 = arith.constant 0 : i32
    "tpu.region"() ({
      %run_scoped3A_144 = tpu.sem_alloc : memref<!tpu.dma_semaphore, #tpu.memory_space<semaphore_mem>>
      %dma_start3A_145 = arith.constant 0 : i32
      %dma_start3A_146 = arith.constant 0 : i32
      %dma_start3A_147 = tpu.memref_slice %arg7[%run_scoped3A_21, %dma_start3A_145, %dma_start3A_146] : memref<5x40x128xf32, #tpu.memory_space<vmem>> -> memref<1x40x128xf32, #tpu.memory_space<vmem>>
      %dma_start3A_148 = tpu.memref_squeeze %dma_start3A_147 : memref<1x40x128xf32, #tpu.memory_space<vmem>> -> memref<40x128xf32, #tpu.memory_space<vmem>>
      %dma_start3A_149 = arith.constant 0 : i32
      %dma_start3A_150 = tpu.memref_slice %arg8[%add3A_20, %dma_start3A_149] : memref<10240x128xf32, #tpu.memory_space<vmem_shared>> -> memref<40x128xf32, #tpu.memory_space<vmem_shared>>
      %dma_start3A_151 = arith.constant 0 : i32
      %dma_start3A_152 = tpu.memref_slice %arg8[%add3A_20, %dma_start3A_151] : memref<10240x128xf32, #tpu.memory_space<vmem_shared>> -> memref<40x128xf32, #tpu.memory_space<vmem_shared>>
      %dma_start3A_153 = arith.constant 0 : i32
      %dma_start3A_154 = arith.constant 0 : i32
      %dma_start3A_155 = tpu.memref_slice %arg7[%run_scoped3A_21, %dma_start3A_153, %dma_start3A_154] : memref<5x40x128xf32, #tpu.memory_space<vmem>> -> memref<1x40x128xf32, #tpu.memory_space<vmem>>
      %dma_start3A_156 = tpu.memref_squeeze %dma_start3A_155 : memref<1x40x128xf32, #tpu.memory_space<vmem>> -> memref<40x128xf32, #tpu.memory_space<vmem>>
      tpu.enqueue_dma source(%dma_start3A_156 : memref<40x128xf32, #tpu.memory_space<vmem>>) target(%dma_start3A_152 : memref<40x128xf32, #tpu.memory_space<vmem_shared>>) target_semaphore(%run_scoped3A_144 : memref<!tpu.dma_semaphore, #tpu.memory_space<semaphore_mem>>)
      %dma_wait3A_157 = arith.constant 0 : i32
      %dma_wait3A_158 = arith.constant 0 : i32
      %dma_wait3A_159 = tpu.memref_slice %arg7[%run_scoped3A_21, %dma_wait3A_157, %dma_wait3A_158] : memref<5x40x128xf32, #tpu.memory_space<vmem>> -> memref<1x40x128xf32, #tpu.memory_space<vmem>>
      %dma_wait3A_160 = tpu.memref_squeeze %dma_wait3A_159 : memref<1x40x128xf32, #tpu.memory_space<vmem>> -> memref<40x128xf32, #tpu.memory_space<vmem>>
      %dma_wait3A_161 = arith.constant 0 : i32
      %dma_wait3A_162 = tpu.memref_slice %arg8[%add3A_20, %dma_wait3A_161] : memref<10240x128xf32, #tpu.memory_space<vmem_shared>> -> memref<40x128xf32, #tpu.memory_space<vmem_shared>>
      %dma_wait3A_163 = arith.constant 0 : i32
      %dma_wait3A_164 = tpu.memref_slice %arg8[%add3A_20, %dma_wait3A_163] : memref<10240x128xf32, #tpu.memory_space<vmem_shared>> -> memref<40x128xf32, #tpu.memory_space<vmem_shared>>
      %dma_wait3A_165 = arith.constant 0 : i32
      %dma_wait3A_166 = arith.constant 0 : i32
      %dma_wait3A_167 = tpu.memref_slice %arg7[%run_scoped3A_21, %dma_wait3A_165, %dma_wait3A_166] : memref<5x40x128xf32, #tpu.memory_space<vmem>> -> memref<1x40x128xf32, #tpu.memory_space<vmem>>
      %dma_wait3A_168 = tpu.memref_squeeze %dma_wait3A_167 : memref<1x40x128xf32, #tpu.memory_space<vmem>> -> memref<40x128xf32, #tpu.memory_space<vmem>>
      tpu.wait_dma2 semaphore(%run_scoped3A_144 : memref<!tpu.dma_semaphore, #tpu.memory_space<semaphore_mem>>) src(%dma_wait3A_168 : memref<40x128xf32, #tpu.memory_space<vmem>>) dst(%dma_wait3A_164 : memref<40x128xf32, #tpu.memory_space<vmem_shared>>)
      tpu.yield
    }) : () -> ()
    %mul3A_22 = arith.constant 640 : i32
    %mul3A_23 = arith.muli %arg1, %mul3A_22 : i32
    %add3A_24 = arith.constant 120 : i32
    %add3A_25 = arith.addi %mul3A_23, %add3A_24 : i32
    %run_scoped3A_26 = arith.constant 0 : i32
    "tpu.region"() ({
      %run_scoped3A_144 = tpu.sem_alloc : memref<!tpu.dma_semaphore, #tpu.memory_space<semaphore_mem>>
      %dma_start3A_145 = arith.constant 0 : i32
      %dma_start3A_146 = arith.constant 0 : i32
      %dma_start3A_147 = tpu.memref_slice %arg7[%run_scoped3A_26, %dma_start3A_145, %dma_start3A_146] : memref<5x40x128xf32, #tpu.memory_space<vmem>> -> memref<1x40x128xf32, #tpu.memory_space<vmem>>
      %dma_start3A_148 = tpu.memref_squeeze %dma_start3A_147 : memref<1x40x128xf32, #tpu.memory_space<vmem>> -> memref<40x128xf32, #tpu.memory_space<vmem>>
      %dma_start3A_149 = arith.constant 0 : i32
      %dma_start3A_150 = tpu.memref_slice %arg8[%add3A_25, %dma_start3A_149] : memref<10240x128xf32, #tpu.memory_space<vmem_shared>> -> memref<40x128xf32, #tpu.memory_space<vmem_shared>>
      %dma_start3A_151 = arith.constant 0 : i32
      %dma_start3A_152 = tpu.memref_slice %arg8[%add3A_25, %dma_start3A_151] : memref<10240x128xf32, #tpu.memory_space<vmem_shared>> -> memref<40x128xf32, #tpu.memory_space<vmem_shared>>
      %dma_start3A_153 = arith.constant 0 : i32
      %dma_start3A_154 = arith.constant 0 : i32
      %dma_start3A_155 = tpu.memref_slice %arg7[%run_scoped3A_26, %dma_start3A_153, %dma_start3A_154] : memref<5x40x128xf32, #tpu.memory_space<vmem>> -> memref<1x40x128xf32, #tpu.memory_space<vmem>>
      %dma_start3A_156 = tpu.memref_squeeze %dma_start3A_155 : memref<1x40x128xf32, #tpu.memory_space<vmem>> -> memref<40x128xf32, #tpu.memory_space<vmem>>
      tpu.enqueue_dma source(%dma_start3A_156 : memref<40x128xf32, #tpu.memory_space<vmem>>) target(%dma_start3A_152 : memref<40x128xf32, #tpu.memory_space<vmem_shared>>) target_semaphore(%run_scoped3A_144 : memref<!tpu.dma_semaphore, #tpu.memory_space<semaphore_mem>>)
      %dma_wait3A_157 = arith.constant 0 : i32
      %dma_wait3A_158 = arith.constant 0 : i32
      %dma_wait3A_159 = tpu.memref_slice %arg7[%run_scoped3A_26, %dma_wait3A_157, %dma_wait3A_158] : memref<5x40x128xf32, #tpu.memory_space<vmem>> -> memref<1x40x128xf32, #tpu.memory_space<vmem>>
      %dma_wait3A_160 = tpu.memref_squeeze %dma_wait3A_159 : memref<1x40x128xf32, #tpu.memory_space<vmem>> -> memref<40x128xf32, #tpu.memory_space<vmem>>
      %dma_wait3A_161 = arith.constant 0 : i32
      %dma_wait3A_162 = tpu.memref_slice %arg8[%add3A_25, %dma_wait3A_161] : memref<10240x128xf32, #tpu.memory_space<vmem_shared>> -> memref<40x128xf32, #tpu.memory_space<vmem_shared>>
      %dma_wait3A_163 = arith.constant 0 : i32
      %dma_wait3A_164 = tpu.memref_slice %arg8[%add3A_25, %dma_wait3A_163] : memref<10240x128xf32, #tpu.memory_space<vmem_shared>> -> memref<40x128xf32, #tpu.memory_space<vmem_shared>>
      %dma_wait3A_165 = arith.constant 0 : i32
      %dma_wait3A_166 = arith.constant 0 : i32
      %dma_wait3A_167 = tpu.memref_slice %arg7[%run_scoped3A_26, %dma_wait3A_165, %dma_wait3A_166] : memref<5x40x128xf32, #tpu.memory_space<vmem>> -> memref<1x40x128xf32, #tpu.memory_space<vmem>>
      %dma_wait3A_168 = tpu.memref_squeeze %dma_wait3A_167 : memref<1x40x128xf32, #tpu.memory_space<vmem>> -> memref<40x128xf32, #tpu.memory_space<vmem>>
      tpu.wait_dma2 semaphore(%run_scoped3A_144 : memref<!tpu.dma_semaphore, #tpu.memory_space<semaphore_mem>>) src(%dma_wait3A_168 : memref<40x128xf32, #tpu.memory_space<vmem>>) dst(%dma_wait3A_164 : memref<40x128xf32, #tpu.memory_space<vmem_shared>>)
      tpu.yield
    }) : () -> ()
    %mul3A_27 = arith.constant 640 : i32
    %mul3A_28 = arith.muli %arg1, %mul3A_27 : i32
    %add3A_29 = arith.constant 160 : i32
    %add3A_30 = arith.addi %mul3A_28, %add3A_29 : i32
    %run_scoped3A_31 = arith.constant 0 : i32
    "tpu.region"() ({
      %run_scoped3A_144 = tpu.sem_alloc : memref<!tpu.dma_semaphore, #tpu.memory_space<semaphore_mem>>
      %dma_start3A_145 = arith.constant 0 : i32
      %dma_start3A_146 = arith.constant 0 : i32
      %dma_start3A_147 = tpu.memref_slice %arg7[%run_scoped3A_31, %dma_start3A_145, %dma_start3A_146] : memref<5x40x128xf32, #tpu.memory_space<vmem>> -> memref<1x40x128xf32, #tpu.memory_space<vmem>>
      %dma_start3A_148 = tpu.memref_squeeze %dma_start3A_147 : memref<1x40x128xf32, #tpu.memory_space<vmem>> -> memref<40x128xf32, #tpu.memory_space<vmem>>
      %dma_start3A_149 = arith.constant 0 : i32
      %dma_start3A_150 = tpu.memref_slice %arg8[%add3A_30, %dma_start3A_149] : memref<10240x128xf32, #tpu.memory_space<vmem_shared>> -> memref<40x128xf32, #tpu.memory_space<vmem_shared>>
      %dma_start3A_151 = arith.constant 0 : i32
      %dma_start3A_152 = tpu.memref_slice %arg8[%add3A_30, %dma_start3A_151] : memref<10240x128xf32, #tpu.memory_space<vmem_shared>> -> memref<40x128xf32, #tpu.memory_space<vmem_shared>>
      %dma_start3A_153 = arith.constant 0 : i32
      %dma_start3A_154 = arith.constant 0 : i32
      %dma_start3A_155 = tpu.memref_slice %arg7[%run_scoped3A_31, %dma_start3A_153, %dma_start3A_154] : memref<5x40x128xf32, #tpu.memory_space<vmem>> -> memref<1x40x128xf32, #tpu.memory_space<vmem>>
      %dma_start3A_156 = tpu.memref_squeeze %dma_start3A_155 : memref<1x40x128xf32, #tpu.memory_space<vmem>> -> memref<40x128xf32, #tpu.memory_space<vmem>>
      tpu.enqueue_dma source(%dma_start3A_156 : memref<40x128xf32, #tpu.memory_space<vmem>>) target(%dma_start3A_152 : memref<40x128xf32, #tpu.memory_space<vmem_shared>>) target_semaphore(%run_scoped3A_144 : memref<!tpu.dma_semaphore, #tpu.memory_space<semaphore_mem>>)
      %dma_wait3A_157 = arith.constant 0 : i32
      %dma_wait3A_158 = arith.constant 0 : i32
      %dma_wait3A_159 = tpu.memref_slice %arg7[%run_scoped3A_31, %dma_wait3A_157, %dma_wait3A_158] : memref<5x40x128xf32, #tpu.memory_space<vmem>> -> memref<1x40x128xf32, #tpu.memory_space<vmem>>
      %dma_wait3A_160 = tpu.memref_squeeze %dma_wait3A_159 : memref<1x40x128xf32, #tpu.memory_space<vmem>> -> memref<40x128xf32, #tpu.memory_space<vmem>>
      %dma_wait3A_161 = arith.constant 0 : i32
      %dma_wait3A_162 = tpu.memref_slice %arg8[%add3A_30, %dma_wait3A_161] : memref<10240x128xf32, #tpu.memory_space<vmem_shared>> -> memref<40x128xf32, #tpu.memory_space<vmem_shared>>
      %dma_wait3A_163 = arith.constant 0 : i32
      %dma_wait3A_164 = tpu.memref_slice %arg8[%add3A_30, %dma_wait3A_163] : memref<10240x128xf32, #tpu.memory_space<vmem_shared>> -> memref<40x128xf32, #tpu.memory_space<vmem_shared>>
      %dma_wait3A_165 = arith.constant 0 : i32
      %dma_wait3A_166 = arith.constant 0 : i32
      %dma_wait3A_167 = tpu.memref_slice %arg7[%run_scoped3A_31, %dma_wait3A_165, %dma_wait3A_166] : memref<5x40x128xf32, #tpu.memory_space<vmem>> -> memref<1x40x128xf32, #tpu.memory_space<vmem>>
      %dma_wait3A_168 = tpu.memref_squeeze %dma_wait3A_167 : memref<1x40x128xf32, #tpu.memory_space<vmem>> -> memref<40x128xf32, #tpu.memory_space<vmem>>
      tpu.wait_dma2 semaphore(%run_scoped3A_144 : memref<!tpu.dma_semaphore, #tpu.memory_space<semaphore_mem>>) src(%dma_wait3A_168 : memref<40x128xf32, #tpu.memory_space<vmem>>) dst(%dma_wait3A_164 : memref<40x128xf32, #tpu.memory_space<vmem_shared>>)
      tpu.yield
    }) : () -> ()
    %mul3A_32 = arith.constant 640 : i32
    %mul3A_33 = arith.muli %arg1, %mul3A_32 : i32
    %add3A_34 = arith.constant 200 : i32
    %add3A_35 = arith.addi %mul3A_33, %add3A_34 : i32
    %run_scoped3A_36 = arith.constant 0 : i32
    "tpu.region"() ({
      %run_scoped3A_144 = tpu.sem_alloc : memref<!tpu.dma_semaphore, #tpu.memory_space<semaphore_mem>>
      %dma_start3A_145 = arith.constant 0 : i32
      %dma_start3A_146 = arith.constant 0 : i32
      %dma_start3A_147 = tpu.memref_slice %arg7[%run_scoped3A_36, %dma_start3A_145, %dma_start3A_146] : memref<5x40x128xf32, #tpu.memory_space<vmem>> -> memref<1x40x128xf32, #tpu.memory_space<vmem>>
      %dma_start3A_148 = tpu.memref_squeeze %dma_start3A_147 : memref<1x40x128xf32, #tpu.memory_space<vmem>> -> memref<40x128xf32, #tpu.memory_space<vmem>>
      %dma_start3A_149 = arith.constant 0 : i32
      %dma_start3A_150 = tpu.memref_slice %arg8[%add3A_35, %dma_start3A_149] : memref<10240x128xf32, #tpu.memory_space<vmem_shared>> -> memref<40x128xf32, #tpu.memory_space<vmem_shared>>
      %dma_start3A_151 = arith.constant 0 : i32
      %dma_start3A_152 = tpu.memref_slice %arg8[%add3A_35, %dma_start3A_151] : memref<10240x128xf32, #tpu.memory_space<vmem_shared>> -> memref<40x128xf32, #tpu.memory_space<vmem_shared>>
      %dma_start3A_153 = arith.constant 0 : i32
      %dma_start3A_154 = arith.constant 0 : i32
      %dma_start3A_155 = tpu.memref_slice %arg7[%run_scoped3A_36, %dma_start3A_153, %dma_start3A_154] : memref<5x40x128xf32, #tpu.memory_space<vmem>> -> memref<1x40x128xf32, #tpu.memory_space<vmem>>
      %dma_start3A_156 = tpu.memref_squeeze %dma_start3A_155 : memref<1x40x128xf32, #tpu.memory_space<vmem>> -> memref<40x128xf32, #tpu.memory_space<vmem>>
      tpu.enqueue_dma source(%dma_start3A_156 : memref<40x128xf32, #tpu.memory_space<vmem>>) target(%dma_start3A_152 : memref<40x128xf32, #tpu.memory_space<vmem_shared>>) target_semaphore(%run_scoped3A_144 : memref<!tpu.dma_semaphore, #tpu.memory_space<semaphore_mem>>)
      %dma_wait3A_157 = arith.constant 0 : i32
      %dma_wait3A_158 = arith.constant 0 : i32
      %dma_wait3A_159 = tpu.memref_slice %arg7[%run_scoped3A_36, %dma_wait3A_157, %dma_wait3A_158] : memref<5x40x128xf32, #tpu.memory_space<vmem>> -> memref<1x40x128xf32, #tpu.memory_space<vmem>>
      %dma_wait3A_160 = tpu.memref_squeeze %dma_wait3A_159 : memref<1x40x128xf32, #tpu.memory_space<vmem>> -> memref<40x128xf32, #tpu.memory_space<vmem>>
      %dma_wait3A_161 = arith.constant 0 : i32
      %dma_wait3A_162 = tpu.memref_slice %arg8[%add3A_35, %dma_wait3A_161] : memref<10240x128xf32, #tpu.memory_space<vmem_shared>> -> memref<40x128xf32, #tpu.memory_space<vmem_shared>>
      %dma_wait3A_163 = arith.constant 0 : i32
      %dma_wait3A_164 = tpu.memref_slice %arg8[%add3A_35, %dma_wait3A_163] : memref<10240x128xf32, #tpu.memory_space<vmem_shared>> -> memref<40x128xf32, #tpu.memory_space<vmem_shared>>
      %dma_wait3A_165 = arith.constant 0 : i32
      %dma_wait3A_166 = arith.constant 0 : i32
      %dma_wait3A_167 = tpu.memref_slice %arg7[%run_scoped3A_36, %dma_wait3A_165, %dma_wait3A_166] : memref<5x40x128xf32, #tpu.memory_space<vmem>> -> memref<1x40x128xf32, #tpu.memory_space<vmem>>
      %dma_wait3A_168 = tpu.memref_squeeze %dma_wait3A_167 : memref<1x40x128xf32, #tpu.memory_space<vmem>> -> memref<40x128xf32, #tpu.memory_space<vmem>>
      tpu.wait_dma2 semaphore(%run_scoped3A_144 : memref<!tpu.dma_semaphore, #tpu.memory_space<semaphore_mem>>) src(%dma_wait3A_168 : memref<40x128xf32, #tpu.memory_space<vmem>>) dst(%dma_wait3A_164 : memref<40x128xf32, #tpu.memory_space<vmem_shared>>)
      tpu.yield
    }) : () -> ()
    %mul3A_37 = arith.constant 640 : i32
    %mul3A_38 = arith.muli %arg1, %mul3A_37 : i32
    %add3A_39 = arith.constant 240 : i32
    %add3A_40 = arith.addi %mul3A_38, %add3A_39 : i32
    %run_scoped3A_41 = arith.constant 0 : i32
    "tpu.region"() ({
      %run_scoped3A_144 = tpu.sem_alloc : memref<!tpu.dma_semaphore, #tpu.memory_space<semaphore_mem>>
      %dma_start3A_145 = arith.constant 0 : i32
      %dma_start3A_146 = arith.constant 0 : i32
      %dma_start3A_147 = tpu.memref_slice %arg7[%run_scoped3A_41, %dma_start3A_145, %dma_start3A_146] : memref<5x40x128xf32, #tpu.memory_space<vmem>> -> memref<1x40x128xf32, #tpu.memory_space<vmem>>
      %dma_start3A_148 = tpu.memref_squeeze %dma_start3A_147 : memref<1x40x128xf32, #tpu.memory_space<vmem>> -> memref<40x128xf32, #tpu.memory_space<vmem>>
      %dma_start3A_149 = arith.constant 0 : i32
      %dma_start3A_150 = tpu.memref_slice %arg8[%add3A_40, %dma_start3A_149] : memref<10240x128xf32, #tpu.memory_space<vmem_shared>> -> memref<40x128xf32, #tpu.memory_space<vmem_shared>>
      %dma_start3A_151 = arith.constant 0 : i32
      %dma_start3A_152 = tpu.memref_slice %arg8[%add3A_40, %dma_start3A_151] : memref<10240x128xf32, #tpu.memory_space<vmem_shared>> -> memref<40x128xf32, #tpu.memory_space<vmem_shared>>
      %dma_start3A_153 = arith.constant 0 : i32
      %dma_start3A_154 = arith.constant 0 : i32
      %dma_start3A_155 = tpu.memref_slice %arg7[%run_scoped3A_41, %dma_start3A_153, %dma_start3A_154] : memref<5x40x128xf32, #tpu.memory_space<vmem>> -> memref<1x40x128xf32, #tpu.memory_space<vmem>>
      %dma_start3A_156 = tpu.memref_squeeze %dma_start3A_155 : memref<1x40x128xf32, #tpu.memory_space<vmem>> -> memref<40x128xf32, #tpu.memory_space<vmem>>
      tpu.enqueue_dma source(%dma_start3A_156 : memref<40x128xf32, #tpu.memory_space<vmem>>) target(%dma_start3A_152 : memref<40x128xf32, #tpu.memory_space<vmem_shared>>) target_semaphore(%run_scoped3A_144 : memref<!tpu.dma_semaphore, #tpu.memory_space<semaphore_mem>>)
      %dma_wait3A_157 = arith.constant 0 : i32
      %dma_wait3A_158 = arith.constant 0 : i32
      %dma_wait3A_159 = tpu.memref_slice %arg7[%run_scoped3A_41, %dma_wait3A_157, %dma_wait3A_158] : memref<5x40x128xf32, #tpu.memory_space<vmem>> -> memref<1x40x128xf32, #tpu.memory_space<vmem>>
      %dma_wait3A_160 = tpu.memref_squeeze %dma_wait3A_159 : memref<1x40x128xf32, #tpu.memory_space<vmem>> -> memref<40x128xf32, #tpu.memory_space<vmem>>
      %dma_wait3A_161 = arith.constant 0 : i32
      %dma_wait3A_162 = tpu.memref_slice %arg8[%add3A_40, %dma_wait3A_161] : memref<10240x128xf32, #tpu.memory_space<vmem_shared>> -> memref<40x128xf32, #tpu.memory_space<vmem_shared>>
      %dma_wait3A_163 = arith.constant 0 : i32
      %dma_wait3A_164 = tpu.memref_slice %arg8[%add3A_40, %dma_wait3A_163] : memref<10240x128xf32, #tpu.memory_space<vmem_shared>> -> memref<40x128xf32, #tpu.memory_space<vmem_shared>>
      %dma_wait3A_165 = arith.constant 0 : i32
      %dma_wait3A_166 = arith.constant 0 : i32
      %dma_wait3A_167 = tpu.memref_slice %arg7[%run_scoped3A_41, %dma_wait3A_165, %dma_wait3A_166] : memref<5x40x128xf32, #tpu.memory_space<vmem>> -> memref<1x40x128xf32, #tpu.memory_space<vmem>>
      %dma_wait3A_168 = tpu.memref_squeeze %dma_wait3A_167 : memref<1x40x128xf32, #tpu.memory_space<vmem>> -> memref<40x128xf32, #tpu.memory_space<vmem>>
      tpu.wait_dma2 semaphore(%run_scoped3A_144 : memref<!tpu.dma_semaphore, #tpu.memory_space<semaphore_mem>>) src(%dma_wait3A_168 : memref<40x128xf32, #tpu.memory_space<vmem>>) dst(%dma_wait3A_164 : memref<40x128xf32, #tpu.memory_space<vmem_shared>>)
      tpu.yield
    }) : () -> ()
    %mul3A_42 = arith.constant 640 : i32
    %mul3A_43 = arith.muli %arg1, %mul3A_42 : i32
    %add3A_44 = arith.constant 280 : i32
    %add3A_45 = arith.addi %mul3A_43, %add3A_44 : i32
    %run_scoped3A_46 = arith.constant 0 : i32
    "tpu.region"() ({
      %run_scoped3A_144 = tpu.sem_alloc : memref<!tpu.dma_semaphore, #tpu.memory_space<semaphore_mem>>
      %dma_start3A_145 = arith.constant 0 : i32
      %dma_start3A_146 = arith.constant 0 : i32
      %dma_start3A_147 = tpu.memref_slice %arg7[%run_scoped3A_46, %dma_start3A_145, %dma_start3A_146] : memref<5x40x128xf32, #tpu.memory_space<vmem>> -> memref<1x40x128xf32, #tpu.memory_space<vmem>>
      %dma_start3A_148 = tpu.memref_squeeze %dma_start3A_147 : memref<1x40x128xf32, #tpu.memory_space<vmem>> -> memref<40x128xf32, #tpu.memory_space<vmem>>
      %dma_start3A_149 = arith.constant 0 : i32
      %dma_start3A_150 = tpu.memref_slice %arg8[%add3A_45, %dma_start3A_149] : memref<10240x128xf32, #tpu.memory_space<vmem_shared>> -> memref<40x128xf32, #tpu.memory_space<vmem_shared>>
      %dma_start3A_151 = arith.constant 0 : i32
      %dma_start3A_152 = tpu.memref_slice %arg8[%add3A_45, %dma_start3A_151] : memref<10240x128xf32, #tpu.memory_space<vmem_shared>> -> memref<40x128xf32, #tpu.memory_space<vmem_shared>>
      %dma_start3A_153 = arith.constant 0 : i32
      %dma_start3A_154 = arith.constant 0 : i32
      %dma_start3A_155 = tpu.memref_slice %arg7[%run_scoped3A_46, %dma_start3A_153, %dma_start3A_154] : memref<5x40x128xf32, #tpu.memory_space<vmem>> -> memref<1x40x128xf32, #tpu.memory_space<vmem>>
      %dma_start3A_156 = tpu.memref_squeeze %dma_start3A_155 : memref<1x40x128xf32, #tpu.memory_space<vmem>> -> memref<40x128xf32, #tpu.memory_space<vmem>>
      tpu.enqueue_dma source(%dma_start3A_156 : memref<40x128xf32, #tpu.memory_space<vmem>>) target(%dma_start3A_152 : memref<40x128xf32, #tpu.memory_space<vmem_shared>>) target_semaphore(%run_scoped3A_144 : memref<!tpu.dma_semaphore, #tpu.memory_space<semaphore_mem>>)
      %dma_wait3A_157 = arith.constant 0 : i32
      %dma_wait3A_158 = arith.constant 0 : i32
      %dma_wait3A_159 = tpu.memref_slice %arg7[%run_scoped3A_46, %dma_wait3A_157, %dma_wait3A_158] : memref<5x40x128xf32, #tpu.memory_space<vmem>> -> memref<1x40x128xf32, #tpu.memory_space<vmem>>
      %dma_wait3A_160 = tpu.memref_squeeze %dma_wait3A_159 : memref<1x40x128xf32, #tpu.memory_space<vmem>> -> memref<40x128xf32, #tpu.memory_space<vmem>>
      %dma_wait3A_161 = arith.constant 0 : i32
      %dma_wait3A_162 = tpu.memref_slice %arg8[%add3A_45, %dma_wait3A_161] : memref<10240x128xf32, #tpu.memory_space<vmem_shared>> -> memref<40x128xf32, #tpu.memory_space<vmem_shared>>
      %dma_wait3A_163 = arith.constant 0 : i32
      %dma_wait3A_164 = tpu.memref_slice %arg8[%add3A_45, %dma_wait3A_163] : memref<10240x128xf32, #tpu.memory_space<vmem_shared>> -> memref<40x128xf32, #tpu.memory_space<vmem_shared>>
      %dma_wait3A_165 = arith.constant 0 : i32
      %dma_wait3A_166 = arith.constant 0 : i32
      %dma_wait3A_167 = tpu.memref_slice %arg7[%run_scoped3A_46, %dma_wait3A_165, %dma_wait3A_166] : memref<5x40x128xf32, #tpu.memory_space<vmem>> -> memref<1x40x128xf32, #tpu.memory_space<vmem>>
      %dma_wait3A_168 = tpu.memref_squeeze %dma_wait3A_167 : memref<1x40x128xf32, #tpu.memory_space<vmem>> -> memref<40x128xf32, #tpu.memory_space<vmem>>
      tpu.wait_dma2 semaphore(%run_scoped3A_144 : memref<!tpu.dma_semaphore, #tpu.memory_space<semaphore_mem>>) src(%dma_wait3A_168 : memref<40x128xf32, #tpu.memory_space<vmem>>) dst(%dma_wait3A_164 : memref<40x128xf32, #tpu.memory_space<vmem_shared>>)
      tpu.yield
    }) : () -> ()
    %mul3A_47 = arith.constant 640 : i32
    %mul3A_48 = arith.muli %arg1, %mul3A_47 : i32
    %add3A_49 = arith.constant 320 : i32
    %add3A_50 = arith.addi %mul3A_48, %add3A_49 : i32
    %run_scoped3A_51 = arith.constant 0 : i32
    "tpu.region"() ({
      %run_scoped3A_144 = tpu.sem_alloc : memref<!tpu.dma_semaphore, #tpu.memory_space<semaphore_mem>>
      %dma_start3A_145 = arith.constant 0 : i32
      %dma_start3A_146 = arith.constant 0 : i32
      %dma_start3A_147 = tpu.memref_slice %arg7[%run_scoped3A_51, %dma_start3A_145, %dma_start3A_146] : memref<5x40x128xf32, #tpu.memory_space<vmem>> -> memref<1x40x128xf32, #tpu.memory_space<vmem>>
      %dma_start3A_148 = tpu.memref_squeeze %dma_start3A_147 : memref<1x40x128xf32, #tpu.memory_space<vmem>> -> memref<40x128xf32, #tpu.memory_space<vmem>>
      %dma_start3A_149 = arith.constant 0 : i32
      %dma_start3A_150 = tpu.memref_slice %arg8[%add3A_50, %dma_start3A_149] : memref<10240x128xf32, #tpu.memory_space<vmem_shared>> -> memref<40x128xf32, #tpu.memory_space<vmem_shared>>
      %dma_start3A_151 = arith.constant 0 : i32
      %dma_start3A_152 = tpu.memref_slice %arg8[%add3A_50, %dma_start3A_151] : memref<10240x128xf32, #tpu.memory_space<vmem_shared>> -> memref<40x128xf32, #tpu.memory_space<vmem_shared>>
      %dma_start3A_153 = arith.constant 0 : i32
      %dma_start3A_154 = arith.constant 0 : i32
      %dma_start3A_155 = tpu.memref_slice %arg7[%run_scoped3A_51, %dma_start3A_153, %dma_start3A_154] : memref<5x40x128xf32, #tpu.memory_space<vmem>> -> memref<1x40x128xf32, #tpu.memory_space<vmem>>
      %dma_start3A_156 = tpu.memref_squeeze %dma_start3A_155 : memref<1x40x128xf32, #tpu.memory_space<vmem>> -> memref<40x128xf32, #tpu.memory_space<vmem>>
      tpu.enqueue_dma source(%dma_start3A_156 : memref<40x128xf32, #tpu.memory_space<vmem>>) target(%dma_start3A_152 : memref<40x128xf32, #tpu.memory_space<vmem_shared>>) target_semaphore(%run_scoped3A_144 : memref<!tpu.dma_semaphore, #tpu.memory_space<semaphore_mem>>)
      %dma_wait3A_157 = arith.constant 0 : i32
      %dma_wait3A_158 = arith.constant 0 : i32
      %dma_wait3A_159 = tpu.memref_slice %arg7[%run_scoped3A_51, %dma_wait3A_157, %dma_wait3A_158] : memref<5x40x128xf32, #tpu.memory_space<vmem>> -> memref<1x40x128xf32, #tpu.memory_space<vmem>>
      %dma_wait3A_160 = tpu.memref_squeeze %dma_wait3A_159 : memref<1x40x128xf32, #tpu.memory_space<vmem>> -> memref<40x128xf32, #tpu.memory_space<vmem>>
      %dma_wait3A_161 = arith.constant 0 : i32
      %dma_wait3A_162 = tpu.memref_slice %arg8[%add3A_50, %dma_wait3A_161] : memref<10240x128xf32, #tpu.memory_space<vmem_shared>> -> memref<40x128xf32, #tpu.memory_space<vmem_shared>>
      %dma_wait3A_163 = arith.constant 0 : i32
      %dma_wait3A_164 = tpu.memref_slice %arg8[%add3A_50, %dma_wait3A_163] : memref<10240x128xf32, #tpu.memory_space<vmem_shared>> -> memref<40x128xf32, #tpu.memory_space<vmem_shared>>
      %dma_wait3A_165 = arith.constant 0 : i32
      %dma_wait3A_166 = arith.constant 0 : i32
      %dma_wait3A_167 = tpu.memref_slice %arg7[%run_scoped3A_51, %dma_wait3A_165, %dma_wait3A_166] : memref<5x40x128xf32, #tpu.memory_space<vmem>> -> memref<1x40x128xf32, #tpu.memory_space<vmem>>
      %dma_wait3A_168 = tpu.memref_squeeze %dma_wait3A_167 : memref<1x40x128xf32, #tpu.memory_space<vmem>> -> memref<40x128xf32, #tpu.memory_space<vmem>>
      tpu.wait_dma2 semaphore(%run_scoped3A_144 : memref<!tpu.dma_semaphore, #tpu.memory_space<semaphore_mem>>) src(%dma_wait3A_168 : memref<40x128xf32, #tpu.memory_space<vmem>>) dst(%dma_wait3A_164 : memref<40x128xf32, #tpu.memory_space<vmem_shared>>)
      tpu.yield
    }) : () -> ()
    %mul3A_52 = arith.constant 640 : i32
    %mul3A_53 = arith.muli %arg1, %mul3A_52 : i32
    %add3A_54 = arith.constant 360 : i32
    %add3A_55 = arith.addi %mul3A_53, %add3A_54 : i32
    %run_scoped3A_56 = arith.constant 0 : i32
    "tpu.region"() ({
      %run_scoped3A_144 = tpu.sem_alloc : memref<!tpu.dma_semaphore, #tpu.memory_space<semaphore_mem>>
      %dma_start3A_145 = arith.constant 0 : i32
      %dma_start3A_146 = arith.constant 0 : i32
      %dma_start3A_147 = tpu.memref_slice %arg7[%run_scoped3A_56, %dma_start3A_145, %dma_start3A_146] : memref<5x40x128xf32, #tpu.memory_space<vmem>> -> memref<1x40x128xf32, #tpu.memory_space<vmem>>
      %dma_start3A_148 = tpu.memref_squeeze %dma_start3A_147 : memref<1x40x128xf32, #tpu.memory_space<vmem>> -> memref<40x128xf32, #tpu.memory_space<vmem>>
      %dma_start3A_149 = arith.constant 0 : i32
      %dma_start3A_150 = tpu.memref_slice %arg8[%add3A_55, %dma_start3A_149] : memref<10240x128xf32, #tpu.memory_space<vmem_shared>> -> memref<40x128xf32, #tpu.memory_space<vmem_shared>>
      %dma_start3A_151 = arith.constant 0 : i32
      %dma_start3A_152 = tpu.memref_slice %arg8[%add3A_55, %dma_start3A_151] : memref<10240x128xf32, #tpu.memory_space<vmem_shared>> -> memref<40x128xf32, #tpu.memory_space<vmem_shared>>
      %dma_start3A_153 = arith.constant 0 : i32
      %dma_start3A_154 = arith.constant 0 : i32
      %dma_start3A_155 = tpu.memref_slice %arg7[%run_scoped3A_56, %dma_start3A_153, %dma_start3A_154] : memref<5x40x128xf32, #tpu.memory_space<vmem>> -> memref<1x40x128xf32, #tpu.memory_space<vmem>>
      %dma_start3A_156 = tpu.memref_squeeze %dma_start3A_155 : memref<1x40x128xf32, #tpu.memory_space<vmem>> -> memref<40x128xf32, #tpu.memory_space<vmem>>
      tpu.enqueue_dma source(%dma_start3A_156 : memref<40x128xf32, #tpu.memory_space<vmem>>) target(%dma_start3A_152 : memref<40x128xf32, #tpu.memory_space<vmem_shared>>) target_semaphore(%run_scoped3A_144 : memref<!tpu.dma_semaphore, #tpu.memory_space<semaphore_mem>>)
      %dma_wait3A_157 = arith.constant 0 : i32
      %dma_wait3A_158 = arith.constant 0 : i32
      %dma_wait3A_159 = tpu.memref_slice %arg7[%run_scoped3A_56, %dma_wait3A_157, %dma_wait3A_158] : memref<5x40x128xf32, #tpu.memory_space<vmem>> -> memref<1x40x128xf32, #tpu.memory_space<vmem>>
      %dma_wait3A_160 = tpu.memref_squeeze %dma_wait3A_159 : memref<1x40x128xf32, #tpu.memory_space<vmem>> -> memref<40x128xf32, #tpu.memory_space<vmem>>
      %dma_wait3A_161 = arith.constant 0 : i32
      %dma_wait3A_162 = tpu.memref_slice %arg8[%add3A_55, %dma_wait3A_161] : memref<10240x128xf32, #tpu.memory_space<vmem_shared>> -> memref<40x128xf32, #tpu.memory_space<vmem_shared>>
      %dma_wait3A_163 = arith.constant 0 : i32
      %dma_wait3A_164 = tpu.memref_slice %arg8[%add3A_55, %dma_wait3A_163] : memref<10240x128xf32, #tpu.memory_space<vmem_shared>> -> memref<40x128xf32, #tpu.memory_space<vmem_shared>>
      %dma_wait3A_165 = arith.constant 0 : i32
      %dma_wait3A_166 = arith.constant 0 : i32
      %dma_wait3A_167 = tpu.memref_slice %arg7[%run_scoped3A_56, %dma_wait3A_165, %dma_wait3A_166] : memref<5x40x128xf32, #tpu.memory_space<vmem>> -> memref<1x40x128xf32, #tpu.memory_space<vmem>>
      %dma_wait3A_168 = tpu.memref_squeeze %dma_wait3A_167 : memref<1x40x128xf32, #tpu.memory_space<vmem>> -> memref<40x128xf32, #tpu.memory_space<vmem>>
      tpu.wait_dma2 semaphore(%run_scoped3A_144 : memref<!tpu.dma_semaphore, #tpu.memory_space<semaphore_mem>>) src(%dma_wait3A_168 : memref<40x128xf32, #tpu.memory_space<vmem>>) dst(%dma_wait3A_164 : memref<40x128xf32, #tpu.memory_space<vmem_shared>>)
      tpu.yield
    }) : () -> ()
    %mul3A_57 = arith.constant 640 : i32
    %mul3A_58 = arith.muli %arg1, %mul3A_57 : i32
    %add3A_59 = arith.constant 400 : i32
    %add3A_60 = arith.addi %mul3A_58, %add3A_59 : i32
    %run_scoped3A_61 = arith.constant 0 : i32
    "tpu.region"() ({
      %run_scoped3A_144 = tpu.sem_alloc : memref<!tpu.dma_semaphore, #tpu.memory_space<semaphore_mem>>
      %dma_start3A_145 = arith.constant 0 : i32
      %dma_start3A_146 = arith.constant 0 : i32
      %dma_start3A_147 = tpu.memref_slice %arg7[%run_scoped3A_61, %dma_start3A_145, %dma_start3A_146] : memref<5x40x128xf32, #tpu.memory_space<vmem>> -> memref<1x40x128xf32, #tpu.memory_space<vmem>>
      %dma_start3A_148 = tpu.memref_squeeze %dma_start3A_147 : memref<1x40x128xf32, #tpu.memory_space<vmem>> -> memref<40x128xf32, #tpu.memory_space<vmem>>
      %dma_start3A_149 = arith.constant 0 : i32
      %dma_start3A_150 = tpu.memref_slice %arg8[%add3A_60, %dma_start3A_149] : memref<10240x128xf32, #tpu.memory_space<vmem_shared>> -> memref<40x128xf32, #tpu.memory_space<vmem_shared>>
      %dma_start3A_151 = arith.constant 0 : i32
      %dma_start3A_152 = tpu.memref_slice %arg8[%add3A_60, %dma_start3A_151] : memref<10240x128xf32, #tpu.memory_space<vmem_shared>> -> memref<40x128xf32, #tpu.memory_space<vmem_shared>>
      %dma_start3A_153 = arith.constant 0 : i32
      %dma_start3A_154 = arith.constant 0 : i32
      %dma_start3A_155 = tpu.memref_slice %arg7[%run_scoped3A_61, %dma_start3A_153, %dma_start3A_154] : memref<5x40x128xf32, #tpu.memory_space<vmem>> -> memref<1x40x128xf32, #tpu.memory_space<vmem>>
      %dma_start3A_156 = tpu.memref_squeeze %dma_start3A_155 : memref<1x40x128xf32, #tpu.memory_space<vmem>> -> memref<40x128xf32, #tpu.memory_space<vmem>>
      tpu.enqueue_dma source(%dma_start3A_156 : memref<40x128xf32, #tpu.memory_space<vmem>>) target(%dma_start3A_152 : memref<40x128xf32, #tpu.memory_space<vmem_shared>>) target_semaphore(%run_scoped3A_144 : memref<!tpu.dma_semaphore, #tpu.memory_space<semaphore_mem>>)
      %dma_wait3A_157 = arith.constant 0 : i32
      %dma_wait3A_158 = arith.constant 0 : i32
      %dma_wait3A_159 = tpu.memref_slice %arg7[%run_scoped3A_61, %dma_wait3A_157, %dma_wait3A_158] : memref<5x40x128xf32, #tpu.memory_space<vmem>> -> memref<1x40x128xf32, #tpu.memory_space<vmem>>
      %dma_wait3A_160 = tpu.memref_squeeze %dma_wait3A_159 : memref<1x40x128xf32, #tpu.memory_space<vmem>> -> memref<40x128xf32, #tpu.memory_space<vmem>>
      %dma_wait3A_161 = arith.constant 0 : i32
      %dma_wait3A_162 = tpu.memref_slice %arg8[%add3A_60, %dma_wait3A_161] : memref<10240x128xf32, #tpu.memory_space<vmem_shared>> -> memref<40x128xf32, #tpu.memory_space<vmem_shared>>
      %dma_wait3A_163 = arith.constant 0 : i32
      %dma_wait3A_164 = tpu.memref_slice %arg8[%add3A_60, %dma_wait3A_163] : memref<10240x128xf32, #tpu.memory_space<vmem_shared>> -> memref<40x128xf32, #tpu.memory_space<vmem_shared>>
      %dma_wait3A_165 = arith.constant 0 : i32
      %dma_wait3A_166 = arith.constant 0 : i32
      %dma_wait3A_167 = tpu.memref_slice %arg7[%run_scoped3A_61, %dma_wait3A_165, %dma_wait3A_166] : memref<5x40x128xf32, #tpu.memory_space<vmem>> -> memref<1x40x128xf32, #tpu.memory_space<vmem>>
      %dma_wait3A_168 = tpu.memref_squeeze %dma_wait3A_167 : memref<1x40x128xf32, #tpu.memory_space<vmem>> -> memref<40x128xf32, #tpu.memory_space<vmem>>
      tpu.wait_dma2 semaphore(%run_scoped3A_144 : memref<!tpu.dma_semaphore, #tpu.memory_space<semaphore_mem>>) src(%dma_wait3A_168 : memref<40x128xf32, #tpu.memory_space<vmem>>) dst(%dma_wait3A_164 : memref<40x128xf32, #tpu.memory_space<vmem_shared>>)
      tpu.yield
    }) : () -> ()
    %mul3A_62 = arith.constant 640 : i32
    %mul3A_63 = arith.muli %arg1, %mul3A_62 : i32
    %add3A_64 = arith.constant 440 : i32
    %add3A_65 = arith.addi %mul3A_63, %add3A_64 : i32
    %run_scoped3A_66 = arith.constant 0 : i32
    "tpu.region"() ({
      %run_scoped3A_144 = tpu.sem_alloc : memref<!tpu.dma_semaphore, #tpu.memory_space<semaphore_mem>>
      %dma_start3A_145 = arith.constant 0 : i32
      %dma_start3A_146 = arith.constant 0 : i32
      %dma_start3A_147 = tpu.memref_slice %arg7[%run_scoped3A_66, %dma_start3A_145, %dma_start3A_146] : memref<5x40x128xf32, #tpu.memory_space<vmem>> -> memref<1x40x128xf32, #tpu.memory_space<vmem>>
      %dma_start3A_148 = tpu.memref_squeeze %dma_start3A_147 : memref<1x40x128xf32, #tpu.memory_space<vmem>> -> memref<40x128xf32, #tpu.memory_space<vmem>>
      %dma_start3A_149 = arith.constant 0 : i32
      %dma_start3A_150 = tpu.memref_slice %arg8[%add3A_65, %dma_start3A_149] : memref<10240x128xf32, #tpu.memory_space<vmem_shared>> -> memref<40x128xf32, #tpu.memory_space<vmem_shared>>
      %dma_start3A_151 = arith.constant 0 : i32
      %dma_start3A_152 = tpu.memref_slice %arg8[%add3A_65, %dma_start3A_151] : memref<10240x128xf32, #tpu.memory_space<vmem_shared>> -> memref<40x128xf32, #tpu.memory_space<vmem_shared>>
      %dma_start3A_153 = arith.constant 0 : i32
      %dma_start3A_154 = arith.constant 0 : i32
      %dma_start3A_155 = tpu.memref_slice %arg7[%run_scoped3A_66, %dma_start3A_153, %dma_start3A_154] : memref<5x40x128xf32, #tpu.memory_space<vmem>> -> memref<1x40x128xf32, #tpu.memory_space<vmem>>
      %dma_start3A_156 = tpu.memref_squeeze %dma_start3A_155 : memref<1x40x128xf32, #tpu.memory_space<vmem>> -> memref<40x128xf32, #tpu.memory_space<vmem>>
      tpu.enqueue_dma source(%dma_start3A_156 : memref<40x128xf32, #tpu.memory_space<vmem>>) target(%dma_start3A_152 : memref<40x128xf32, #tpu.memory_space<vmem_shared>>) target_semaphore(%run_scoped3A_144 : memref<!tpu.dma_semaphore, #tpu.memory_space<semaphore_mem>>)
      %dma_wait3A_157 = arith.constant 0 : i32
      %dma_wait3A_158 = arith.constant 0 : i32
      %dma_wait3A_159 = tpu.memref_slice %arg7[%run_scoped3A_66, %dma_wait3A_157, %dma_wait3A_158] : memref<5x40x128xf32, #tpu.memory_space<vmem>> -> memref<1x40x128xf32, #tpu.memory_space<vmem>>
      %dma_wait3A_160 = tpu.memref_squeeze %dma_wait3A_159 : memref<1x40x128xf32, #tpu.memory_space<vmem>> -> memref<40x128xf32, #tpu.memory_space<vmem>>
      %dma_wait3A_161 = arith.constant 0 : i32
      %dma_wait3A_162 = tpu.memref_slice %arg8[%add3A_65, %dma_wait3A_161] : memref<10240x128xf32, #tpu.memory_space<vmem_shared>> -> memref<40x128xf32, #tpu.memory_space<vmem_shared>>
      %dma_wait3A_163 = arith.constant 0 : i32
      %dma_wait3A_164 = tpu.memref_slice %arg8[%add3A_65, %dma_wait3A_163] : memref<10240x128xf32, #tpu.memory_space<vmem_shared>> -> memref<40x128xf32, #tpu.memory_space<vmem_shared>>
      %dma_wait3A_165 = arith.constant 0 : i32
      %dma_wait3A_166 = arith.constant 0 : i32
      %dma_wait3A_167 = tpu.memref_slice %arg7[%run_scoped3A_66, %dma_wait3A_165, %dma_wait3A_166] : memref<5x40x128xf32, #tpu.memory_space<vmem>> -> memref<1x40x128xf32, #tpu.memory_space<vmem>>
      %dma_wait3A_168 = tpu.memref_squeeze %dma_wait3A_167 : memref<1x40x128xf32, #tpu.memory_space<vmem>> -> memref<40x128xf32, #tpu.memory_space<vmem>>
      tpu.wait_dma2 semaphore(%run_scoped3A_144 : memref<!tpu.dma_semaphore, #tpu.memory_space<semaphore_mem>>) src(%dma_wait3A_168 : memref<40x128xf32, #tpu.memory_space<vmem>>) dst(%dma_wait3A_164 : memref<40x128xf32, #tpu.memory_space<vmem_shared>>)
      tpu.yield
    }) : () -> ()
    %mul3A_67 = arith.constant 640 : i32
    %mul3A_68 = arith.muli %arg1, %mul3A_67 : i32
    %add3A_69 = arith.constant 480 : i32
    %add3A_70 = arith.addi %mul3A_68, %add3A_69 : i32
    %run_scoped3A_71 = arith.constant 0 : i32
    "tpu.region"() ({
      %run_scoped3A_144 = tpu.sem_alloc : memref<!tpu.dma_semaphore, #tpu.memory_space<semaphore_mem>>
      %dma_start3A_145 = arith.constant 0 : i32
      %dma_start3A_146 = arith.constant 0 : i32
      %dma_start3A_147 = tpu.memref_slice %arg7[%run_scoped3A_71, %dma_start3A_145, %dma_start3A_146] : memref<5x40x128xf32, #tpu.memory_space<vmem>> -> memref<1x40x128xf32, #tpu.memory_space<vmem>>
      %dma_start3A_148 = tpu.memref_squeeze %dma_start3A_147 : memref<1x40x128xf32, #tpu.memory_space<vmem>> -> memref<40x128xf32, #tpu.memory_space<vmem>>
      %dma_start3A_149 = arith.constant 0 : i32
      %dma_start3A_150 = tpu.memref_slice %arg8[%add3A_70, %dma_start3A_149] : memref<10240x128xf32, #tpu.memory_space<vmem_shared>> -> memref<40x128xf32, #tpu.memory_space<vmem_shared>>
      %dma_start3A_151 = arith.constant 0 : i32
      %dma_start3A_152 = tpu.memref_slice %arg8[%add3A_70, %dma_start3A_151] : memref<10240x128xf32, #tpu.memory_space<vmem_shared>> -> memref<40x128xf32, #tpu.memory_space<vmem_shared>>
      %dma_start3A_153 = arith.constant 0 : i32
      %dma_start3A_154 = arith.constant 0 : i32
      %dma_start3A_155 = tpu.memref_slice %arg7[%run_scoped3A_71, %dma_start3A_153, %dma_start3A_154] : memref<5x40x128xf32, #tpu.memory_space<vmem>> -> memref<1x40x128xf32, #tpu.memory_space<vmem>>
      %dma_start3A_156 = tpu.memref_squeeze %dma_start3A_155 : memref<1x40x128xf32, #tpu.memory_space<vmem>> -> memref<40x128xf32, #tpu.memory_space<vmem>>
      tpu.enqueue_dma source(%dma_start3A_156 : memref<40x128xf32, #tpu.memory_space<vmem>>) target(%dma_start3A_152 : memref<40x128xf32, #tpu.memory_space<vmem_shared>>) target_semaphore(%run_scoped3A_144 : memref<!tpu.dma_semaphore, #tpu.memory_space<semaphore_mem>>)
      %dma_wait3A_157 = arith.constant 0 : i32
      %dma_wait3A_158 = arith.constant 0 : i32
      %dma_wait3A_159 = tpu.memref_slice %arg7[%run_scoped3A_71, %dma_wait3A_157, %dma_wait3A_158] : memref<5x40x128xf32, #tpu.memory_space<vmem>> -> memref<1x40x128xf32, #tpu.memory_space<vmem>>
      %dma_wait3A_160 = tpu.memref_squeeze %dma_wait3A_159 : memref<1x40x128xf32, #tpu.memory_space<vmem>> -> memref<40x128xf32, #tpu.memory_space<vmem>>
      %dma_wait3A_161 = arith.constant 0 : i32
      %dma_wait3A_162 = tpu.memref_slice %arg8[%add3A_70, %dma_wait3A_161] : memref<10240x128xf32, #tpu.memory_space<vmem_shared>> -> memref<40x128xf32, #tpu.memory_space<vmem_shared>>
      %dma_wait3A_163 = arith.constant 0 : i32
      %dma_wait3A_164 = tpu.memref_slice %arg8[%add3A_70, %dma_wait3A_163] : memref<10240x128xf32, #tpu.memory_space<vmem_shared>> -> memref<40x128xf32, #tpu.memory_space<vmem_shared>>
      %dma_wait3A_165 = arith.constant 0 : i32
      %dma_wait3A_166 = arith.constant 0 : i32
      %dma_wait3A_167 = tpu.memref_slice %arg7[%run_scoped3A_71, %dma_wait3A_165, %dma_wait3A_166] : memref<5x40x128xf32, #tpu.memory_space<vmem>> -> memref<1x40x128xf32, #tpu.memory_space<vmem>>
      %dma_wait3A_168 = tpu.memref_squeeze %dma_wait3A_167 : memref<1x40x128xf32, #tpu.memory_space<vmem>> -> memref<40x128xf32, #tpu.memory_space<vmem>>
      tpu.wait_dma2 semaphore(%run_scoped3A_144 : memref<!tpu.dma_semaphore, #tpu.memory_space<semaphore_mem>>) src(%dma_wait3A_168 : memref<40x128xf32, #tpu.memory_space<vmem>>) dst(%dma_wait3A_164 : memref<40x128xf32, #tpu.memory_space<vmem_shared>>)
      tpu.yield
    }) : () -> ()
    %mul3A_72 = arith.constant 640 : i32
    %mul3A_73 = arith.muli %arg1, %mul3A_72 : i32
    %add3A_74 = arith.constant 520 : i32
    %add3A_75 = arith.addi %mul3A_73, %add3A_74 : i32
    %run_scoped3A_76 = arith.constant 0 : i32
    "tpu.region"() ({
      %run_scoped3A_144 = tpu.sem_alloc : memref<!tpu.dma_semaphore, #tpu.memory_space<semaphore_mem>>
      %dma_start3A_145 = arith.constant 0 : i32
      %dma_start3A_146 = arith.constant 0 : i32
      %dma_start3A_147 = tpu.memref_slice %arg7[%run_scoped3A_76, %dma_start3A_145, %dma_start3A_146] : memref<5x40x128xf32, #tpu.memory_space<vmem>> -> memref<1x40x128xf32, #tpu.memory_space<vmem>>
      %dma_start3A_148 = tpu.memref_squeeze %dma_start3A_147 : memref<1x40x128xf32, #tpu.memory_space<vmem>> -> memref<40x128xf32, #tpu.memory_space<vmem>>
      %dma_start3A_149 = arith.constant 0 : i32
      %dma_start3A_150 = tpu.memref_slice %arg8[%add3A_75, %dma_start3A_149] : memref<10240x128xf32, #tpu.memory_space<vmem_shared>> -> memref<40x128xf32, #tpu.memory_space<vmem_shared>>
      %dma_start3A_151 = arith.constant 0 : i32
      %dma_start3A_152 = tpu.memref_slice %arg8[%add3A_75, %dma_start3A_151] : memref<10240x128xf32, #tpu.memory_space<vmem_shared>> -> memref<40x128xf32, #tpu.memory_space<vmem_shared>>
      %dma_start3A_153 = arith.constant 0 : i32
      %dma_start3A_154 = arith.constant 0 : i32
      %dma_start3A_155 = tpu.memref_slice %arg7[%run_scoped3A_76, %dma_start3A_153, %dma_start3A_154] : memref<5x40x128xf32, #tpu.memory_space<vmem>> -> memref<1x40x128xf32, #tpu.memory_space<vmem>>
      %dma_start3A_156 = tpu.memref_squeeze %dma_start3A_155 : memref<1x40x128xf32, #tpu.memory_space<vmem>> -> memref<40x128xf32, #tpu.memory_space<vmem>>
      tpu.enqueue_dma source(%dma_start3A_156 : memref<40x128xf32, #tpu.memory_space<vmem>>) target(%dma_start3A_152 : memref<40x128xf32, #tpu.memory_space<vmem_shared>>) target_semaphore(%run_scoped3A_144 : memref<!tpu.dma_semaphore, #tpu.memory_space<semaphore_mem>>)
      %dma_wait3A_157 = arith.constant 0 : i32
      %dma_wait3A_158 = arith.constant 0 : i32
      %dma_wait3A_159 = tpu.memref_slice %arg7[%run_scoped3A_76, %dma_wait3A_157, %dma_wait3A_158] : memref<5x40x128xf32, #tpu.memory_space<vmem>> -> memref<1x40x128xf32, #tpu.memory_space<vmem>>
      %dma_wait3A_160 = tpu.memref_squeeze %dma_wait3A_159 : memref<1x40x128xf32, #tpu.memory_space<vmem>> -> memref<40x128xf32, #tpu.memory_space<vmem>>
      %dma_wait3A_161 = arith.constant 0 : i32
      %dma_wait3A_162 = tpu.memref_slice %arg8[%add3A_75, %dma_wait3A_161] : memref<10240x128xf32, #tpu.memory_space<vmem_shared>> -> memref<40x128xf32, #tpu.memory_space<vmem_shared>>
      %dma_wait3A_163 = arith.constant 0 : i32
      %dma_wait3A_164 = tpu.memref_slice %arg8[%add3A_75, %dma_wait3A_163] : memref<10240x128xf32, #tpu.memory_space<vmem_shared>> -> memref<40x128xf32, #tpu.memory_space<vmem_shared>>
      %dma_wait3A_165 = arith.constant 0 : i32
      %dma_wait3A_166 = arith.constant 0 : i32
      %dma_wait3A_167 = tpu.memref_slice %arg7[%run_scoped3A_76, %dma_wait3A_165, %dma_wait3A_166] : memref<5x40x128xf32, #tpu.memory_space<vmem>> -> memref<1x40x128xf32, #tpu.memory_space<vmem>>
      %dma_wait3A_168 = tpu.memref_squeeze %dma_wait3A_167 : memref<1x40x128xf32, #tpu.memory_space<vmem>> -> memref<40x128xf32, #tpu.memory_space<vmem>>
      tpu.wait_dma2 semaphore(%run_scoped3A_144 : memref<!tpu.dma_semaphore, #tpu.memory_space<semaphore_mem>>) src(%dma_wait3A_168 : memref<40x128xf32, #tpu.memory_space<vmem>>) dst(%dma_wait3A_164 : memref<40x128xf32, #tpu.memory_space<vmem_shared>>)
      tpu.yield
    }) : () -> ()
    %mul3A_77 = arith.constant 640 : i32
    %mul3A_78 = arith.muli %arg1, %mul3A_77 : i32
    %add3A_79 = arith.constant 560 : i32
    %add3A_80 = arith.addi %mul3A_78, %add3A_79 : i32
    %run_scoped3A_81 = arith.constant 0 : i32
    "tpu.region"() ({
      %run_scoped3A_144 = tpu.sem_alloc : memref<!tpu.dma_semaphore, #tpu.memory_space<semaphore_mem>>
      %dma_start3A_145 = arith.constant 0 : i32
      %dma_start3A_146 = arith.constant 0 : i32
      %dma_start3A_147 = tpu.memref_slice %arg7[%run_scoped3A_81, %dma_start3A_145, %dma_start3A_146] : memref<5x40x128xf32, #tpu.memory_space<vmem>> -> memref<1x40x128xf32, #tpu.memory_space<vmem>>
      %dma_start3A_148 = tpu.memref_squeeze %dma_start3A_147 : memref<1x40x128xf32, #tpu.memory_space<vmem>> -> memref<40x128xf32, #tpu.memory_space<vmem>>
      %dma_start3A_149 = arith.constant 0 : i32
      %dma_start3A_150 = tpu.memref_slice %arg8[%add3A_80, %dma_start3A_149] : memref<10240x128xf32, #tpu.memory_space<vmem_shared>> -> memref<40x128xf32, #tpu.memory_space<vmem_shared>>
      %dma_start3A_151 = arith.constant 0 : i32
      %dma_start3A_152 = tpu.memref_slice %arg8[%add3A_80, %dma_start3A_151] : memref<10240x128xf32, #tpu.memory_space<vmem_shared>> -> memref<40x128xf32, #tpu.memory_space<vmem_shared>>
      %dma_start3A_153 = arith.constant 0 : i32
      %dma_start3A_154 = arith.constant 0 : i32
      %dma_start3A_155 = tpu.memref_slice %arg7[%run_scoped3A_81, %dma_start3A_153, %dma_start3A_154] : memref<5x40x128xf32, #tpu.memory_space<vmem>> -> memref<1x40x128xf32, #tpu.memory_space<vmem>>
      %dma_start3A_156 = tpu.memref_squeeze %dma_start3A_155 : memref<1x40x128xf32, #tpu.memory_space<vmem>> -> memref<40x128xf32, #tpu.memory_space<vmem>>
      tpu.enqueue_dma source(%dma_start3A_156 : memref<40x128xf32, #tpu.memory_space<vmem>>) target(%dma_start3A_152 : memref<40x128xf32, #tpu.memory_space<vmem_shared>>) target_semaphore(%run_scoped3A_144 : memref<!tpu.dma_semaphore, #tpu.memory_space<semaphore_mem>>)
      %dma_wait3A_157 = arith.constant 0 : i32
      %dma_wait3A_158 = arith.constant 0 : i32
      %dma_wait3A_159 = tpu.memref_slice %arg7[%run_scoped3A_81, %dma_wait3A_157, %dma_wait3A_158] : memref<5x40x128xf32, #tpu.memory_space<vmem>> -> memref<1x40x128xf32, #tpu.memory_space<vmem>>
      %dma_wait3A_160 = tpu.memref_squeeze %dma_wait3A_159 : memref<1x40x128xf32, #tpu.memory_space<vmem>> -> memref<40x128xf32, #tpu.memory_space<vmem>>
      %dma_wait3A_161 = arith.constant 0 : i32
      %dma_wait3A_162 = tpu.memref_slice %arg8[%add3A_80, %dma_wait3A_161] : memref<10240x128xf32, #tpu.memory_space<vmem_shared>> -> memref<40x128xf32, #tpu.memory_space<vmem_shared>>
      %dma_wait3A_163 = arith.constant 0 : i32
      %dma_wait3A_164 = tpu.memref_slice %arg8[%add3A_80, %dma_wait3A_163] : memref<10240x128xf32, #tpu.memory_space<vmem_shared>> -> memref<40x128xf32, #tpu.memory_space<vmem_shared>>
      %dma_wait3A_165 = arith.constant 0 : i32
      %dma_wait3A_166 = arith.constant 0 : i32
      %dma_wait3A_167 = tpu.memref_slice %arg7[%run_scoped3A_81, %dma_wait3A_165, %dma_wait3A_166] : memref<5x40x128xf32, #tpu.memory_space<vmem>> -> memref<1x40x128xf32, #tpu.memory_space<vmem>>
      %dma_wait3A_168 = tpu.memref_squeeze %dma_wait3A_167 : memref<1x40x128xf32, #tpu.memory_space<vmem>> -> memref<40x128xf32, #tpu.memory_space<vmem>>
      tpu.wait_dma2 semaphore(%run_scoped3A_144 : memref<!tpu.dma_semaphore, #tpu.memory_space<semaphore_mem>>) src(%dma_wait3A_168 : memref<40x128xf32, #tpu.memory_space<vmem>>) dst(%dma_wait3A_164 : memref<40x128xf32, #tpu.memory_space<vmem_shared>>)
      tpu.yield
    }) : () -> ()
    %mul3A_82 = arith.constant 640 : i32
    %mul3A_83 = arith.muli %arg1, %mul3A_82 : i32
    %add3A_84 = arith.constant 600 : i32
    %add3A_85 = arith.addi %mul3A_83, %add3A_84 : i32
    %run_scoped3A_86 = arith.constant 0 : i32
    "tpu.region"() ({
      %run_scoped3A_144 = tpu.sem_alloc : memref<!tpu.dma_semaphore, #tpu.memory_space<semaphore_mem>>
      %dma_start3A_145 = arith.constant 0 : i32
      %dma_start3A_146 = arith.constant 0 : i32
      %dma_start3A_147 = tpu.memref_slice %arg7[%run_scoped3A_86, %dma_start3A_145, %dma_start3A_146] : memref<5x40x128xf32, #tpu.memory_space<vmem>> -> memref<1x40x128xf32, #tpu.memory_space<vmem>>
      %dma_start3A_148 = tpu.memref_squeeze %dma_start3A_147 : memref<1x40x128xf32, #tpu.memory_space<vmem>> -> memref<40x128xf32, #tpu.memory_space<vmem>>
      %dma_start3A_149 = arith.constant 0 : i32
      %dma_start3A_150 = tpu.memref_slice %arg8[%add3A_85, %dma_start3A_149] : memref<10240x128xf32, #tpu.memory_space<vmem_shared>> -> memref<40x128xf32, #tpu.memory_space<vmem_shared>>
      %dma_start3A_151 = arith.constant 0 : i32
      %dma_start3A_152 = tpu.memref_slice %arg8[%add3A_85, %dma_start3A_151] : memref<10240x128xf32, #tpu.memory_space<vmem_shared>> -> memref<40x128xf32, #tpu.memory_space<vmem_shared>>
      %dma_start3A_153 = arith.constant 0 : i32
      %dma_start3A_154 = arith.constant 0 : i32
      %dma_start3A_155 = tpu.memref_slice %arg7[%run_scoped3A_86, %dma_start3A_153, %dma_start3A_154] : memref<5x40x128xf32, #tpu.memory_space<vmem>> -> memref<1x40x128xf32, #tpu.memory_space<vmem>>
      %dma_start3A_156 = tpu.memref_squeeze %dma_start3A_155 : memref<1x40x128xf32, #tpu.memory_space<vmem>> -> memref<40x128xf32, #tpu.memory_space<vmem>>
      tpu.enqueue_dma source(%dma_start3A_156 : memref<40x128xf32, #tpu.memory_space<vmem>>) target(%dma_start3A_152 : memref<40x128xf32, #tpu.memory_space<vmem_shared>>) target_semaphore(%run_scoped3A_144 : memref<!tpu.dma_semaphore, #tpu.memory_space<semaphore_mem>>)
      %dma_wait3A_157 = arith.constant 0 : i32
      %dma_wait3A_158 = arith.constant 0 : i32
      %dma_wait3A_159 = tpu.memref_slice %arg7[%run_scoped3A_86, %dma_wait3A_157, %dma_wait3A_158] : memref<5x40x128xf32, #tpu.memory_space<vmem>> -> memref<1x40x128xf32, #tpu.memory_space<vmem>>
      %dma_wait3A_160 = tpu.memref_squeeze %dma_wait3A_159 : memref<1x40x128xf32, #tpu.memory_space<vmem>> -> memref<40x128xf32, #tpu.memory_space<vmem>>
      %dma_wait3A_161 = arith.constant 0 : i32
      %dma_wait3A_162 = tpu.memref_slice %arg8[%add3A_85, %dma_wait3A_161] : memref<10240x128xf32, #tpu.memory_space<vmem_shared>> -> memref<40x128xf32, #tpu.memory_space<vmem_shared>>
      %dma_wait3A_163 = arith.constant 0 : i32
      %dma_wait3A_164 = tpu.memref_slice %arg8[%add3A_85, %dma_wait3A_163] : memref<10240x128xf32, #tpu.memory_space<vmem_shared>> -> memref<40x128xf32, #tpu.memory_space<vmem_shared>>
      %dma_wait3A_165 = arith.constant 0 : i32
      %dma_wait3A_166 = arith.constant 0 : i32
      %dma_wait3A_167 = tpu.memref_slice %arg7[%run_scoped3A_86, %dma_wait3A_165, %dma_wait3A_166] : memref<5x40x128xf32, #tpu.memory_space<vmem>> -> memref<1x40x128xf32, #tpu.memory_space<vmem>>
      %dma_wait3A_168 = tpu.memref_squeeze %dma_wait3A_167 : memref<1x40x128xf32, #tpu.memory_space<vmem>> -> memref<40x128xf32, #tpu.memory_space<vmem>>
      tpu.wait_dma2 semaphore(%run_scoped3A_144 : memref<!tpu.dma_semaphore, #tpu.memory_space<semaphore_mem>>) src(%dma_wait3A_168 : memref<40x128xf32, #tpu.memory_space<vmem>>) dst(%dma_wait3A_164 : memref<40x128xf32, #tpu.memory_space<vmem_shared>>)
      tpu.yield
    }) : () -> ()
    %barrier3A = arith.constant 0 : index
    tpu.barrier barrier_id(%barrier3A)
    %dma_start3A = arith.constant 0 : i32
    %dma_start3A_87 = arith.constant 0 : i32
    %dma_start3A_88 = arith.constant 0 : i32
    %dma_start3A_89 = arith.constant 0 : i32
    %dma_start3A_90 = tpu.memref_slice %arg7[%dma_start3A_87, %dma_start3A_88, %dma_start3A_89] : memref<5x40x128xf32, #tpu.memory_space<vmem>> -> memref<1x40x128xf32, #tpu.memory_space<vmem>>
    %dma_start3A_91 = tpu.memref_squeeze %dma_start3A_90 : memref<1x40x128xf32, #tpu.memory_space<vmem>> -> memref<40x128xf32, #tpu.memory_space<vmem>>
    %dma_start3A_92 = arith.constant 0 : i32
    %dma_start3A_93 = tpu.memref_slice %arg5[%dma_start3A, %dma_start3A_92] : memref<250x40xi32, #tpu.memory_space<vmem>> -> memref<1x40xi32, #tpu.memory_space<vmem>>
    %dma_start3A_94 = tpu.memref_squeeze %dma_start3A_93 : memref<1x40xi32, #tpu.memory_space<vmem>> -> memref<40xi32, #tpu.memory_space<vmem>>
    %dma_start3A_95 = arith.constant 0 : i32
    %dma_start3A_96 = arith.constant 0 : i32
    %dma_start3A_97 = tpu.memref_slice %arg2[%dma_start3A_95, %dma_start3A_96] : memref<10000x128xf32, #tpu.memory_space<hbm>> -> memref<10000x128xf32, #tpu.memory_space<hbm>>
    tpu.enqueue_indirect_dma source(%dma_start3A_97 : memref<10000x128xf32, #tpu.memory_space<hbm>>) target(%dma_start3A_91 : memref<40x128xf32, #tpu.memory_space<vmem>>) offsets(%dma_start3A_94 : memref<40xi32, #tpu.memory_space<vmem>>) semaphore(%arg9 : memref<!tpu.dma_semaphore, #tpu.memory_space<semaphore_mem>>)
    %dma_start3A_98 = arith.constant 1 : i32
    %dma_start3A_99 = arith.constant 1 : i32
    %dma_start3A_100 = arith.constant 0 : i32
    %dma_start3A_101 = arith.constant 0 : i32
    %dma_start3A_102 = tpu.memref_slice %arg7[%dma_start3A_99, %dma_start3A_100, %dma_start3A_101] : memref<5x40x128xf32, #tpu.memory_space<vmem>> -> memref<1x40x128xf32, #tpu.memory_space<vmem>>
    %dma_start3A_103 = tpu.memref_squeeze %dma_start3A_102 : memref<1x40x128xf32, #tpu.memory_space<vmem>> -> memref<40x128xf32, #tpu.memory_space<vmem>>
    %dma_start3A_104 = arith.constant 0 : i32
    %dma_start3A_105 = tpu.memref_slice %arg5[%dma_start3A_98, %dma_start3A_104] : memref<250x40xi32, #tpu.memory_space<vmem>> -> memref<1x40xi32, #tpu.memory_space<vmem>>
    %dma_start3A_106 = tpu.memref_squeeze %dma_start3A_105 : memref<1x40xi32, #tpu.memory_space<vmem>> -> memref<40xi32, #tpu.memory_space<vmem>>
    %dma_start3A_107 = arith.constant 0 : i32
    %dma_start3A_108 = arith.constant 0 : i32
    %dma_start3A_109 = tpu.memref_slice %arg2[%dma_start3A_107, %dma_start3A_108] : memref<10000x128xf32, #tpu.memory_space<hbm>> -> memref<10000x128xf32, #tpu.memory_space<hbm>>
    tpu.enqueue_indirect_dma source(%dma_start3A_109 : memref<10000x128xf32, #tpu.memory_space<hbm>>) target(%dma_start3A_103 : memref<40x128xf32, #tpu.memory_space<vmem>>) offsets(%dma_start3A_106 : memref<40xi32, #tpu.memory_space<vmem>>) semaphore(%arg9 : memref<!tpu.dma_semaphore, #tpu.memory_space<semaphore_mem>>)
    %scan3A_110 = arith.constant 0 : i32
    %scan3A_111 = arith.constant 0 : i32
    %scan3A_112 = arith.constant 50 : i32
    %scan3A_113 = arith.addi %scan3A_111, %scan3A_112 : i32
    %scan3A_114 = arith.constant 1 : i32
    scf.for %scan3A_144 = %scan3A_111 to %scan3A_113 step %scan3A_114  : i32 {
      %mul3A_145 = arith.constant 5 : i32
      %mul3A_146 = arith.muli %scan3A_144, %mul3A_145 : i32
      %add3A_147 = arith.constant 0 : i32
      %add3A_148 = arith.addi %mul3A_146, %add3A_147 : i32
      %ge3A = arith.constant 2 : i32
      %ge3A_149 = arith.cmpi sge, %add3A_148, %ge3A : i32
      %convert_element_type3A = arith.extui %ge3A_149 : i1 to i32
      %cond3A = arith.constant 0 : i32
      %cond3A_150 = arith.cmpi ne, %convert_element_type3A, %cond3A : i32
      scf.if %cond3A_150 {
        %dma_wait3A_336 = arith.constant 0 : i32
        %dma_wait3A_337 = arith.constant 0 : i32
        %dma_wait3A_338 = arith.constant 0 : i32
        %dma_wait3A_339 = arith.constant 0 : i32
        %dma_wait3A_340 = tpu.memref_slice %arg7[%dma_wait3A_336, %dma_wait3A_338, %dma_wait3A_339] : memref<5x40x128xf32, #tpu.memory_space<vmem>> -> memref<1x40x128xf32, #tpu.memory_space<vmem>>
        %dma_wait3A_341 = tpu.memref_squeeze %dma_wait3A_340 : memref<1x40x128xf32, #tpu.memory_space<vmem>> -> memref<40x128xf32, #tpu.memory_space<vmem>>
        %dma_wait3A_342 = arith.constant 0 : i32
        %dma_wait3A_343 = tpu.memref_slice %arg6[%dma_wait3A_337, %dma_wait3A_342] : memref<250x40xi32, #tpu.memory_space<vmem>> -> memref<1x40xi32, #tpu.memory_space<vmem>>
        %dma_wait3A_344 = tpu.memref_squeeze %dma_wait3A_343 : memref<1x40xi32, #tpu.memory_space<vmem>> -> memref<40xi32, #tpu.memory_space<vmem>>
        %dma_wait3A_345 = arith.constant 0 : i32
        %dma_wait3A_346 = arith.constant 0 : i32
        %dma_wait3A_347 = tpu.memref_slice %arg8[%dma_wait3A_345, %dma_wait3A_346] : memref<10240x128xf32, #tpu.memory_space<vmem_shared>> -> memref<10240x128xf32, #tpu.memory_space<vmem_shared>>
        tpu.wait_indirect_dma semaphore(%arg10 : memref<!tpu.dma_semaphore, #tpu.memory_space<semaphore_mem>>) src(%dma_wait3A_341 : memref<40x128xf32, #tpu.memory_space<vmem>>) dst(%dma_wait3A_347 : memref<10240x128xf32, #tpu.memory_space<vmem_shared>>)
      } else {
      }
      %add3A_151 = arith.constant 2 : i32
      %add3A_152 = arith.addi %add3A_148, %add3A_151 : i32
      %lt3A = arith.constant 250 : i32
      %lt3A_153 = arith.cmpi slt, %add3A_152, %lt3A : i32
      %convert_element_type3A_154 = arith.extui %lt3A_153 : i1 to i32
      %cond3A_155 = arith.constant 0 : i32
      %cond3A_156 = arith.cmpi ne, %convert_element_type3A_154, %cond3A_155 : i32
      scf.if %cond3A_156 {
        %add3A_336 = arith.constant 2 : i32
        %add3A_337 = arith.addi %add3A_148, %add3A_336 : i32
        %dma_start3A_338 = arith.constant 2 : i32
        %dma_start3A_339 = arith.constant 0 : i32
        %dma_start3A_340 = arith.constant 0 : i32
        %dma_start3A_341 = tpu.memref_slice %arg7[%dma_start3A_338, %dma_start3A_339, %dma_start3A_340] : memref<5x40x128xf32, #tpu.memory_space<vmem>> -> memref<1x40x128xf32, #tpu.memory_space<vmem>>
        %dma_start3A_342 = tpu.memref_squeeze %dma_start3A_341 : memref<1x40x128xf32, #tpu.memory_space<vmem>> -> memref<40x128xf32, #tpu.memory_space<vmem>>
        %dma_start3A_343 = arith.constant 0 : i32
        %dma_start3A_344 = tpu.memref_slice %arg5[%add3A_337, %dma_start3A_343] : memref<250x40xi32, #tpu.memory_space<vmem>> -> memref<1x40xi32, #tpu.memory_space<vmem>>
        %dma_start3A_345 = tpu.memref_squeeze %dma_start3A_344 : memref<1x40xi32, #tpu.memory_space<vmem>> -> memref<40xi32, #tpu.memory_space<vmem>>
        %dma_start3A_346 = arith.constant 0 : i32
        %dma_start3A_347 = arith.constant 0 : i32
        %dma_start3A_348 = tpu.memref_slice %arg2[%dma_start3A_346, %dma_start3A_347] : memref<10000x128xf32, #tpu.memory_space<hbm>> -> memref<10000x128xf32, #tpu.memory_space<hbm>>
        tpu.enqueue_indirect_dma source(%dma_start3A_348 : memref<10000x128xf32, #tpu.memory_space<hbm>>) target(%dma_start3A_342 : memref<40x128xf32, #tpu.memory_space<vmem>>) offsets(%dma_start3A_345 : memref<40xi32, #tpu.memory_space<vmem>>) semaphore(%arg9 : memref<!tpu.dma_semaphore, #tpu.memory_space<semaphore_mem>>)
      } else {
      }
      %dma_wait3A_157 = arith.constant 0 : i32
      %dma_wait3A_158 = arith.constant 0 : i32
      %dma_wait3A_159 = arith.constant 0 : i32
      %dma_wait3A_160 = arith.constant 0 : i32
      %dma_wait3A_161 = tpu.memref_slice %arg7[%dma_wait3A_158, %dma_wait3A_159, %dma_wait3A_160] : memref<5x40x128xf32, #tpu.memory_space<vmem>> -> memref<1x40x128xf32, #tpu.memory_space<vmem>>
      %dma_wait3A_162 = tpu.memref_squeeze %dma_wait3A_161 : memref<1x40x128xf32, #tpu.memory_space<vmem>> -> memref<40x128xf32, #tpu.memory_space<vmem>>
      %dma_wait3A_163 = arith.constant 0 : i32
      %dma_wait3A_164 = tpu.memref_slice %arg5[%dma_wait3A_157, %dma_wait3A_163] : memref<250x40xi32, #tpu.memory_space<vmem>> -> memref<1x40xi32, #tpu.memory_space<vmem>>
      %dma_wait3A_165 = tpu.memref_squeeze %dma_wait3A_164 : memref<1x40xi32, #tpu.memory_space<vmem>> -> memref<40xi32, #tpu.memory_space<vmem>>
      %dma_wait3A_166 = arith.constant 0 : i32
      %dma_wait3A_167 = arith.constant 0 : i32
      %dma_wait3A_168 = tpu.memref_slice %arg2[%dma_wait3A_166, %dma_wait3A_167] : memref<10000x128xf32, #tpu.memory_space<hbm>> -> memref<10000x128xf32, #tpu.memory_space<hbm>>
      tpu.wait_indirect_dma semaphore(%arg9 : memref<!tpu.dma_semaphore, #tpu.memory_space<semaphore_mem>>) src(%dma_wait3A_168 : memref<10000x128xf32, #tpu.memory_space<hbm>>) dst(%dma_wait3A_162 : memref<40x128xf32, #tpu.memory_space<vmem>>)
      %dma_start3A_169 = arith.constant 0 : i32
      %dma_start3A_170 = arith.constant 0 : i32
      %dma_start3A_171 = arith.constant 0 : i32
      %dma_start3A_172 = tpu.memref_slice %arg7[%dma_start3A_169, %dma_start3A_170, %dma_start3A_171] : memref<5x40x128xf32, #tpu.memory_space<vmem>> -> memref<1x40x128xf32, #tpu.memory_space<vmem>>
      %dma_start3A_173 = tpu.memref_squeeze %dma_start3A_172 : memref<1x40x128xf32, #tpu.memory_space<vmem>> -> memref<40x128xf32, #tpu.memory_space<vmem>>
      %dma_start3A_174 = arith.constant 0 : i32
      %dma_start3A_175 = tpu.memref_slice %arg6[%add3A_148, %dma_start3A_174] : memref<250x40xi32, #tpu.memory_space<vmem>> -> memref<1x40xi32, #tpu.memory_space<vmem>>
      %dma_start3A_176 = tpu.memref_squeeze %dma_start3A_175 : memref<1x40xi32, #tpu.memory_space<vmem>> -> memref<40xi32, #tpu.memory_space<vmem>>
      %dma_start3A_177 = arith.constant 0 : i32
      %dma_start3A_178 = arith.constant 0 : i32
      %dma_start3A_179 = tpu.memref_slice %arg8[%dma_start3A_177, %dma_start3A_178] : memref<10240x128xf32, #tpu.memory_space<vmem_shared>> -> memref<10240x128xf32, #tpu.memory_space<vmem_shared>>
      tpu.enqueue_indirect_dma source(%dma_start3A_173 : memref<40x128xf32, #tpu.memory_space<vmem>>) target(%dma_start3A_179 : memref<10240x128xf32, #tpu.memory_space<vmem_shared>>) offsets(%dma_start3A_176 : memref<40xi32, #tpu.memory_space<vmem>>) semaphore(%arg10 : memref<!tpu.dma_semaphore, #tpu.memory_space<semaphore_mem>>) {add = true}
      %mul3A_180 = arith.constant 5 : i32
      %mul3A_181 = arith.muli %scan3A_144, %mul3A_180 : i32
      %add3A_182 = arith.constant 1 : i32
      %add3A_183 = arith.addi %mul3A_181, %add3A_182 : i32
      %ge3A_184 = arith.constant 2 : i32
      %ge3A_185 = arith.cmpi sge, %add3A_183, %ge3A_184 : i32
      %convert_element_type3A_186 = arith.extui %ge3A_185 : i1 to i32
      %cond3A_187 = arith.constant 0 : i32
      %cond3A_188 = arith.cmpi ne, %convert_element_type3A_186, %cond3A_187 : i32
      scf.if %cond3A_188 {
        %dma_wait3A_336 = arith.constant 0 : i32
        %dma_wait3A_337 = arith.constant 0 : i32
        %dma_wait3A_338 = arith.constant 0 : i32
        %dma_wait3A_339 = arith.constant 0 : i32
        %dma_wait3A_340 = tpu.memref_slice %arg7[%dma_wait3A_336, %dma_wait3A_338, %dma_wait3A_339] : memref<5x40x128xf32, #tpu.memory_space<vmem>> -> memref<1x40x128xf32, #tpu.memory_space<vmem>>
        %dma_wait3A_341 = tpu.memref_squeeze %dma_wait3A_340 : memref<1x40x128xf32, #tpu.memory_space<vmem>> -> memref<40x128xf32, #tpu.memory_space<vmem>>
        %dma_wait3A_342 = arith.constant 0 : i32
        %dma_wait3A_343 = tpu.memref_slice %arg6[%dma_wait3A_337, %dma_wait3A_342] : memref<250x40xi32, #tpu.memory_space<vmem>> -> memref<1x40xi32, #tpu.memory_space<vmem>>
        %dma_wait3A_344 = tpu.memref_squeeze %dma_wait3A_343 : memref<1x40xi32, #tpu.memory_space<vmem>> -> memref<40xi32, #tpu.memory_space<vmem>>
        %dma_wait3A_345 = arith.constant 0 : i32
        %dma_wait3A_346 = arith.constant 0 : i32
        %dma_wait3A_347 = tpu.memref_slice %arg8[%dma_wait3A_345, %dma_wait3A_346] : memref<10240x128xf32, #tpu.memory_space<vmem_shared>> -> memref<10240x128xf32, #tpu.memory_space<vmem_shared>>
        tpu.wait_indirect_dma semaphore(%arg10 : memref<!tpu.dma_semaphore, #tpu.memory_space<semaphore_mem>>) src(%dma_wait3A_341 : memref<40x128xf32, #tpu.memory_space<vmem>>) dst(%dma_wait3A_347 : memref<10240x128xf32, #tpu.memory_space<vmem_shared>>)
      } else {
      }
      %add3A_189 = arith.constant 2 : i32
      %add3A_190 = arith.addi %add3A_183, %add3A_189 : i32
      %lt3A_191 = arith.constant 250 : i32
      %lt3A_192 = arith.cmpi slt, %add3A_190, %lt3A_191 : i32
      %convert_element_type3A_193 = arith.extui %lt3A_192 : i1 to i32
      %cond3A_194 = arith.constant 0 : i32
      %cond3A_195 = arith.cmpi ne, %convert_element_type3A_193, %cond3A_194 : i32
      scf.if %cond3A_195 {
        %add3A_336 = arith.constant 2 : i32
        %add3A_337 = arith.addi %add3A_183, %add3A_336 : i32
        %dma_start3A_338 = arith.constant 3 : i32
        %dma_start3A_339 = arith.constant 0 : i32
        %dma_start3A_340 = arith.constant 0 : i32
        %dma_start3A_341 = tpu.memref_slice %arg7[%dma_start3A_338, %dma_start3A_339, %dma_start3A_340] : memref<5x40x128xf32, #tpu.memory_space<vmem>> -> memref<1x40x128xf32, #tpu.memory_space<vmem>>
        %dma_start3A_342 = tpu.memref_squeeze %dma_start3A_341 : memref<1x40x128xf32, #tpu.memory_space<vmem>> -> memref<40x128xf32, #tpu.memory_space<vmem>>
        %dma_start3A_343 = arith.constant 0 : i32
        %dma_start3A_344 = tpu.memref_slice %arg5[%add3A_337, %dma_start3A_343] : memref<250x40xi32, #tpu.memory_space<vmem>> -> memref<1x40xi32, #tpu.memory_space<vmem>>
        %dma_start3A_345 = tpu.memref_squeeze %dma_start3A_344 : memref<1x40xi32, #tpu.memory_space<vmem>> -> memref<40xi32, #tpu.memory_space<vmem>>
        %dma_start3A_346 = arith.constant 0 : i32
        %dma_start3A_347 = arith.constant 0 : i32
        %dma_start3A_348 = tpu.memref_slice %arg2[%dma_start3A_346, %dma_start3A_347] : memref<10000x128xf32, #tpu.memory_space<hbm>> -> memref<10000x128xf32, #tpu.memory_space<hbm>>
        tpu.enqueue_indirect_dma source(%dma_start3A_348 : memref<10000x128xf32, #tpu.memory_space<hbm>>) target(%dma_start3A_342 : memref<40x128xf32, #tpu.memory_space<vmem>>) offsets(%dma_start3A_345 : memref<40xi32, #tpu.memory_space<vmem>>) semaphore(%arg9 : memref<!tpu.dma_semaphore, #tpu.memory_space<semaphore_mem>>)
      } else {
      }
      %dma_wait3A_196 = arith.constant 0 : i32
      %dma_wait3A_197 = arith.constant 0 : i32
      %dma_wait3A_198 = arith.constant 0 : i32
      %dma_wait3A_199 = arith.constant 0 : i32
      %dma_wait3A_200 = tpu.memref_slice %arg7[%dma_wait3A_197, %dma_wait3A_198, %dma_wait3A_199] : memref<5x40x128xf32, #tpu.memory_space<vmem>> -> memref<1x40x128xf32, #tpu.memory_space<vmem>>
      %dma_wait3A_201 = tpu.memref_squeeze %dma_wait3A_200 : memref<1x40x128xf32, #tpu.memory_space<vmem>> -> memref<40x128xf32, #tpu.memory_space<vmem>>
      %dma_wait3A_202 = arith.constant 0 : i32
      %dma_wait3A_203 = tpu.memref_slice %arg5[%dma_wait3A_196, %dma_wait3A_202] : memref<250x40xi32, #tpu.memory_space<vmem>> -> memref<1x40xi32, #tpu.memory_space<vmem>>
      %dma_wait3A_204 = tpu.memref_squeeze %dma_wait3A_203 : memref<1x40xi32, #tpu.memory_space<vmem>> -> memref<40xi32, #tpu.memory_space<vmem>>
      %dma_wait3A_205 = arith.constant 0 : i32
      %dma_wait3A_206 = arith.constant 0 : i32
      %dma_wait3A_207 = tpu.memref_slice %arg2[%dma_wait3A_205, %dma_wait3A_206] : memref<10000x128xf32, #tpu.memory_space<hbm>> -> memref<10000x128xf32, #tpu.memory_space<hbm>>
      tpu.wait_indirect_dma semaphore(%arg9 : memref<!tpu.dma_semaphore, #tpu.memory_space<semaphore_mem>>) src(%dma_wait3A_207 : memref<10000x128xf32, #tpu.memory_space<hbm>>) dst(%dma_wait3A_201 : memref<40x128xf32, #tpu.memory_space<vmem>>)
      %dma_start3A_208 = arith.constant 1 : i32
      %dma_start3A_209 = arith.constant 0 : i32
      %dma_start3A_210 = arith.constant 0 : i32
      %dma_start3A_211 = tpu.memref_slice %arg7[%dma_start3A_208, %dma_start3A_209, %dma_start3A_210] : memref<5x40x128xf32, #tpu.memory_space<vmem>> -> memref<1x40x128xf32, #tpu.memory_space<vmem>>
      %dma_start3A_212 = tpu.memref_squeeze %dma_start3A_211 : memref<1x40x128xf32, #tpu.memory_space<vmem>> -> memref<40x128xf32, #tpu.memory_space<vmem>>
      %dma_start3A_213 = arith.constant 0 : i32
      %dma_start3A_214 = tpu.memref_slice %arg6[%add3A_183, %dma_start3A_213] : memref<250x40xi32, #tpu.memory_space<vmem>> -> memref<1x40xi32, #tpu.memory_space<vmem>>
      %dma_start3A_215 = tpu.memref_squeeze %dma_start3A_214 : memref<1x40xi32, #tpu.memory_space<vmem>> -> memref<40xi32, #tpu.memory_space<vmem>>
      %dma_start3A_216 = arith.constant 0 : i32
      %dma_start3A_217 = arith.constant 0 : i32
      %dma_start3A_218 = tpu.memref_slice %arg8[%dma_start3A_216, %dma_start3A_217] : memref<10240x128xf32, #tpu.memory_space<vmem_shared>> -> memref<10240x128xf32, #tpu.memory_space<vmem_shared>>
      tpu.enqueue_indirect_dma source(%dma_start3A_212 : memref<40x128xf32, #tpu.memory_space<vmem>>) target(%dma_start3A_218 : memref<10240x128xf32, #tpu.memory_space<vmem_shared>>) offsets(%dma_start3A_215 : memref<40xi32, #tpu.memory_space<vmem>>) semaphore(%arg10 : memref<!tpu.dma_semaphore, #tpu.memory_space<semaphore_mem>>) {add = true}
      %mul3A_219 = arith.constant 5 : i32
      %mul3A_220 = arith.muli %scan3A_144, %mul3A_219 : i32
      %add3A_221 = arith.constant 2 : i32
      %add3A_222 = arith.addi %mul3A_220, %add3A_221 : i32
      %ge3A_223 = arith.constant 2 : i32
      %ge3A_224 = arith.cmpi sge, %add3A_222, %ge3A_223 : i32
      %convert_element_type3A_225 = arith.extui %ge3A_224 : i1 to i32
      %cond3A_226 = arith.constant 0 : i32
      %cond3A_227 = arith.cmpi ne, %convert_element_type3A_225, %cond3A_226 : i32
      scf.if %cond3A_227 {
        %dma_wait3A_336 = arith.constant 0 : i32
        %dma_wait3A_337 = arith.constant 0 : i32
        %dma_wait3A_338 = arith.constant 0 : i32
        %dma_wait3A_339 = arith.constant 0 : i32
        %dma_wait3A_340 = tpu.memref_slice %arg7[%dma_wait3A_336, %dma_wait3A_338, %dma_wait3A_339] : memref<5x40x128xf32, #tpu.memory_space<vmem>> -> memref<1x40x128xf32, #tpu.memory_space<vmem>>
        %dma_wait3A_341 = tpu.memref_squeeze %dma_wait3A_340 : memref<1x40x128xf32, #tpu.memory_space<vmem>> -> memref<40x128xf32, #tpu.memory_space<vmem>>
        %dma_wait3A_342 = arith.constant 0 : i32
        %dma_wait3A_343 = tpu.memref_slice %arg6[%dma_wait3A_337, %dma_wait3A_342] : memref<250x40xi32, #tpu.memory_space<vmem>> -> memref<1x40xi32, #tpu.memory_space<vmem>>
        %dma_wait3A_344 = tpu.memref_squeeze %dma_wait3A_343 : memref<1x40xi32, #tpu.memory_space<vmem>> -> memref<40xi32, #tpu.memory_space<vmem>>
        %dma_wait3A_345 = arith.constant 0 : i32
        %dma_wait3A_346 = arith.constant 0 : i32
        %dma_wait3A_347 = tpu.memref_slice %arg8[%dma_wait3A_345, %dma_wait3A_346] : memref<10240x128xf32, #tpu.memory_space<vmem_shared>> -> memref<10240x128xf32, #tpu.memory_space<vmem_shared>>
        tpu.wait_indirect_dma semaphore(%arg10 : memref<!tpu.dma_semaphore, #tpu.memory_space<semaphore_mem>>) src(%dma_wait3A_341 : memref<40x128xf32, #tpu.memory_space<vmem>>) dst(%dma_wait3A_347 : memref<10240x128xf32, #tpu.memory_space<vmem_shared>>)
      } else {
      }
      %add3A_228 = arith.constant 2 : i32
      %add3A_229 = arith.addi %add3A_222, %add3A_228 : i32
      %lt3A_230 = arith.constant 250 : i32
      %lt3A_231 = arith.cmpi slt, %add3A_229, %lt3A_230 : i32
      %convert_element_type3A_232 = arith.extui %lt3A_231 : i1 to i32
      %cond3A_233 = arith.constant 0 : i32
      %cond3A_234 = arith.cmpi ne, %convert_element_type3A_232, %cond3A_233 : i32
      scf.if %cond3A_234 {
        %add3A_336 = arith.constant 2 : i32
        %add3A_337 = arith.addi %add3A_222, %add3A_336 : i32
        %dma_start3A_338 = arith.constant 4 : i32
        %dma_start3A_339 = arith.constant 0 : i32
        %dma_start3A_340 = arith.constant 0 : i32
        %dma_start3A_341 = tpu.memref_slice %arg7[%dma_start3A_338, %dma_start3A_339, %dma_start3A_340] : memref<5x40x128xf32, #tpu.memory_space<vmem>> -> memref<1x40x128xf32, #tpu.memory_space<vmem>>
        %dma_start3A_342 = tpu.memref_squeeze %dma_start3A_341 : memref<1x40x128xf32, #tpu.memory_space<vmem>> -> memref<40x128xf32, #tpu.memory_space<vmem>>
        %dma_start3A_343 = arith.constant 0 : i32
        %dma_start3A_344 = tpu.memref_slice %arg5[%add3A_337, %dma_start3A_343] : memref<250x40xi32, #tpu.memory_space<vmem>> -> memref<1x40xi32, #tpu.memory_space<vmem>>
        %dma_start3A_345 = tpu.memref_squeeze %dma_start3A_344 : memref<1x40xi32, #tpu.memory_space<vmem>> -> memref<40xi32, #tpu.memory_space<vmem>>
        %dma_start3A_346 = arith.constant 0 : i32
        %dma_start3A_347 = arith.constant 0 : i32
        %dma_start3A_348 = tpu.memref_slice %arg2[%dma_start3A_346, %dma_start3A_347] : memref<10000x128xf32, #tpu.memory_space<hbm>> -> memref<10000x128xf32, #tpu.memory_space<hbm>>
        tpu.enqueue_indirect_dma source(%dma_start3A_348 : memref<10000x128xf32, #tpu.memory_space<hbm>>) target(%dma_start3A_342 : memref<40x128xf32, #tpu.memory_space<vmem>>) offsets(%dma_start3A_345 : memref<40xi32, #tpu.memory_space<vmem>>) semaphore(%arg9 : memref<!tpu.dma_semaphore, #tpu.memory_space<semaphore_mem>>)
      } else {
      }
      %dma_wait3A_235 = arith.constant 0 : i32
      %dma_wait3A_236 = arith.constant 0 : i32
      %dma_wait3A_237 = arith.constant 0 : i32
      %dma_wait3A_238 = arith.constant 0 : i32
      %dma_wait3A_239 = tpu.memref_slice %arg7[%dma_wait3A_236, %dma_wait3A_237, %dma_wait3A_238] : memref<5x40x128xf32, #tpu.memory_space<vmem>> -> memref<1x40x128xf32, #tpu.memory_space<vmem>>
      %dma_wait3A_240 = tpu.memref_squeeze %dma_wait3A_239 : memref<1x40x128xf32, #tpu.memory_space<vmem>> -> memref<40x128xf32, #tpu.memory_space<vmem>>
      %dma_wait3A_241 = arith.constant 0 : i32
      %dma_wait3A_242 = tpu.memref_slice %arg5[%dma_wait3A_235, %dma_wait3A_241] : memref<250x40xi32, #tpu.memory_space<vmem>> -> memref<1x40xi32, #tpu.memory_space<vmem>>
      %dma_wait3A_243 = tpu.memref_squeeze %dma_wait3A_242 : memref<1x40xi32, #tpu.memory_space<vmem>> -> memref<40xi32, #tpu.memory_space<vmem>>
      %dma_wait3A_244 = arith.constant 0 : i32
      %dma_wait3A_245 = arith.constant 0 : i32
      %dma_wait3A_246 = tpu.memref_slice %arg2[%dma_wait3A_244, %dma_wait3A_245] : memref<10000x128xf32, #tpu.memory_space<hbm>> -> memref<10000x128xf32, #tpu.memory_space<hbm>>
      tpu.wait_indirect_dma semaphore(%arg9 : memref<!tpu.dma_semaphore, #tpu.memory_space<semaphore_mem>>) src(%dma_wait3A_246 : memref<10000x128xf32, #tpu.memory_space<hbm>>) dst(%dma_wait3A_240 : memref<40x128xf32, #tpu.memory_space<vmem>>)
      %dma_start3A_247 = arith.constant 2 : i32
      %dma_start3A_248 = arith.constant 0 : i32
      %dma_start3A_249 = arith.constant 0 : i32
      %dma_start3A_250 = tpu.memref_slice %arg7[%dma_start3A_247, %dma_start3A_248, %dma_start3A_249] : memref<5x40x128xf32, #tpu.memory_space<vmem>> -> memref<1x40x128xf32, #tpu.memory_space<vmem>>
      %dma_start3A_251 = tpu.memref_squeeze %dma_start3A_250 : memref<1x40x128xf32, #tpu.memory_space<vmem>> -> memref<40x128xf32, #tpu.memory_space<vmem>>
      %dma_start3A_252 = arith.constant 0 : i32
      %dma_start3A_253 = tpu.memref_slice %arg6[%add3A_222, %dma_start3A_252] : memref<250x40xi32, #tpu.memory_space<vmem>> -> memref<1x40xi32, #tpu.memory_space<vmem>>
      %dma_start3A_254 = tpu.memref_squeeze %dma_start3A_253 : memref<1x40xi32, #tpu.memory_space<vmem>> -> memref<40xi32, #tpu.memory_space<vmem>>
      %dma_start3A_255 = arith.constant 0 : i32
      %dma_start3A_256 = arith.constant 0 : i32
      %dma_start3A_257 = tpu.memref_slice %arg8[%dma_start3A_255, %dma_start3A_256] : memref<10240x128xf32, #tpu.memory_space<vmem_shared>> -> memref<10240x128xf32, #tpu.memory_space<vmem_shared>>
      tpu.enqueue_indirect_dma source(%dma_start3A_251 : memref<40x128xf32, #tpu.memory_space<vmem>>) target(%dma_start3A_257 : memref<10240x128xf32, #tpu.memory_space<vmem_shared>>) offsets(%dma_start3A_254 : memref<40xi32, #tpu.memory_space<vmem>>) semaphore(%arg10 : memref<!tpu.dma_semaphore, #tpu.memory_space<semaphore_mem>>) {add = true}
      %mul3A_258 = arith.constant 5 : i32
      %mul3A_259 = arith.muli %scan3A_144, %mul3A_258 : i32
      %add3A_260 = arith.constant 3 : i32
      %add3A_261 = arith.addi %mul3A_259, %add3A_260 : i32
      %ge3A_262 = arith.constant 2 : i32
      %ge3A_263 = arith.cmpi sge, %add3A_261, %ge3A_262 : i32
      %convert_element_type3A_264 = arith.extui %ge3A_263 : i1 to i32
      %cond3A_265 = arith.constant 0 : i32
      %cond3A_266 = arith.cmpi ne, %convert_element_type3A_264, %cond3A_265 : i32
      scf.if %cond3A_266 {
        %dma_wait3A_336 = arith.constant 0 : i32
        %dma_wait3A_337 = arith.constant 0 : i32
        %dma_wait3A_338 = arith.constant 0 : i32
        %dma_wait3A_339 = arith.constant 0 : i32
        %dma_wait3A_340 = tpu.memref_slice %arg7[%dma_wait3A_336, %dma_wait3A_338, %dma_wait3A_339] : memref<5x40x128xf32, #tpu.memory_space<vmem>> -> memref<1x40x128xf32, #tpu.memory_space<vmem>>
        %dma_wait3A_341 = tpu.memref_squeeze %dma_wait3A_340 : memref<1x40x128xf32, #tpu.memory_space<vmem>> -> memref<40x128xf32, #tpu.memory_space<vmem>>
        %dma_wait3A_342 = arith.constant 0 : i32
        %dma_wait3A_343 = tpu.memref_slice %arg6[%dma_wait3A_337, %dma_wait3A_342] : memref<250x40xi32, #tpu.memory_space<vmem>> -> memref<1x40xi32, #tpu.memory_space<vmem>>
        %dma_wait3A_344 = tpu.memref_squeeze %dma_wait3A_343 : memref<1x40xi32, #tpu.memory_space<vmem>> -> memref<40xi32, #tpu.memory_space<vmem>>
        %dma_wait3A_345 = arith.constant 0 : i32
        %dma_wait3A_346 = arith.constant 0 : i32
        %dma_wait3A_347 = tpu.memref_slice %arg8[%dma_wait3A_345, %dma_wait3A_346] : memref<10240x128xf32, #tpu.memory_space<vmem_shared>> -> memref<10240x128xf32, #tpu.memory_space<vmem_shared>>
        tpu.wait_indirect_dma semaphore(%arg10 : memref<!tpu.dma_semaphore, #tpu.memory_space<semaphore_mem>>) src(%dma_wait3A_341 : memref<40x128xf32, #tpu.memory_space<vmem>>) dst(%dma_wait3A_347 : memref<10240x128xf32, #tpu.memory_space<vmem_shared>>)
      } else {
      }
      %add3A_267 = arith.constant 2 : i32
      %add3A_268 = arith.addi %add3A_261, %add3A_267 : i32
      %lt3A_269 = arith.constant 250 : i32
      %lt3A_270 = arith.cmpi slt, %add3A_268, %lt3A_269 : i32
      %convert_element_type3A_271 = arith.extui %lt3A_270 : i1 to i32
      %cond3A_272 = arith.constant 0 : i32
      %cond3A_273 = arith.cmpi ne, %convert_element_type3A_271, %cond3A_272 : i32
      scf.if %cond3A_273 {
        %add3A_336 = arith.constant 2 : i32
        %add3A_337 = arith.addi %add3A_261, %add3A_336 : i32
        %dma_start3A_338 = arith.constant 0 : i32
        %dma_start3A_339 = arith.constant 0 : i32
        %dma_start3A_340 = arith.constant 0 : i32
        %dma_start3A_341 = tpu.memref_slice %arg7[%dma_start3A_338, %dma_start3A_339, %dma_start3A_340] : memref<5x40x128xf32, #tpu.memory_space<vmem>> -> memref<1x40x128xf32, #tpu.memory_space<vmem>>
        %dma_start3A_342 = tpu.memref_squeeze %dma_start3A_341 : memref<1x40x128xf32, #tpu.memory_space<vmem>> -> memref<40x128xf32, #tpu.memory_space<vmem>>
        %dma_start3A_343 = arith.constant 0 : i32
        %dma_start3A_344 = tpu.memref_slice %arg5[%add3A_337, %dma_start3A_343] : memref<250x40xi32, #tpu.memory_space<vmem>> -> memref<1x40xi32, #tpu.memory_space<vmem>>
        %dma_start3A_345 = tpu.memref_squeeze %dma_start3A_344 : memref<1x40xi32, #tpu.memory_space<vmem>> -> memref<40xi32, #tpu.memory_space<vmem>>
        %dma_start3A_346 = arith.constant 0 : i32
        %dma_start3A_347 = arith.constant 0 : i32
        %dma_start3A_348 = tpu.memref_slice %arg2[%dma_start3A_346, %dma_start3A_347] : memref<10000x128xf32, #tpu.memory_space<hbm>> -> memref<10000x128xf32, #tpu.memory_space<hbm>>
        tpu.enqueue_indirect_dma source(%dma_start3A_348 : memref<10000x128xf32, #tpu.memory_space<hbm>>) target(%dma_start3A_342 : memref<40x128xf32, #tpu.memory_space<vmem>>) offsets(%dma_start3A_345 : memref<40xi32, #tpu.memory_space<vmem>>) semaphore(%arg9 : memref<!tpu.dma_semaphore, #tpu.memory_space<semaphore_mem>>)
      } else {
      }
      %dma_wait3A_274 = arith.constant 0 : i32
      %dma_wait3A_275 = arith.constant 0 : i32
      %dma_wait3A_276 = arith.constant 0 : i32
      %dma_wait3A_277 = arith.constant 0 : i32
      %dma_wait3A_278 = tpu.memref_slice %arg7[%dma_wait3A_275, %dma_wait3A_276, %dma_wait3A_277] : memref<5x40x128xf32, #tpu.memory_space<vmem>> -> memref<1x40x128xf32, #tpu.memory_space<vmem>>
      %dma_wait3A_279 = tpu.memref_squeeze %dma_wait3A_278 : memref<1x40x128xf32, #tpu.memory_space<vmem>> -> memref<40x128xf32, #tpu.memory_space<vmem>>
      %dma_wait3A_280 = arith.constant 0 : i32
      %dma_wait3A_281 = tpu.memref_slice %arg5[%dma_wait3A_274, %dma_wait3A_280] : memref<250x40xi32, #tpu.memory_space<vmem>> -> memref<1x40xi32, #tpu.memory_space<vmem>>
      %dma_wait3A_282 = tpu.memref_squeeze %dma_wait3A_281 : memref<1x40xi32, #tpu.memory_space<vmem>> -> memref<40xi32, #tpu.memory_space<vmem>>
      %dma_wait3A_283 = arith.constant 0 : i32
      %dma_wait3A_284 = arith.constant 0 : i32
      %dma_wait3A_285 = tpu.memref_slice %arg2[%dma_wait3A_283, %dma_wait3A_284] : memref<10000x128xf32, #tpu.memory_space<hbm>> -> memref<10000x128xf32, #tpu.memory_space<hbm>>
      tpu.wait_indirect_dma semaphore(%arg9 : memref<!tpu.dma_semaphore, #tpu.memory_space<semaphore_mem>>) src(%dma_wait3A_285 : memref<10000x128xf32, #tpu.memory_space<hbm>>) dst(%dma_wait3A_279 : memref<40x128xf32, #tpu.memory_space<vmem>>)
      %dma_start3A_286 = arith.constant 3 : i32
      %dma_start3A_287 = arith.constant 0 : i32
      %dma_start3A_288 = arith.constant 0 : i32
      %dma_start3A_289 = tpu.memref_slice %arg7[%dma_start3A_286, %dma_start3A_287, %dma_start3A_288] : memref<5x40x128xf32, #tpu.memory_space<vmem>> -> memref<1x40x128xf32, #tpu.memory_space<vmem>>
      %dma_start3A_290 = tpu.memref_squeeze %dma_start3A_289 : memref<1x40x128xf32, #tpu.memory_space<vmem>> -> memref<40x128xf32, #tpu.memory_space<vmem>>
      %dma_start3A_291 = arith.constant 0 : i32
      %dma_start3A_292 = tpu.memref_slice %arg6[%add3A_261, %dma_start3A_291] : memref<250x40xi32, #tpu.memory_space<vmem>> -> memref<1x40xi32, #tpu.memory_space<vmem>>
      %dma_start3A_293 = tpu.memref_squeeze %dma_start3A_292 : memref<1x40xi32, #tpu.memory_space<vmem>> -> memref<40xi32, #tpu.memory_space<vmem>>
      %dma_start3A_294 = arith.constant 0 : i32
      %dma_start3A_295 = arith.constant 0 : i32
      %dma_start3A_296 = tpu.memref_slice %arg8[%dma_start3A_294, %dma_start3A_295] : memref<10240x128xf32, #tpu.memory_space<vmem_shared>> -> memref<10240x128xf32, #tpu.memory_space<vmem_shared>>
      tpu.enqueue_indirect_dma source(%dma_start3A_290 : memref<40x128xf32, #tpu.memory_space<vmem>>) target(%dma_start3A_296 : memref<10240x128xf32, #tpu.memory_space<vmem_shared>>) offsets(%dma_start3A_293 : memref<40xi32, #tpu.memory_space<vmem>>) semaphore(%arg10 : memref<!tpu.dma_semaphore, #tpu.memory_space<semaphore_mem>>) {add = true}
      %mul3A_297 = arith.constant 5 : i32
      %mul3A_298 = arith.muli %scan3A_144, %mul3A_297 : i32
      %add3A_299 = arith.constant 4 : i32
      %add3A_300 = arith.addi %mul3A_298, %add3A_299 : i32
      %ge3A_301 = arith.constant 2 : i32
      %ge3A_302 = arith.cmpi sge, %add3A_300, %ge3A_301 : i32
      %convert_element_type3A_303 = arith.extui %ge3A_302 : i1 to i32
      %cond3A_304 = arith.constant 0 : i32
      %cond3A_305 = arith.cmpi ne, %convert_element_type3A_303, %cond3A_304 : i32
      scf.if %cond3A_305 {
        %dma_wait3A_336 = arith.constant 0 : i32
        %dma_wait3A_337 = arith.constant 0 : i32
        %dma_wait3A_338 = arith.constant 0 : i32
        %dma_wait3A_339 = arith.constant 0 : i32
        %dma_wait3A_340 = tpu.memref_slice %arg7[%dma_wait3A_336, %dma_wait3A_338, %dma_wait3A_339] : memref<5x40x128xf32, #tpu.memory_space<vmem>> -> memref<1x40x128xf32, #tpu.memory_space<vmem>>
        %dma_wait3A_341 = tpu.memref_squeeze %dma_wait3A_340 : memref<1x40x128xf32, #tpu.memory_space<vmem>> -> memref<40x128xf32, #tpu.memory_space<vmem>>
        %dma_wait3A_342 = arith.constant 0 : i32
        %dma_wait3A_343 = tpu.memref_slice %arg6[%dma_wait3A_337, %dma_wait3A_342] : memref<250x40xi32, #tpu.memory_space<vmem>> -> memref<1x40xi32, #tpu.memory_space<vmem>>
        %dma_wait3A_344 = tpu.memref_squeeze %dma_wait3A_343 : memref<1x40xi32, #tpu.memory_space<vmem>> -> memref<40xi32, #tpu.memory_space<vmem>>
        %dma_wait3A_345 = arith.constant 0 : i32
        %dma_wait3A_346 = arith.constant 0 : i32
        %dma_wait3A_347 = tpu.memref_slice %arg8[%dma_wait3A_345, %dma_wait3A_346] : memref<10240x128xf32, #tpu.memory_space<vmem_shared>> -> memref<10240x128xf32, #tpu.memory_space<vmem_shared>>
        tpu.wait_indirect_dma semaphore(%arg10 : memref<!tpu.dma_semaphore, #tpu.memory_space<semaphore_mem>>) src(%dma_wait3A_341 : memref<40x128xf32, #tpu.memory_space<vmem>>) dst(%dma_wait3A_347 : memref<10240x128xf32, #tpu.memory_space<vmem_shared>>)
      } else {
      }
      %add3A_306 = arith.constant 2 : i32
      %add3A_307 = arith.addi %add3A_300, %add3A_306 : i32
      %lt3A_308 = arith.constant 250 : i32
      %lt3A_309 = arith.cmpi slt, %add3A_307, %lt3A_308 : i32
      %convert_element_type3A_310 = arith.extui %lt3A_309 : i1 to i32
      %cond3A_311 = arith.constant 0 : i32
      %cond3A_312 = arith.cmpi ne, %convert_element_type3A_310, %cond3A_311 : i32
      scf.if %cond3A_312 {
        %add3A_336 = arith.constant 2 : i32
        %add3A_337 = arith.addi %add3A_300, %add3A_336 : i32
        %dma_start3A_338 = arith.constant 1 : i32
        %dma_start3A_339 = arith.constant 0 : i32
        %dma_start3A_340 = arith.constant 0 : i32
        %dma_start3A_341 = tpu.memref_slice %arg7[%dma_start3A_338, %dma_start3A_339, %dma_start3A_340] : memref<5x40x128xf32, #tpu.memory_space<vmem>> -> memref<1x40x128xf32, #tpu.memory_space<vmem>>
        %dma_start3A_342 = tpu.memref_squeeze %dma_start3A_341 : memref<1x40x128xf32, #tpu.memory_space<vmem>> -> memref<40x128xf32, #tpu.memory_space<vmem>>
        %dma_start3A_343 = arith.constant 0 : i32
        %dma_start3A_344 = tpu.memref_slice %arg5[%add3A_337, %dma_start3A_343] : memref<250x40xi32, #tpu.memory_space<vmem>> -> memref<1x40xi32, #tpu.memory_space<vmem>>
        %dma_start3A_345 = tpu.memref_squeeze %dma_start3A_344 : memref<1x40xi32, #tpu.memory_space<vmem>> -> memref<40xi32, #tpu.memory_space<vmem>>
        %dma_start3A_346 = arith.constant 0 : i32
        %dma_start3A_347 = arith.constant 0 : i32
        %dma_start3A_348 = tpu.memref_slice %arg2[%dma_start3A_346, %dma_start3A_347] : memref<10000x128xf32, #tpu.memory_space<hbm>> -> memref<10000x128xf32, #tpu.memory_space<hbm>>
        tpu.enqueue_indirect_dma source(%dma_start3A_348 : memref<10000x128xf32, #tpu.memory_space<hbm>>) target(%dma_start3A_342 : memref<40x128xf32, #tpu.memory_space<vmem>>) offsets(%dma_start3A_345 : memref<40xi32, #tpu.memory_space<vmem>>) semaphore(%arg9 : memref<!tpu.dma_semaphore, #tpu.memory_space<semaphore_mem>>)
      } else {
      }
      %dma_wait3A_313 = arith.constant 0 : i32
      %dma_wait3A_314 = arith.constant 0 : i32
      %dma_wait3A_315 = arith.constant 0 : i32
      %dma_wait3A_316 = arith.constant 0 : i32
      %dma_wait3A_317 = tpu.memref_slice %arg7[%dma_wait3A_314, %dma_wait3A_315, %dma_wait3A_316] : memref<5x40x128xf32, #tpu.memory_space<vmem>> -> memref<1x40x128xf32, #tpu.memory_space<vmem>>
      %dma_wait3A_318 = tpu.memref_squeeze %dma_wait3A_317 : memref<1x40x128xf32, #tpu.memory_space<vmem>> -> memref<40x128xf32, #tpu.memory_space<vmem>>
      %dma_wait3A_319 = arith.constant 0 : i32
      %dma_wait3A_320 = tpu.memref_slice %arg5[%dma_wait3A_313, %dma_wait3A_319] : memref<250x40xi32, #tpu.memory_space<vmem>> -> memref<1x40xi32, #tpu.memory_space<vmem>>
      %dma_wait3A_321 = tpu.memref_squeeze %dma_wait3A_320 : memref<1x40xi32, #tpu.memory_space<vmem>> -> memref<40xi32, #tpu.memory_space<vmem>>
      %dma_wait3A_322 = arith.constant 0 : i32
      %dma_wait3A_323 = arith.constant 0 : i32
      %dma_wait3A_324 = tpu.memref_slice %arg2[%dma_wait3A_322, %dma_wait3A_323] : memref<10000x128xf32, #tpu.memory_space<hbm>> -> memref<10000x128xf32, #tpu.memory_space<hbm>>
      tpu.wait_indirect_dma semaphore(%arg9 : memref<!tpu.dma_semaphore, #tpu.memory_space<semaphore_mem>>) src(%dma_wait3A_324 : memref<10000x128xf32, #tpu.memory_space<hbm>>) dst(%dma_wait3A_318 : memref<40x128xf32, #tpu.memory_space<vmem>>)
      %dma_start3A_325 = arith.constant 4 : i32
      %dma_start3A_326 = arith.constant 0 : i32
      %dma_start3A_327 = arith.constant 0 : i32
      %dma_start3A_328 = tpu.memref_slice %arg7[%dma_start3A_325, %dma_start3A_326, %dma_start3A_327] : memref<5x40x128xf32, #tpu.memory_space<vmem>> -> memref<1x40x128xf32, #tpu.memory_space<vmem>>
      %dma_start3A_329 = tpu.memref_squeeze %dma_start3A_328 : memref<1x40x128xf32, #tpu.memory_space<vmem>> -> memref<40x128xf32, #tpu.memory_space<vmem>>
      %dma_start3A_330 = arith.constant 0 : i32
      %dma_start3A_331 = tpu.memref_slice %arg6[%add3A_300, %dma_start3A_330] : memref<250x40xi32, #tpu.memory_space<vmem>> -> memref<1x40xi32, #tpu.memory_space<vmem>>
      %dma_start3A_332 = tpu.memref_squeeze %dma_start3A_331 : memref<1x40xi32, #tpu.memory_space<vmem>> -> memref<40xi32, #tpu.memory_space<vmem>>
      %dma_start3A_333 = arith.constant 0 : i32
      %dma_start3A_334 = arith.constant 0 : i32
      %dma_start3A_335 = tpu.memref_slice %arg8[%dma_start3A_333, %dma_start3A_334] : memref<10240x128xf32, #tpu.memory_space<vmem_shared>> -> memref<10240x128xf32, #tpu.memory_space<vmem_shared>>
      tpu.enqueue_indirect_dma source(%dma_start3A_329 : memref<40x128xf32, #tpu.memory_space<vmem>>) target(%dma_start3A_335 : memref<10240x128xf32, #tpu.memory_space<vmem_shared>>) offsets(%dma_start3A_332 : memref<40xi32, #tpu.memory_space<vmem>>) semaphore(%arg10 : memref<!tpu.dma_semaphore, #tpu.memory_space<semaphore_mem>>) {add = true}
    }
    %scan3A_115 = arith.constant 50 : i32
    %dma_wait3A = arith.constant 0 : i32
    %dma_wait3A_116 = arith.constant 0 : i32
    %dma_wait3A_117 = arith.constant 0 : i32
    %dma_wait3A_118 = arith.constant 0 : i32
    %dma_wait3A_119 = tpu.memref_slice %arg7[%dma_wait3A, %dma_wait3A_117, %dma_wait3A_118] : memref<5x40x128xf32, #tpu.memory_space<vmem>> -> memref<1x40x128xf32, #tpu.memory_space<vmem>>
    %dma_wait3A_120 = tpu.memref_squeeze %dma_wait3A_119 : memref<1x40x128xf32, #tpu.memory_space<vmem>> -> memref<40x128xf32, #tpu.memory_space<vmem>>
    %dma_wait3A_121 = arith.constant 0 : i32
    %dma_wait3A_122 = tpu.memref_slice %arg6[%dma_wait3A_116, %dma_wait3A_121] : memref<250x40xi32, #tpu.memory_space<vmem>> -> memref<1x40xi32, #tpu.memory_space<vmem>>
    %dma_wait3A_123 = tpu.memref_squeeze %dma_wait3A_122 : memref<1x40xi32, #tpu.memory_space<vmem>> -> memref<40xi32, #tpu.memory_space<vmem>>
    %dma_wait3A_124 = arith.constant 0 : i32
    %dma_wait3A_125 = arith.constant 0 : i32
    %dma_wait3A_126 = tpu.memref_slice %arg8[%dma_wait3A_124, %dma_wait3A_125] : memref<10240x128xf32, #tpu.memory_space<vmem_shared>> -> memref<10240x128xf32, #tpu.memory_space<vmem_shared>>
    tpu.wait_indirect_dma semaphore(%arg10 : memref<!tpu.dma_semaphore, #tpu.memory_space<semaphore_mem>>) src(%dma_wait3A_120 : memref<40x128xf32, #tpu.memory_space<vmem>>) dst(%dma_wait3A_126 : memref<10240x128xf32, #tpu.memory_space<vmem_shared>>)
    %dma_wait3A_127 = arith.constant 0 : i32
    %dma_wait3A_128 = arith.constant 0 : i32
    %dma_wait3A_129 = arith.constant 0 : i32
    %dma_wait3A_130 = arith.constant 0 : i32
    %dma_wait3A_131 = tpu.memref_slice %arg7[%dma_wait3A_127, %dma_wait3A_129, %dma_wait3A_130] : memref<5x40x128xf32, #tpu.memory_space<vmem>> -> memref<1x40x128xf32, #tpu.memory_space<vmem>>
    %dma_wait3A_132 = tpu.memref_squeeze %dma_wait3A_131 : memref<1x40x128xf32, #tpu.memory_space<vmem>> -> memref<40x128xf32, #tpu.memory_space<vmem>>
    %dma_wait3A_133 = arith.constant 0 : i32
    %dma_wait3A_134 = tpu.memref_slice %arg6[%dma_wait3A_128, %dma_wait3A_133] : memref<250x40xi32, #tpu.memory_space<vmem>> -> memref<1x40xi32, #tpu.memory_space<vmem>>
    %dma_wait3A_135 = tpu.memref_squeeze %dma_wait3A_134 : memref<1x40xi32, #tpu.memory_space<vmem>> -> memref<40xi32, #tpu.memory_space<vmem>>
    %dma_wait3A_136 = arith.constant 0 : i32
    %dma_wait3A_137 = arith.constant 0 : i32
    %dma_wait3A_138 = tpu.memref_slice %arg8[%dma_wait3A_136, %dma_wait3A_137] : memref<10240x128xf32, #tpu.memory_space<vmem_shared>> -> memref<10240x128xf32, #tpu.memory_space<vmem_shared>>
    tpu.wait_indirect_dma semaphore(%arg10 : memref<!tpu.dma_semaphore, #tpu.memory_space<semaphore_mem>>) src(%dma_wait3A_132 : memref<40x128xf32, #tpu.memory_space<vmem>>) dst(%dma_wait3A_138 : memref<10240x128xf32, #tpu.memory_space<vmem_shared>>)
    %barrier3A_139 = arith.constant 0 : index
    tpu.barrier barrier_id(%barrier3A_139)
    %mul3A_140 = arith.constant 640 : i32
    %mul3A_141 = arith.muli %arg1, %mul3A_140 : i32
    %mul3A_142 = arith.constant 640 : i32
    %mul3A_143 = arith.muli %arg1, %mul3A_142 : i32
    "tpu.region"() ({
      %run_scoped3A_144 = tpu.sem_alloc : memref<!tpu.dma_semaphore, #tpu.memory_space<semaphore_mem>>
      %dma_start3A_145 = arith.constant 0 : i32
      %dma_start3A_146 = tpu.memref_slice %arg4[%arg0, %mul3A_143, %dma_start3A_145] : memref<2x10240x128xf32, #tpu.memory_space<hbm>> -> memref<1x640x128xf32, #tpu.memory_space<hbm>>
      %dma_start3A_147 = tpu.memref_squeeze %dma_start3A_146 : memref<1x640x128xf32, #tpu.memory_space<hbm>> -> memref<640x128xf32, #tpu.memory_space<hbm>>
      %dma_start3A_148 = arith.constant 0 : i32
      %dma_start3A_149 = tpu.memref_slice %arg8[%mul3A_141, %dma_start3A_148] : memref<10240x128xf32, #tpu.memory_space<vmem_shared>> -> memref<640x128xf32, #tpu.memory_space<vmem_shared>>
      tpu.enqueue_dma source(%dma_start3A_149 : memref<640x128xf32, #tpu.memory_space<vmem_shared>>) target(%dma_start3A_147 : memref<640x128xf32, #tpu.memory_space<hbm>>) target_semaphore(%run_scoped3A_144 : memref<!tpu.dma_semaphore, #tpu.memory_space<semaphore_mem>>)
      %dma_wait3A_150 = arith.constant 0 : i32
      %dma_wait3A_151 = tpu.memref_slice %arg4[%arg0, %mul3A_143, %dma_wait3A_150] : memref<2x10240x128xf32, #tpu.memory_space<hbm>> -> memref<1x640x128xf32, #tpu.memory_space<hbm>>
      %dma_wait3A_152 = tpu.memref_squeeze %dma_wait3A_151 : memref<1x640x128xf32, #tpu.memory_space<hbm>> -> memref<640x128xf32, #tpu.memory_space<hbm>>
      %dma_wait3A_153 = arith.constant 0 : i32
      %dma_wait3A_154 = tpu.memref_slice %arg8[%mul3A_141, %dma_wait3A_153] : memref<10240x128xf32, #tpu.memory_space<vmem_shared>> -> memref<640x128xf32, #tpu.memory_space<vmem_shared>>
      tpu.wait_dma2 semaphore(%run_scoped3A_144 : memref<!tpu.dma_semaphore, #tpu.memory_space<semaphore_mem>>) src(%dma_wait3A_154 : memref<640x128xf32, #tpu.memory_space<vmem_shared>>) dst(%dma_wait3A_152 : memref<640x128xf32, #tpu.memory_space<hbm>>)
      tpu.yield
    }) : () -> ()
    return
  }
}

#map = affine_map<(d0, d1) -> (0, 0, 0, 0)>
#map1 = affine_map<(d0, d1) -> (0, 0)>
module attributes {stable_mosaic.version = 14 : i64} {
  func.func @count_kernel(%arg0: i32, %arg1: i32, %arg2: memref<2x32x125x80xi32, #tpu.memory_space<hbm>>, %arg3: memref<2x10240xf32, #tpu.memory_space<hbm>>, %arg4: memref<125x80xi32, #tpu.memory_space<vmem>>, %arg5: memref<80xf32, #tpu.memory_space<vmem>>, %arg6: memref<640xf32, #tpu.memory_space<vmem>>, %arg7: memref<10240xf32, #tpu.memory_space<vmem_shared>>, %arg8: memref<!tpu.dma_semaphore, #tpu.memory_space<semaphore_mem>>) attributes {dimension_semantics = [#tpu.dimension_semantics<core_parallel>, #tpu.dimension_semantics<subcore_parallel>], iteration_bounds = array<i64: 2, 16>, scalar_prefetch = 0 : i64, scratch_operands = 5 : i64, tpu.core_type = #tpu.core_type<sc_vector_subcore>, window_params = [{transform_indices = #map}, {transform_indices = #map1}]} {
    %mul3A = arith.constant 2 : i32
    %mul3A_0 = arith.muli %arg1, %mul3A : i32
    %add3A = arith.addi %mul3A_0, %arg0 : i32
    %scan3A = arith.constant 0 : i32
    %scan3A_1 = arith.constant 0 : i32
    %scan3A_2 = arith.constant 40 : i32
    %scan3A_3 = arith.addi %scan3A_1, %scan3A_2 : i32
    %scan3A_4 = arith.constant 1 : i32
    scf.for %scan3A_48 = %scan3A_1 to %scan3A_3 step %scan3A_4  : i32 {
      %broadcast_in_dim3A = arith.constant 0.000000e+00 : f32
      %broadcast_in_dim3A_49 = vector.broadcast %broadcast_in_dim3A : f32 to vector<16xf32>
      %mul3A_50 = arith.constant 16 : i32
      %mul3A_51 = arith.muli %scan3A_48, %mul3A_50 : i32
      %swap3A = arith.index_cast %mul3A_51 : i32 to index
      %swap3A_52 = tpu.vector_load %arg6[%swap3A] {strides = array<i32>} : memref<640xf32, #tpu.memory_space<vmem>>, vector<16xf32>,
      %swap3A_53 = vector.shape_cast %swap3A_52 : vector<16xf32> to vector<16xf32>
      %swap3A_54 = vector.shape_cast %broadcast_in_dim3A_49 : vector<16xf32> to vector<16xf32>
      tpu.vector_store %arg6[%swap3A], %swap3A_54 {strides = array<i32>} : memref<640xf32, #tpu.memory_space<vmem>>, vector<16xf32>,
    }
    %scan3A_5 = arith.constant 40 : i32
    %scan3A_6 = arith.constant 0 : i32
    %scan3A_7 = arith.constant 0 : i32
    %scan3A_8 = arith.constant 5 : i32
    %scan3A_9 = arith.addi %scan3A_7, %scan3A_8 : i32
    %scan3A_10 = arith.constant 1 : i32
    scf.for %scan3A_48 = %scan3A_7 to %scan3A_9 step %scan3A_10  : i32 {
      %broadcast_in_dim3A = arith.constant 1.000000e+00 : f32
      %broadcast_in_dim3A_49 = vector.broadcast %broadcast_in_dim3A : f32 to vector<16xf32>
      %mul3A_50 = arith.constant 16 : i32
      %mul3A_51 = arith.muli %scan3A_48, %mul3A_50 : i32
      %swap3A = arith.index_cast %mul3A_51 : i32 to index
      %swap3A_52 = tpu.vector_load %arg5[%swap3A] {strides = array<i32>} : memref<80xf32, #tpu.memory_space<vmem>>, vector<16xf32>,
      %swap3A_53 = vector.shape_cast %swap3A_52 : vector<16xf32> to vector<16xf32>
      %swap3A_54 = vector.shape_cast %broadcast_in_dim3A_49 : vector<16xf32> to vector<16xf32>
      tpu.vector_store %arg5[%swap3A], %swap3A_54 {strides = array<i32>} : memref<80xf32, #tpu.memory_space<vmem>>, vector<16xf32>,
    }
    %scan3A_11 = arith.constant 5 : i32
    %run_scoped3A = arith.constant 1 : i32
    "tpu.region"() ({
      %run_scoped3A_48 = tpu.sem_alloc : memref<!tpu.dma_semaphore, #tpu.memory_space<semaphore_mem>>
      %dma_start3A = arith.constant 0 : i32
      %dma_start3A_49 = arith.constant 0 : i32
      %dma_start3A_50 = tpu.memref_slice %arg2[%run_scoped3A, %add3A, %dma_start3A, %dma_start3A_49] : memref<2x32x125x80xi32, #tpu.memory_space<hbm>> -> memref<1x1x125x80xi32, #tpu.memory_space<hbm>>
      %dma_start3A_51 = tpu.memref_squeeze %dma_start3A_50 : memref<1x1x125x80xi32, #tpu.memory_space<hbm>> -> memref<125x80xi32, #tpu.memory_space<hbm>>
      %dma_start3A_52 = arith.constant 0 : i32
      %dma_start3A_53 = arith.constant 0 : i32
      %dma_start3A_54 = tpu.memref_slice %arg2[%run_scoped3A, %add3A, %dma_start3A_52, %dma_start3A_53] : memref<2x32x125x80xi32, #tpu.memory_space<hbm>> -> memref<1x1x125x80xi32, #tpu.memory_space<hbm>>
      %dma_start3A_55 = tpu.memref_squeeze %dma_start3A_54 : memref<1x1x125x80xi32, #tpu.memory_space<hbm>> -> memref<125x80xi32, #tpu.memory_space<hbm>>
      tpu.enqueue_dma source(%dma_start3A_55 : memref<125x80xi32, #tpu.memory_space<hbm>>) target(%arg4 : memref<125x80xi32, #tpu.memory_space<vmem>>) target_semaphore(%run_scoped3A_48 : memref<!tpu.dma_semaphore, #tpu.memory_space<semaphore_mem>>)
      %dma_wait3A_56 = arith.constant 0 : i32
      %dma_wait3A_57 = arith.constant 0 : i32
      %dma_wait3A_58 = tpu.memref_slice %arg2[%run_scoped3A, %add3A, %dma_wait3A_56, %dma_wait3A_57] : memref<2x32x125x80xi32, #tpu.memory_space<hbm>> -> memref<1x1x125x80xi32, #tpu.memory_space<hbm>>
      %dma_wait3A_59 = tpu.memref_squeeze %dma_wait3A_58 : memref<1x1x125x80xi32, #tpu.memory_space<hbm>> -> memref<125x80xi32, #tpu.memory_space<hbm>>
      %dma_wait3A_60 = arith.constant 0 : i32
      %dma_wait3A_61 = arith.constant 0 : i32
      %dma_wait3A_62 = tpu.memref_slice %arg2[%run_scoped3A, %add3A, %dma_wait3A_60, %dma_wait3A_61] : memref<2x32x125x80xi32, #tpu.memory_space<hbm>> -> memref<1x1x125x80xi32, #tpu.memory_space<hbm>>
      %dma_wait3A_63 = tpu.memref_squeeze %dma_wait3A_62 : memref<1x1x125x80xi32, #tpu.memory_space<hbm>> -> memref<125x80xi32, #tpu.memory_space<hbm>>
      tpu.wait_dma2 semaphore(%run_scoped3A_48 : memref<!tpu.dma_semaphore, #tpu.memory_space<semaphore_mem>>) src(%dma_wait3A_63 : memref<125x80xi32, #tpu.memory_space<hbm>>) dst(%arg4 : memref<125x80xi32, #tpu.memory_space<vmem>>)
      tpu.yield
    }) : () -> ()
    %mul3A_12 = arith.constant 640 : i32
    %mul3A_13 = arith.muli %arg1, %mul3A_12 : i32
    "tpu.region"() ({
      %run_scoped3A_48 = tpu.sem_alloc : memref<!tpu.dma_semaphore, #tpu.memory_space<semaphore_mem>>
      %dma_start3A = tpu.memref_slice %arg7[%mul3A_13] : memref<10240xf32, #tpu.memory_space<vmem_shared>> -> memref<640xf32, #tpu.memory_space<vmem_shared>>
      %dma_start3A_49 = tpu.memref_slice %arg7[%mul3A_13] : memref<10240xf32, #tpu.memory_space<vmem_shared>> -> memref<640xf32, #tpu.memory_space<vmem_shared>>
      tpu.enqueue_dma source(%arg6 : memref<640xf32, #tpu.memory_space<vmem>>) target(%dma_start3A_49 : memref<640xf32, #tpu.memory_space<vmem_shared>>) target_semaphore(%run_scoped3A_48 : memref<!tpu.dma_semaphore, #tpu.memory_space<semaphore_mem>>)
      %dma_wait3A_50 = tpu.memref_slice %arg7[%mul3A_13] : memref<10240xf32, #tpu.memory_space<vmem_shared>> -> memref<640xf32, #tpu.memory_space<vmem_shared>>
      %dma_wait3A_51 = tpu.memref_slice %arg7[%mul3A_13] : memref<10240xf32, #tpu.memory_space<vmem_shared>> -> memref<640xf32, #tpu.memory_space<vmem_shared>>
      tpu.wait_dma2 semaphore(%run_scoped3A_48 : memref<!tpu.dma_semaphore, #tpu.memory_space<semaphore_mem>>) src(%arg6 : memref<640xf32, #tpu.memory_space<vmem>>) dst(%dma_wait3A_51 : memref<640xf32, #tpu.memory_space<vmem_shared>>)
      tpu.yield
    }) : () -> ()
    %barrier3A = arith.constant 0 : index
    tpu.barrier barrier_id(%barrier3A)
    %scan3A_14 = arith.constant 0 : i32
    %scan3A_15 = arith.constant 0 : i32
    %scan3A_16 = arith.constant 125 : i32
    %scan3A_17 = arith.addi %scan3A_15, %scan3A_16 : i32
    %scan3A_18 = arith.constant 1 : i32
    scf.for %scan3A_48 = %scan3A_15 to %scan3A_17 step %scan3A_18  : i32 {
      %dma_start3A = arith.constant 0 : i32
      %dma_start3A_49 = tpu.memref_slice %arg4[%scan3A_48, %dma_start3A] : memref<125x80xi32, #tpu.memory_space<vmem>> -> memref<1x80xi32, #tpu.memory_space<vmem>>
      %dma_start3A_50 = tpu.memref_squeeze %dma_start3A_49 : memref<1x80xi32, #tpu.memory_space<vmem>> -> memref<80xi32, #tpu.memory_space<vmem>>
      %dma_start3A_51 = arith.constant 0 : i32
      %dma_start3A_52 = tpu.memref_slice %arg7[%dma_start3A_51] : memref<10240xf32, #tpu.memory_space<vmem_shared>> -> memref<10240xf32, #tpu.memory_space<vmem_shared>>
      tpu.enqueue_indirect_dma source(%arg5 : memref<80xf32, #tpu.memory_space<vmem>>) target(%dma_start3A_52 : memref<10240xf32, #tpu.memory_space<vmem_shared>>) offsets(%dma_start3A_50 : memref<80xi32, #tpu.memory_space<vmem>>) semaphore(%arg8 : memref<!tpu.dma_semaphore, #tpu.memory_space<semaphore_mem>>) {add = true}
      %ge3A = arith.constant 4 : i32
      %ge3A_53 = arith.cmpi sge, %scan3A_48, %ge3A : i32
      %convert_element_type3A = arith.extui %ge3A_53 : i1 to i32
      %cond3A = arith.constant 0 : i32
      %cond3A_54 = arith.cmpi ne, %convert_element_type3A, %cond3A : i32
      scf.if %cond3A_54 {
        %dma_wait3A_55 = arith.constant 0 : i32
        %dma_wait3A_56 = arith.constant 0 : i32
        %dma_wait3A_57 = tpu.memref_slice %arg4[%dma_wait3A_55, %dma_wait3A_56] : memref<125x80xi32, #tpu.memory_space<vmem>> -> memref<1x80xi32, #tpu.memory_space<vmem>>
        %dma_wait3A_58 = tpu.memref_squeeze %dma_wait3A_57 : memref<1x80xi32, #tpu.memory_space<vmem>> -> memref<80xi32, #tpu.memory_space<vmem>>
        %dma_wait3A_59 = arith.constant 0 : i32
        %dma_wait3A_60 = tpu.memref_slice %arg7[%dma_wait3A_59] : memref<10240xf32, #tpu.memory_space<vmem_shared>> -> memref<10240xf32, #tpu.memory_space<vmem_shared>>
        tpu.wait_indirect_dma semaphore(%arg8 : memref<!tpu.dma_semaphore, #tpu.memory_space<semaphore_mem>>) src(%arg5 : memref<80xf32, #tpu.memory_space<vmem>>) dst(%dma_wait3A_60 : memref<10240xf32, #tpu.memory_space<vmem_shared>>)
      } else {
      }
    }
    %scan3A_19 = arith.constant 125 : i32
    %dma_wait3A = arith.constant 0 : i32
    %dma_wait3A_20 = arith.constant 0 : i32
    %dma_wait3A_21 = tpu.memref_slice %arg4[%dma_wait3A, %dma_wait3A_20] : memref<125x80xi32, #tpu.memory_space<vmem>> -> memref<1x80xi32, #tpu.memory_space<vmem>>
    %dma_wait3A_22 = tpu.memref_squeeze %dma_wait3A_21 : memref<1x80xi32, #tpu.memory_space<vmem>> -> memref<80xi32, #tpu.memory_space<vmem>>
    %dma_wait3A_23 = arith.constant 0 : i32
    %dma_wait3A_24 = tpu.memref_slice %arg7[%dma_wait3A_23] : memref<10240xf32, #tpu.memory_space<vmem_shared>> -> memref<10240xf32, #tpu.memory_space<vmem_shared>>
    tpu.wait_indirect_dma semaphore(%arg8 : memref<!tpu.dma_semaphore, #tpu.memory_space<semaphore_mem>>) src(%arg5 : memref<80xf32, #tpu.memory_space<vmem>>) dst(%dma_wait3A_24 : memref<10240xf32, #tpu.memory_space<vmem_shared>>)
    %dma_wait3A_25 = arith.constant 0 : i32
    %dma_wait3A_26 = arith.constant 0 : i32
    %dma_wait3A_27 = tpu.memref_slice %arg4[%dma_wait3A_25, %dma_wait3A_26] : memref<125x80xi32, #tpu.memory_space<vmem>> -> memref<1x80xi32, #tpu.memory_space<vmem>>
    %dma_wait3A_28 = tpu.memref_squeeze %dma_wait3A_27 : memref<1x80xi32, #tpu.memory_space<vmem>> -> memref<80xi32, #tpu.memory_space<vmem>>
    %dma_wait3A_29 = arith.constant 0 : i32
    %dma_wait3A_30 = tpu.memref_slice %arg7[%dma_wait3A_29] : memref<10240xf32, #tpu.memory_space<vmem_shared>> -> memref<10240xf32, #tpu.memory_space<vmem_shared>>
    tpu.wait_indirect_dma semaphore(%arg8 : memref<!tpu.dma_semaphore, #tpu.memory_space<semaphore_mem>>) src(%arg5 : memref<80xf32, #tpu.memory_space<vmem>>) dst(%dma_wait3A_30 : memref<10240xf32, #tpu.memory_space<vmem_shared>>)
    %dma_wait3A_31 = arith.constant 0 : i32
    %dma_wait3A_32 = arith.constant 0 : i32
    %dma_wait3A_33 = tpu.memref_slice %arg4[%dma_wait3A_31, %dma_wait3A_32] : memref<125x80xi32, #tpu.memory_space<vmem>> -> memref<1x80xi32, #tpu.memory_space<vmem>>
    %dma_wait3A_34 = tpu.memref_squeeze %dma_wait3A_33 : memref<1x80xi32, #tpu.memory_space<vmem>> -> memref<80xi32, #tpu.memory_space<vmem>>
    %dma_wait3A_35 = arith.constant 0 : i32
    %dma_wait3A_36 = tpu.memref_slice %arg7[%dma_wait3A_35] : memref<10240xf32, #tpu.memory_space<vmem_shared>> -> memref<10240xf32, #tpu.memory_space<vmem_shared>>
    tpu.wait_indirect_dma semaphore(%arg8 : memref<!tpu.dma_semaphore, #tpu.memory_space<semaphore_mem>>) src(%arg5 : memref<80xf32, #tpu.memory_space<vmem>>) dst(%dma_wait3A_36 : memref<10240xf32, #tpu.memory_space<vmem_shared>>)
    %dma_wait3A_37 = arith.constant 0 : i32
    %dma_wait3A_38 = arith.constant 0 : i32
    %dma_wait3A_39 = tpu.memref_slice %arg4[%dma_wait3A_37, %dma_wait3A_38] : memref<125x80xi32, #tpu.memory_space<vmem>> -> memref<1x80xi32, #tpu.memory_space<vmem>>
    %dma_wait3A_40 = tpu.memref_squeeze %dma_wait3A_39 : memref<1x80xi32, #tpu.memory_space<vmem>> -> memref<80xi32, #tpu.memory_space<vmem>>
    %dma_wait3A_41 = arith.constant 0 : i32
    %dma_wait3A_42 = tpu.memref_slice %arg7[%dma_wait3A_41] : memref<10240xf32, #tpu.memory_space<vmem_shared>> -> memref<10240xf32, #tpu.memory_space<vmem_shared>>
    tpu.wait_indirect_dma semaphore(%arg8 : memref<!tpu.dma_semaphore, #tpu.memory_space<semaphore_mem>>) src(%arg5 : memref<80xf32, #tpu.memory_space<vmem>>) dst(%dma_wait3A_42 : memref<10240xf32, #tpu.memory_space<vmem_shared>>)
    %barrier3A_43 = arith.constant 0 : index
    tpu.barrier barrier_id(%barrier3A_43)
    %mul3A_44 = arith.constant 640 : i32
    %mul3A_45 = arith.muli %arg1, %mul3A_44 : i32
    %mul3A_46 = arith.constant 640 : i32
    %mul3A_47 = arith.muli %arg1, %mul3A_46 : i32
    "tpu.region"() ({
      %run_scoped3A_48 = tpu.sem_alloc : memref<!tpu.dma_semaphore, #tpu.memory_space<semaphore_mem>>
      %dma_start3A = tpu.memref_slice %arg3[%arg0, %mul3A_47] : memref<2x10240xf32, #tpu.memory_space<hbm>> -> memref<1x640xf32, #tpu.memory_space<hbm>>
      %dma_start3A_49 = tpu.memref_squeeze %dma_start3A : memref<1x640xf32, #tpu.memory_space<hbm>> -> memref<640xf32, #tpu.memory_space<hbm>>
      %dma_start3A_50 = tpu.memref_slice %arg7[%mul3A_45] : memref<10240xf32, #tpu.memory_space<vmem_shared>> -> memref<640xf32, #tpu.memory_space<vmem_shared>>
      tpu.enqueue_dma source(%dma_start3A_50 : memref<640xf32, #tpu.memory_space<vmem_shared>>) target(%dma_start3A_49 : memref<640xf32, #tpu.memory_space<hbm>>) target_semaphore(%run_scoped3A_48 : memref<!tpu.dma_semaphore, #tpu.memory_space<semaphore_mem>>)
      %dma_wait3A_51 = tpu.memref_slice %arg3[%arg0, %mul3A_47] : memref<2x10240xf32, #tpu.memory_space<hbm>> -> memref<1x640xf32, #tpu.memory_space<hbm>>
      %dma_wait3A_52 = tpu.memref_squeeze %dma_wait3A_51 : memref<1x640xf32, #tpu.memory_space<hbm>> -> memref<640xf32, #tpu.memory_space<hbm>>
      %dma_wait3A_53 = tpu.memref_slice %arg7[%mul3A_45] : memref<10240xf32, #tpu.memory_space<vmem_shared>> -> memref<640xf32, #tpu.memory_space<vmem_shared>>
      tpu.wait_dma2 semaphore(%run_scoped3A_48 : memref<!tpu.dma_semaphore, #tpu.memory_space<semaphore_mem>>) src(%dma_wait3A_53 : memref<640xf32, #tpu.memory_space<vmem_shared>>) dst(%dma_wait3A_52 : memref<640xf32, #tpu.memory_space<hbm>>)
      tpu.yield
    }) : () -> ()
    return
  }
}

module attributes {stable_mosaic.version = 14 : i64} {
  func.func @_tc_pre_body(%arg0: i32, %arg1: memref<2000x128xf32, #tpu.memory_space<vmem>>, %arg2: memref<128x128xf32, #tpu.memory_space<vmem>>, %arg3: memref<128x64xf32, #tpu.memory_space<vmem>>, %arg4: memref<1x64xf32, #tpu.memory_space<vmem>>, %arg5: memref<1x2x2000xf32, #tpu.memory_space<vmem>>, %arg6: memref<2000x128xf32, #tpu.memory_space<vmem>>, %arg7: memref<2000x64xf32, #tpu.memory_space<vmem>>) attributes {dimension_semantics = [#tpu.dimension_semantics<arbitrary>], iteration_bounds = array<i64: 5>, scalar_prefetch = 0 : i64, scratch_operands = 0 : i64, tpu.core_type = #tpu.core_type<tc>, window_params = [{transform_indices = @transform_0, window_bounds = array<i64: 2000, 128>}, {pipeline_mode = #tpu.pipeline_mode<synchronous>, transform_indices = @transform_1, window_bounds = array<i64: 128, 128>}, {pipeline_mode = #tpu.pipeline_mode<synchronous>, transform_indices = @transform_2, window_bounds = array<i64: 128, 64>}, {pipeline_mode = #tpu.pipeline_mode<synchronous>, transform_indices = @transform_3, window_bounds = array<i64: 1, 64>}, {transform_indices = @transform_4, window_bounds = array<i64: 1, 2, 2000>}, {transform_indices = @transform_5, window_bounds = array<i64: 2000, 128>}, {transform_indices = @transform_6, window_bounds = array<i64: 2000, 64>}]} {
    %get3A = arith.constant 0 : index
    %get3A_0 = arith.constant 0 : index
    %get3A_1 = arith.constant 0 : index
    %get3A_2 = vector.load %arg5[%get3A, %get3A_0, %get3A_1] : memref<1x2x2000xf32, #tpu.memory_space<vmem>>, vector<1x2x2000xf32>
    %get3A_3 = vector.shape_cast %get3A_2 : vector<1x2x2000xf32> to vector<2x2000xf32>
    %slice3A = vector.extract_strided_slice %get3A_3 {offsets = [0, 0], sizes = [1, 2000], strides = [1, 1]} : vector<2x2000xf32> to vector<1x2000xf32>
    %squeeze3A = vector.shape_cast %slice3A : vector<1x2000xf32> to vector<2000xf32>
    %slice3A_4 = vector.extract_strided_slice %get3A_3 {offsets = [1, 0], sizes = [1, 2000], strides = [1, 1]} : vector<2x2000xf32> to vector<1x2000xf32>
    %squeeze3A_5 = vector.shape_cast %slice3A_4 : vector<1x2000xf32> to vector<2000xf32>
    %add3A = arith.addf %squeeze3A, %squeeze3A_5 : vector<2000xf32>
    %add3A_6 = arith.constant 1.000000e+00 : f32
    %add3A_7 = vector.broadcast %add3A_6 : f32 to vector<2000xf32>
    %add3A_8 = arith.addf %add3A, %add3A_7 : vector<2000xf32>
    %rsqrt3A = math.rsqrt %add3A_8 : vector<2000xf32>
    %get3A_9 = arith.constant 0 : index
    %get3A_10 = arith.constant 0 : index
    %get3A_11 = vector.load %arg1[%get3A_9, %get3A_10] : memref<2000x128xf32, #tpu.memory_space<vmem>>, vector<2000x128xf32>
    %get3A_12 = arith.constant 0 : index
    %get3A_13 = arith.constant 0 : index
    %get3A_14 = vector.load %arg2[%get3A_12, %get3A_13] : memref<128x128xf32, #tpu.memory_space<vmem>>, vector<128x128xf32>
    %dot_general3A = arith.constant dense<0.000000e+00> : vector<2000x128xf32>
    %dot_general3A_15 = tpu.matmul %get3A_11, %get3A_14, %dot_general3A {dimension_numbers = #tpu.dot_dimension_numbers<[1], [0], [0], [1], [0, 0, 1, 1], [], []>, transpose_lhs_hint = false} : vector<2000x128xf32>, vector<128x128xf32>, vector<2000x128xf32> -> vector<2000x128xf32>
    %broadcast_in_dim3A = vector.shape_cast %rsqrt3A : vector<2000xf32> to vector<2000x1xf32>
    %mul3A = vector.broadcast %broadcast_in_dim3A : vector<2000x1xf32> to vector<2000x128xf32>
    %mul3A_16 = arith.mulf %dot_general3A_15, %mul3A : vector<2000x128xf32>
    %swap3A = arith.constant 0 : index
    %swap3A_17 = arith.constant 0 : index
    %swap3A_18 = vector.load %arg6[%swap3A, %swap3A_17] : memref<2000x128xf32, #tpu.memory_space<vmem>>, vector<2000x128xf32>
    tpu.vector_store %arg6[%swap3A, %swap3A_17], %mul3A_16 {strides = array<i32>} : memref<2000x128xf32, #tpu.memory_space<vmem>>, vector<2000x128xf32>,
    %get3A_19 = arith.constant 0 : index
    %get3A_20 = arith.constant 0 : index
    %get3A_21 = vector.load %arg3[%get3A_19, %get3A_20] : memref<128x64xf32, #tpu.memory_space<vmem>>, vector<128x64xf32>
    %dot_general3A_22 = arith.constant dense<0.000000e+00> : vector<2000x64xf32>
    %dot_general3A_23 = tpu.matmul %get3A_11, %get3A_21, %dot_general3A_22 {dimension_numbers = #tpu.dot_dimension_numbers<[1], [0], [0], [1], [0, 0, 1, 1], [], []>, transpose_lhs_hint = false} : vector<2000x128xf32>, vector<128x64xf32>, vector<2000x64xf32> -> vector<2000x64xf32>
    %get3A_24 = arith.constant 0 : index
    %get3A_25 = arith.constant 0 : index
    %get3A_26 = vector.load %arg4[%get3A_24, %get3A_25] : memref<1x64xf32, #tpu.memory_space<vmem>>, vector<1x64xf32>
    %add3A_27 = vector.broadcast %get3A_26 : vector<1x64xf32> to vector<2000x64xf32>
    %add3A_28 = arith.addf %dot_general3A_23, %add3A_27 : vector<2000x64xf32>
    %swap3A_29 = arith.constant 0 : index
    %swap3A_30 = arith.constant 0 : index
    %swap3A_31 = vector.load %arg7[%swap3A_29, %swap3A_30] : memref<2000x64xf32, #tpu.memory_space<vmem>>, vector<2000x64xf32>
    tpu.vector_store %arg7[%swap3A_29, %swap3A_30], %add3A_28 {strides = array<i32>} : memref<2000x64xf32, #tpu.memory_space<vmem>>, vector<2000x64xf32>,
    return
  }
  func.func @transform_0(%arg0: i32) -> (i32, i32) {
    %c0_i32 = arith.constant 0 : i32
    %c0_i32_0 = arith.constant 0 : i32
    return %arg0, %c0_i32 : i32, i32
  }
  func.func @transform_1(%arg0: i32) -> (i32, i32) {
    %c0_i32 = arith.constant 0 : i32
    %c0_i32_0 = arith.constant 0 : i32
    %c0_i32_1 = arith.constant 0 : i32
    return %c0_i32, %c0_i32_0 : i32, i32
  }
  func.func @transform_2(%arg0: i32) -> (i32, i32) {
    %c0_i32 = arith.constant 0 : i32
    %c0_i32_0 = arith.constant 0 : i32
    %c0_i32_1 = arith.constant 0 : i32
    return %c0_i32, %c0_i32_0 : i32, i32
  }
  func.func @transform_3(%arg0: i32) -> (i32, i32) {
    %c0_i32 = arith.constant 0 : i32
    %c0_i32_0 = arith.constant 0 : i32
    %c0_i32_1 = arith.constant 0 : i32
    return %c0_i32, %c0_i32_0 : i32, i32
  }
  func.func @transform_4(%arg0: i32) -> (i32, i32, i32) {
    %c0_i32 = arith.constant 0 : i32
    %c0_i32_0 = arith.constant 0 : i32
    %c0_i32_1 = arith.constant 0 : i32
    return %arg0, %c0_i32, %c0_i32_0 : i32, i32, i32
  }
  func.func @transform_5(%arg0: i32) -> (i32, i32) {
    %c0_i32 = arith.constant 0 : i32
    %c0_i32_0 = arith.constant 0 : i32
    return %arg0, %c0_i32 : i32, i32
  }
  func.func @transform_6(%arg0: i32) -> (i32, i32) {
    %c0_i32 = arith.constant 0 : i32
    %c0_i32_0 = arith.constant 0 : i32
    return %arg0, %c0_i32 : i32, i32
  }
}

module attributes {stable_mosaic.version = 14 : i64} {
  func.func @_tc_mid_body(%arg0: i32, %arg1: memref<2x2000x128xf32, #tpu.memory_space<vmem>>, %arg2: memref<2000x128xf32, #tpu.memory_space<vmem>>, %arg3: memref<1x2x2000xf32, #tpu.memory_space<vmem>>, %arg4: memref<1x128xf32, #tpu.memory_space<vmem>>, %arg5: memref<128x64xf32, #tpu.memory_space<vmem>>, %arg6: memref<2000x64xf32, #tpu.memory_space<vmem>>) attributes {dimension_semantics = [#tpu.dimension_semantics<arbitrary>], iteration_bounds = array<i64: 5>, scalar_prefetch = 0 : i64, scratch_operands = 0 : i64, tpu.core_type = #tpu.core_type<tc>, window_params = [{transform_indices = @transform_0, window_bounds = array<i64: 2, 2000, 128>}, {transform_indices = @transform_1, window_bounds = array<i64: 2000, 128>}, {transform_indices = @transform_2, window_bounds = array<i64: 1, 2, 2000>}, {pipeline_mode = #tpu.pipeline_mode<synchronous>, transform_indices = @transform_3, window_bounds = array<i64: 1, 128>}, {pipeline_mode = #tpu.pipeline_mode<synchronous>, transform_indices = @transform_4, window_bounds = array<i64: 128, 64>}, {transform_indices = @transform_5, window_bounds = array<i64: 2000, 64>}]} {
    %get3A = arith.constant 0 : index
    %get3A_0 = arith.constant 0 : index
    %get3A_1 = arith.constant 0 : index
    %get3A_2 = vector.load %arg3[%get3A, %get3A_0, %get3A_1] : memref<1x2x2000xf32, #tpu.memory_space<vmem>>, vector<1x2x2000xf32>
    %get3A_3 = vector.shape_cast %get3A_2 : vector<1x2x2000xf32> to vector<2x2000xf32>
    %slice3A = vector.extract_strided_slice %get3A_3 {offsets = [0, 0], sizes = [1, 2000], strides = [1, 1]} : vector<2x2000xf32> to vector<1x2000xf32>
    %squeeze3A = vector.shape_cast %slice3A : vector<1x2000xf32> to vector<2000xf32>
    %slice3A_4 = vector.extract_strided_slice %get3A_3 {offsets = [1, 0], sizes = [1, 2000], strides = [1, 1]} : vector<2x2000xf32> to vector<1x2000xf32>
    %squeeze3A_5 = vector.shape_cast %slice3A_4 : vector<1x2000xf32> to vector<2000xf32>
    %add3A = arith.addf %squeeze3A, %squeeze3A_5 : vector<2000xf32>
    %add3A_6 = arith.constant 1.000000e+00 : f32
    %add3A_7 = vector.broadcast %add3A_6 : f32 to vector<2000xf32>
    %add3A_8 = arith.addf %add3A, %add3A_7 : vector<2000xf32>
    %rsqrt3A = math.rsqrt %add3A_8 : vector<2000xf32>
    %get3A_9 = arith.constant 0 : index
    %get3A_10 = arith.constant 0 : index
    %get3A_11 = arith.constant 0 : index
    %get3A_12 = vector.load %arg1[%get3A_9, %get3A_10, %get3A_11] : memref<2x2000x128xf32, #tpu.memory_space<vmem>>, vector<1x2000x128xf32>
    %get3A_13 = vector.shape_cast %get3A_12 : vector<1x2000x128xf32> to vector<2000x128xf32>
    %get3A_14 = arith.constant 1 : index
    %get3A_15 = arith.constant 0 : index
    %get3A_16 = arith.constant 0 : index
    %get3A_17 = vector.load %arg1[%get3A_14, %get3A_15, %get3A_16] : memref<2x2000x128xf32, #tpu.memory_space<vmem>>, vector<1x2000x128xf32>
    %get3A_18 = vector.shape_cast %get3A_17 : vector<1x2000x128xf32> to vector<2000x128xf32>
    %add3A_19 = arith.addf %get3A_13, %get3A_18 : vector<2000x128xf32>
    %get3A_20 = arith.constant 0 : index
    %get3A_21 = arith.constant 0 : index
    %get3A_22 = vector.load %arg2[%get3A_20, %get3A_21] : memref<2000x128xf32, #tpu.memory_space<vmem>>, vector<2000x128xf32>
    %add3A_23 = arith.addf %add3A_19, %get3A_22 : vector<2000x128xf32>
    %broadcast_in_dim3A = vector.shape_cast %rsqrt3A : vector<2000xf32> to vector<2000x1xf32>
    %mul3A = vector.broadcast %broadcast_in_dim3A : vector<2000x1xf32> to vector<2000x128xf32>
    %mul3A_24 = arith.mulf %add3A_23, %mul3A : vector<2000x128xf32>
    %get3A_25 = arith.constant 0 : index
    %get3A_26 = arith.constant 0 : index
    %get3A_27 = vector.load %arg4[%get3A_25, %get3A_26] : memref<1x128xf32, #tpu.memory_space<vmem>>, vector<1x128xf32>
    %add3A_28 = vector.broadcast %get3A_27 : vector<1x128xf32> to vector<2000x128xf32>
    %add3A_29 = arith.addf %mul3A_24, %add3A_28 : vector<2000x128xf32>
    %ge3A = arith.constant 0.000000e+00 : f32
    %ge3A_30 = vector.broadcast %ge3A : f32 to vector<2000x128xf32>
    %ge3A_31 = arith.cmpf oge, %add3A_29, %ge3A_30 : vector<2000x128xf32>
    %mul3A_32 = arith.constant 0.00999999977 : f32
    %mul3A_33 = vector.broadcast %mul3A_32 : f32 to vector<2000x128xf32>
    %mul3A_34 = arith.mulf %mul3A_33, %add3A_29 : vector<2000x128xf32>
    %select_n3A = arith.select %ge3A_31, %add3A_29, %mul3A_34 : vector<2000x128xi1>, vector<2000x128xf32>
    %get3A_35 = arith.constant 0 : index
    %get3A_36 = arith.constant 0 : index
    %get3A_37 = vector.load %arg5[%get3A_35, %get3A_36] : memref<128x64xf32, #tpu.memory_space<vmem>>, vector<128x64xf32>
    %dot_general3A = arith.constant dense<0.000000e+00> : vector<2000x64xf32>
    %dot_general3A_38 = tpu.matmul %select_n3A, %get3A_37, %dot_general3A {dimension_numbers = #tpu.dot_dimension_numbers<[1], [0], [0], [1], [0, 0, 1, 1], [], []>, transpose_lhs_hint = false} : vector<2000x128xf32>, vector<128x64xf32>, vector<2000x64xf32> -> vector<2000x64xf32>
    %broadcast_in_dim3A_39 = vector.shape_cast %rsqrt3A : vector<2000xf32> to vector<2000x1xf32>
    %mul3A_40 = vector.broadcast %broadcast_in_dim3A_39 : vector<2000x1xf32> to vector<2000x64xf32>
    %mul3A_41 = arith.mulf %dot_general3A_38, %mul3A_40 : vector<2000x64xf32>
    %swap3A = arith.constant 0 : index
    %swap3A_42 = arith.constant 0 : index
    %swap3A_43 = vector.load %arg6[%swap3A, %swap3A_42] : memref<2000x64xf32, #tpu.memory_space<vmem>>, vector<2000x64xf32>
    tpu.vector_store %arg6[%swap3A, %swap3A_42], %mul3A_41 {strides = array<i32>} : memref<2000x64xf32, #tpu.memory_space<vmem>>, vector<2000x64xf32>,
    return
  }
  func.func @transform_0(%arg0: i32) -> (i32, i32, i32) {
    %c0_i32 = arith.constant 0 : i32
    %c0_i32_0 = arith.constant 0 : i32
    %c0_i32_1 = arith.constant 0 : i32
    return %c0_i32, %arg0, %c0_i32_0 : i32, i32, i32
  }
  func.func @transform_1(%arg0: i32) -> (i32, i32) {
    %c0_i32 = arith.constant 0 : i32
    %c0_i32_0 = arith.constant 0 : i32
    return %arg0, %c0_i32 : i32, i32
  }
  func.func @transform_2(%arg0: i32) -> (i32, i32, i32) {
    %c0_i32 = arith.constant 0 : i32
    %c0_i32_0 = arith.constant 0 : i32
    %c0_i32_1 = arith.constant 0 : i32
    return %arg0, %c0_i32, %c0_i32_0 : i32, i32, i32
  }
  func.func @transform_3(%arg0: i32) -> (i32, i32) {
    %c0_i32 = arith.constant 0 : i32
    %c0_i32_0 = arith.constant 0 : i32
    %c0_i32_1 = arith.constant 0 : i32
    return %c0_i32, %c0_i32_0 : i32, i32
  }
  func.func @transform_4(%arg0: i32) -> (i32, i32) {
    %c0_i32 = arith.constant 0 : i32
    %c0_i32_0 = arith.constant 0 : i32
    %c0_i32_1 = arith.constant 0 : i32
    return %c0_i32, %c0_i32_0 : i32, i32
  }
  func.func @transform_5(%arg0: i32) -> (i32, i32) {
    %c0_i32 = arith.constant 0 : i32
    %c0_i32_0 = arith.constant 0 : i32
    return %arg0, %c0_i32 : i32, i32
  }
}

module attributes {stable_mosaic.version = 14 : i64} {
  func.func @_tc_post_body(%arg0: i32, %arg1: memref<2x2000x64xf32, #tpu.memory_space<vmem>>, %arg2: memref<2000x64xf32, #tpu.memory_space<vmem>>, %arg3: memref<1x2x2000xf32, #tpu.memory_space<vmem>>, %arg4: memref<1x64xf32, #tpu.memory_space<vmem>>, %arg5: memref<2000x64xf32, #tpu.memory_space<vmem>>, %arg6: memref<2000x64xf32, #tpu.memory_space<vmem>>) attributes {dimension_semantics = [#tpu.dimension_semantics<arbitrary>], iteration_bounds = array<i64: 5>, scalar_prefetch = 0 : i64, scratch_operands = 0 : i64, tpu.core_type = #tpu.core_type<tc>, window_params = [{transform_indices = @transform_0, window_bounds = array<i64: 2, 2000, 64>}, {transform_indices = @transform_1, window_bounds = array<i64: 2000, 64>}, {transform_indices = @transform_2, window_bounds = array<i64: 1, 2, 2000>}, {pipeline_mode = #tpu.pipeline_mode<synchronous>, transform_indices = @transform_3, window_bounds = array<i64: 1, 64>}, {transform_indices = @transform_4, window_bounds = array<i64: 2000, 64>}, {transform_indices = @transform_5, window_bounds = array<i64: 2000, 64>}]} {
    %get3A = arith.constant 0 : index
    %get3A_0 = arith.constant 0 : index
    %get3A_1 = arith.constant 0 : index
    %get3A_2 = vector.load %arg3[%get3A, %get3A_0, %get3A_1] : memref<1x2x2000xf32, #tpu.memory_space<vmem>>, vector<1x2x2000xf32>
    %get3A_3 = vector.shape_cast %get3A_2 : vector<1x2x2000xf32> to vector<2x2000xf32>
    %slice3A = vector.extract_strided_slice %get3A_3 {offsets = [0, 0], sizes = [1, 2000], strides = [1, 1]} : vector<2x2000xf32> to vector<1x2000xf32>
    %squeeze3A = vector.shape_cast %slice3A : vector<1x2000xf32> to vector<2000xf32>
    %slice3A_4 = vector.extract_strided_slice %get3A_3 {offsets = [1, 0], sizes = [1, 2000], strides = [1, 1]} : vector<2x2000xf32> to vector<1x2000xf32>
    %squeeze3A_5 = vector.shape_cast %slice3A_4 : vector<1x2000xf32> to vector<2000xf32>
    %add3A = arith.addf %squeeze3A, %squeeze3A_5 : vector<2000xf32>
    %add3A_6 = arith.constant 1.000000e+00 : f32
    %add3A_7 = vector.broadcast %add3A_6 : f32 to vector<2000xf32>
    %add3A_8 = arith.addf %add3A, %add3A_7 : vector<2000xf32>
    %rsqrt3A = math.rsqrt %add3A_8 : vector<2000xf32>
    %get3A_9 = arith.constant 0 : index
    %get3A_10 = arith.constant 0 : index
    %get3A_11 = arith.constant 0 : index
    %get3A_12 = vector.load %arg1[%get3A_9, %get3A_10, %get3A_11] : memref<2x2000x64xf32, #tpu.memory_space<vmem>>, vector<1x2000x64xf32>
    %get3A_13 = vector.shape_cast %get3A_12 : vector<1x2000x64xf32> to vector<2000x64xf32>
    %get3A_14 = arith.constant 1 : index
    %get3A_15 = arith.constant 0 : index
    %get3A_16 = arith.constant 0 : index
    %get3A_17 = vector.load %arg1[%get3A_14, %get3A_15, %get3A_16] : memref<2x2000x64xf32, #tpu.memory_space<vmem>>, vector<1x2000x64xf32>
    %get3A_18 = vector.shape_cast %get3A_17 : vector<1x2000x64xf32> to vector<2000x64xf32>
    %add3A_19 = arith.addf %get3A_13, %get3A_18 : vector<2000x64xf32>
    %get3A_20 = arith.constant 0 : index
    %get3A_21 = arith.constant 0 : index
    %get3A_22 = vector.load %arg2[%get3A_20, %get3A_21] : memref<2000x64xf32, #tpu.memory_space<vmem>>, vector<2000x64xf32>
    %add3A_23 = arith.addf %add3A_19, %get3A_22 : vector<2000x64xf32>
    %broadcast_in_dim3A = vector.shape_cast %rsqrt3A : vector<2000xf32> to vector<2000x1xf32>
    %mul3A = vector.broadcast %broadcast_in_dim3A : vector<2000x1xf32> to vector<2000x64xf32>
    %mul3A_24 = arith.mulf %add3A_23, %mul3A : vector<2000x64xf32>
    %get3A_25 = arith.constant 0 : index
    %get3A_26 = arith.constant 0 : index
    %get3A_27 = vector.load %arg4[%get3A_25, %get3A_26] : memref<1x64xf32, #tpu.memory_space<vmem>>, vector<1x64xf32>
    %add3A_28 = vector.broadcast %get3A_27 : vector<1x64xf32> to vector<2000x64xf32>
    %add3A_29 = arith.addf %mul3A_24, %add3A_28 : vector<2000x64xf32>
    %ge3A = arith.constant 0.000000e+00 : f32
    %ge3A_30 = vector.broadcast %ge3A : f32 to vector<2000x64xf32>
    %ge3A_31 = arith.cmpf oge, %add3A_29, %ge3A_30 : vector<2000x64xf32>
    %mul3A_32 = arith.constant 0.00999999977 : f32
    %mul3A_33 = vector.broadcast %mul3A_32 : f32 to vector<2000x64xf32>
    %mul3A_34 = arith.mulf %mul3A_33, %add3A_29 : vector<2000x64xf32>
    %select_n3A = arith.select %ge3A_31, %add3A_29, %mul3A_34 : vector<2000x64xi1>, vector<2000x64xf32>
    %get3A_35 = arith.constant 0 : index
    %get3A_36 = arith.constant 0 : index
    %get3A_37 = vector.load %arg5[%get3A_35, %get3A_36] : memref<2000x64xf32, #tpu.memory_space<vmem>>, vector<2000x64xf32>
    %add3A_38 = arith.addf %select_n3A, %get3A_37 : vector<2000x64xf32>
    %swap3A = arith.constant 0 : index
    %swap3A_39 = arith.constant 0 : index
    %swap3A_40 = vector.load %arg6[%swap3A, %swap3A_39] : memref<2000x64xf32, #tpu.memory_space<vmem>>, vector<2000x64xf32>
    tpu.vector_store %arg6[%swap3A, %swap3A_39], %add3A_38 {strides = array<i32>} : memref<2000x64xf32, #tpu.memory_space<vmem>>, vector<2000x64xf32>,
    return
  }
  func.func @transform_0(%arg0: i32) -> (i32, i32, i32) {
    %c0_i32 = arith.constant 0 : i32
    %c0_i32_0 = arith.constant 0 : i32
    %c0_i32_1 = arith.constant 0 : i32
    return %c0_i32, %arg0, %c0_i32_0 : i32, i32, i32
  }
  func.func @transform_1(%arg0: i32) -> (i32, i32) {
    %c0_i32 = arith.constant 0 : i32
    %c0_i32_0 = arith.constant 0 : i32
    return %arg0, %c0_i32 : i32, i32
  }
  func.func @transform_2(%arg0: i32) -> (i32, i32, i32) {
    %c0_i32 = arith.constant 0 : i32
    %c0_i32_0 = arith.constant 0 : i32
    %c0_i32_1 = arith.constant 0 : i32
    return %arg0, %c0_i32, %c0_i32_0 : i32, i32, i32
  }
  func.func @transform_3(%arg0: i32) -> (i32, i32) {
    %c0_i32 = arith.constant 0 : i32
    %c0_i32_0 = arith.constant 0 : i32
    %c0_i32_1 = arith.constant 0 : i32
    return %c0_i32, %c0_i32_0 : i32, i32
  }
  func.func @transform_4(%arg0: i32) -> (i32, i32) {
    %c0_i32 = arith.constant 0 : i32
    %c0_i32_0 = arith.constant 0 : i32
    return %arg0, %c0_i32 : i32, i32
  }
  func.func @transform_5(%arg0: i32) -> (i32, i32) {
    %c0_i32 = arith.constant 0 : i32
    %c0_i32_0 = arith.constant 0 : i32
    return %arg0, %c0_i32 : i32, i32
  }
}

</mosaic_0001>

<sc_bundles>
// kernel: kernel.11.cloned.1.call-start
scs
__scs_entry_jumppad:
0x0: {  	(pc) =	sbr.rel $0x88, $3  }
0x1: {  	(tag) =	ssettag $0x0;
	lr =	simm.s32 $0x1  }
0x2: {  	[smem:$0x3F99] =	sst lr;
	_ =	strace $0xD0000000  }
0x3: {  	_ = 	snop  }
0x4: {  	_ = 	snop  }
0x5: {  	_ = 	snop  }
0x6: {  	_ = 	snop  }
0x7: {  	_ = 	snop  }
__scs_overlays_trampoline_lowered:
0x8: {  	[smem:$0x3FA8] =	sst s0  }
0x9: {  	[smem:$0x3FA9] =	sst s1  }
0xa: {  	[smem:$0x3FAA] =	sst s2  }
0xb: {  	[smem:$0x3FAB] =	sst s3  }
0xc: {  	[smem:$0x3FAC] =	sst s4  }
0xd: {  	[smem:$0x3FAD] =	sst s5  }
0xe: {  	[smem:$0x3FAE] =	sst s6  }
0xf: {  	[smem:$0x3FAF] =	sst s7  }
0x10: {  	[smem:$0x3FB0] =	sst s8  }
0x11: {  	[smem:$0x3FB1] =	sst s9;
	s0 =	simm.s32 @!p0 $0x0  }
0x12: {  	s1 =	sld [smem:$0x3F97];
	s0 =	simm.s32 @p0 $0x1  }
0x13: {  	[smem:$0x3FB2] =	sst s0;
	s0 =	simm.s32 @!p1 $0x0  }
0x14: {  	s2 =	sld [smem:$0x3F96];
	s0 =	simm.s32 @p1 $0x1  }
0x15: {  	[smem:$0x3FB3] =	sst s0;
	s0 =	simm.s32 @!p2 $0x0  }
0x16: {  	s3 =	sld [smem:$0x3FDB];
	s0 =	simm.s32 @p2 $0x1  }
0x17: {  	s4 =	simm.s32 $0x1BF5;
	[smem:$0x3FB5] =	sst s0  }
0x18: {  	s0 =	sld [smem:$0x3F98];
	_ =	swait.ge [sflag:s4], $0x0  }
0x19: {  	s7 =	sld [smem:$0x3F99]  }
0x1a: {  	s8 =	sadd.s32 $0xFFFFE003, lr  }
0x1b: {  	s9 =	sadd.s32 $0xFFFFFEF7, lr;
	s5 =	simm.s32 $0xFFFFFFFF;
	p2 =	slt.u32 s8, $0xFFFFF086  }
0x1c: {  	p1 =	slt.u32 s9, $0xF7A;
	s5 =	simm.s32 @!p2 $0x0  }
0x1d: {  	s5 =	simm.s32 @p1 $0x1;
	p0 =	seq.s32 s7, s2  }
0x1e: {  	s7 =	smul.u32 @!p0 $0xF7A, s2;
	p2 =	seq.s32 @!p0 s5, $0x0  }
0x1f: {  	s9 =	smul.u32 $0xF7A, s1;
	s8 =	simm.s32 @!p0 $0x1BF5;
	p2 =	por !p2, p0  }
0x20: {  	[sflag:s8] =	ssyncset.s32 @!p0 $0xFFFFF086;
	s6 =	sadd.s32 @!p0 s3, s7;
	s7 =	simm.s32 @!p0 $0x108  }
0x21: {  	s3 =	sadd.s32 s3, s9;
	s6 =	sadd.s32 @!p0 $0x88, s6;
	s7 =	simm.s32 @p2 $0x1082  }
0x22: {  	[simem:s7], [sflag:s8] =	dma.local @!p0 [hbm:s6], $0xF7A  }
0x23: {  	s9 =	sor.u32 $0xD0000000, s2;
	s6 =	simm.s32 $0x108;
	_ =	swait.ge @!p0 [sflag:s8], $0x0  }
0x24: {  	s3 =	sadd.s32 $0x88, s3;
	s6 =	simm.s32 @!p1 $0x1082;
	[sflag:s4] =	ssyncset.s32 $0xFFFFF086  }
0x25: {  	[simem:s6], [sflag:s4] =	dma.local [hbm:s3], $0xF7A  }
0x26: {  	[smem:$0x3F99] =	sst s1;
	(tag) =	ssettag s2;
	_ =	strace s9  }
0x27: {  	s1 =	sld [smem:$0x3FA9]  }
0x28: {  	s2 =	sld [smem:$0x3FAA]  }
0x29: {  	s4 =	sld [smem:$0x3FAC]  }
0x2a: {  	p0 =	seq.s32 s5, $0x0;
	s5 =	sld [smem:$0x3FAD]  }
0x2b: {  	s6 =	sld [smem:$0x3FAE]  }
0x2c: {  	s7 =	sld [smem:$0x3FAF]  }
0x2d: {  	s3 =	simm.s32 $0x108;
	s8 =	sld [smem:$0x3FB0]  }
0x2e: {  	s3 =	simm.s32 @!p0 $0x1082;
	s9 =	sld [smem:$0x3FB1]  }
0x2f: {  	lr =	sadd.s32 s0, s3;
	s0 =	sld [smem:$0x3FA8]  }
0x30: {  	s3 =	sld [smem:$0x3FAB]  }
0x31: {  	[smem:$0x3FB4] =	sst s10  }
0x32: {  	s10 =	sld [smem:$0x3FB2];
	_ =	sdelay $0x3  }
0x33: {  	p0 =	seq.s32 s10, $0x1;
	s10 =	sld [smem:$0x3FB4];
	_ =	sdelay $0x3  }
0x34: {  	[smem:$0x3FB4] =	sst s10  }
0x35: {  	s10 =	sld [smem:$0x3FB3];
	_ =	sdelay $0x3  }
0x36: {  	p1 =	seq.s32 s10, $0x1;
	s10 =	sld [smem:$0x3FB4];
	_ =	sdelay $0x3  }
0x37: {  	[smem:$0x3FB4] =	sst s10  }
0x38: {  	s10 =	sld [smem:$0x3FB5]  }
0x39: {  	_ = 	snop;
	(pc) =	sbr.ind lr, $3  }
0x3a: {  	_ = 	snop  }
0x3b: {  	_ = 	snop  }
0x3c: {  	p2 =	seq.s32 s10, $0x1;
	s10 =	sld [smem:$0x3FB4]  }
0x3d: {  	_ =	shalt  }
0x3e: {  	_ =	shalt  }
0x3f: {  	_ =	shalt  }
0x40: {  	_ =	shalt  }
0x41: {  	_ =	shalt  }
0x42: {  	_ =	shalt  }
0x43: {  	_ =	shalt  }
0x44: {  	_ =	shalt  }
0x45: {  	_ =	shalt  }
0x46: {  	_ =	shalt  }
0x47: {  	_ =	shalt  }
0x48: {  	_ =	shalt  }
0x49: {  	_ =	shalt  }
0x4a: {  	_ =	shalt  }
0x4b: {  	_ =	shalt  }
0x4c: {  	_ =	shalt  }
0x4d: {  	_ =	shalt  }
0x4e: {  	_ =	shalt  }
0x4f: {  	_ =	shalt  }
0x50: {  	_ =	shalt  }
0x51: {  	_ =	shalt  }
0x52: {  	_ =	shalt  }
0x53: {  	_ =	shalt  }
0x54: {  	_ =	shalt  }
0x55: {  	_ =	shalt  }
0x56: {  	_ =	shalt  }
0x57: {  	_ =	shalt  }
0x58: {  	_ =	shalt  }
0x59: {  	_ =	shalt  }
0x5a: {  	_ =	shalt  }
0x5b: {  	_ =	shalt  }
0x5c: {  	_ =	shalt  }
0x5d: {  	_ =	shalt  }
0x5e: {  	_ =	shalt  }
0x5f: {  	_ =	shalt  }
0x60: {  	_ =	shalt  }
0x61: {  	_ =	shalt  }
0x62: {  	_ =	shalt  }
0x63: {  	_ =	shalt  }
0x64: {  	_ =	shalt  }
0x65: {  	_ =	shalt  }
0x66: {  	_ =	shalt  }
0x67: {  	_ =	shalt  }
0x68: {  	_ =	shalt  }
0x69: {  	_ =	shalt  }
0x6a: {  	_ =	shalt  }
0x6b: {  	_ =	shalt  }
0x6c: {  	_ =	shalt  }
0x6d: {  	_ =	shalt  }
0x6e: {  	_ =	shalt  }
0x6f: {  	_ =	shalt  }
0x70: {  	_ =	shalt  }
0x71: {  	_ =	shalt  }
0x72: {  	_ =	shalt  }
0x73: {  	_ =	shalt  }
0x74: {  	_ =	shalt  }
0x75: {  	_ =	shalt  }
0x76: {  	_ =	shalt  }
0x77: {  	_ =	shalt  }
0x78: {  	_ =	shalt  }
0x79: {  	_ =	shalt  }
0x7a: {  	_ =	shalt  }
0x7b: {  	_ =	shalt  }
0x7c: {  	_ =	shalt  }
0x7d: {  	_ =	shalt  }
0x7e: {  	_ =	shalt  }
0x7f: {  	_ =	shalt  }
0x80: {  	_ =	shalt  }
0x81: {  	_ =	shalt  }
0x82: {  	_ =	shalt  }
0x83: {  	_ =	shalt  }
0x84: {  	_ =	shalt  }
0x85: {  	_ =	shalt  }
0x86: {  	_ =	shalt  }
0x87: {  	_ =	shalt  }
.Lfunc_end0:
.L_simem_size_0:
called_computation.1_lowered:
.L_overlay_start_0:
0x88: {  	s2 =	sld [smem:$0x3FD9]  }
0x89: {  	s3 =	sld [smem:$0x3FFE];
	_ =	sdelay $0x1  }
0x8a: {  	s1 =	srdreg.scid  }
0x8b: {  	s0 =	sand.u32 $0x1, s1  }
0x8c: {  	s17 =	sshll.u32 s0, $0xA;
	s2 =	sadd.s32 s3, s2  }
0x8d: {  	s2 =	sadd.s32 s2, s17  }
0x8e: {  	[smem:$0x3FC0] =	sst s2  }
0x8f: {  	_ = 	snop  }
0x90: {  	s2 =	sld [smem:$0x3FD0];
	(tm) =	ssettm $0x1  }
0x91: {  	s18 =	sld [smem:$0x3FFB];
	_ =	sdelay $0x3  }
0x92: {  	_ =	strace s18  }
0x93: {  	s3 =	sld [smem:$0x3FFC];
	_ =	sdelay $0x3  }
0x94: {  	_ =	strace s3  }
0x95: {  	s3 =	sld [smem:$0x3FFD];
	_ =	sdelay $0x3  }
0x96: {  	_ =	strace s3  }
0x97: {  	_ =	strace $0x8FFFFFFF  }
0x98: {  	s19 =	sld [smem:$0x3FDB];
	_ =	sdelay $0x1  }
0x99: {  	s4 =	simm.s32 $_scs_section_size  }
0x9a: {  	s5 =	simm.s32 $_size__tile_overlayer_lowered;
	s6 =	simm.s32 $_tile_overlayer_lowered  }
0x9b: {  	s22 =	simm.s32 $0x1BFF;
	s21 =	sshll.u32 s6, $0x1;
	s3 =	sadd.s32 s4, s19  }
0x9c: {  	s7 =	simm.s32 $0x0;
	s20 =	sshll.u32 s5, $0x1;
	s5 =	sadd.s32 s21, s3  }
0x9d: {  	[timem:s7], [sflag:s22] =	dma.local [hbm:s5], s20  }
0x9e: {  	_ =	swait.ge [sflag:s22], s20  }
0x9f: {  	s4 =	ssub.s32 $0x0, s20;
	[sflag:s22] =	ssyncset.done $0x0  }
0xa0: {  	[sflag:s22] =	ssyncadd.s32 s4;
	_ =	sdelay $0x1  }
0xa1: {  	s23 =	simm.s32 $0x1B8B  }
0xa2: {  	_ =	swait.ge [sflag:s23], $0x1  }
0xa3: {  	[sflag:s23] =	ssyncset.done $0x0  }
0xa4: {  	s25 =	simm.s32 $0x1B8E;
	s24 =	sld [smem:$0x3FFE];
	[sflag:s23] =	ssyncadd.s32 $0xFFFFFFFF  }
0xa5: {  	s26 =	simm.s32 $execute0_lowered;
	[smem:$0x3FD2] =	sst s25  }
0xa6: {  	s5 =	sshll.u32 s26, $0x1;
	_ =	strace $0x80000049;
	[dreg:$0x1] =	wrdreg $0xFFFFFFFF  }
0xa7: {  	s28 =	simm.s32 $_size_execute0_lowered;
	s3 =	sadd.s32 s3, s5;
	[dreg:$0x0] =	wrdreg $0x0  }
0xa8: {  	s5 =	sshll.u32 s28, $0x1;
	[dreg:$0x2] =	wrdreg s3  }
0xa9: {  	[dreg:$0x3] =	wrdreg s5  }
0xaa: {  	[dreg:$0x4] =	wrdreg $0xC0  }
0xab: {  	_ =	task [dreg:s7], $0x5FFFF  }
0xac: {  	[dreg:$0x1] =	wrdreg $0xFFFFFFFF  }
0xad: {  	[dreg:$0x0] =	wrdreg $0x60  }
0xae: {  	[dreg:$0x2] =	wrdreg s24  }
0xaf: {  	[dreg:$0x3] =	wrdreg s2  }
0xb0: {  	[dreg:$0x4] =	wrdreg $0xB2200  }
0xb1: {  	[dreg:$0x5] =	wrdreg $0x9  }
0xb2: {  	_ =	task.clear_ibuf [dreg:s7], $0x6FFFF;
	_ =	strace $0x90000049  }
0xb3: {  	s29 =	simm.s32 $0x9;
	_ =	strace $0x8000004B  }
0xb4: {  	_ =	swait.ge [sflag:s29], $0x1  }
0xb5: {  	[sflag:s29] =	ssyncadd.s32 $0xFFFFFFFF  }
0xb6: {  	_ =	strace $0x9000004B  }
0xb7: {  	_ =	sfence  }
0xb8: {  	s30 =	sld [smem:$0x0];
	_ =	sdelay $0x2  }
0xb9: {  	s31 =	sshll.u32 s1, $0xD;
	s1 =	sshrl.u32 s1, $0x2  }
0xba: {  	s3 =	sand.u32 $0x4000, s31;
	s1 =	sadd.s32 s1, s30  }
0xbb: {  	s0 =	sor.u32 s3, s0;
	s1 =	sshll.u32 s1, $0x11  }
0xbc: {  	s0 =	sor.u32 s1, s0  }
0xbd: {  	s0 =	sadd.s32 $0x8F2B, s0  }
0xbe: {  	[sflag:s0] =	ssyncadd.remote.s32 $0x1  }
0xbf: {  	_ =	sfence.sel $0xFFFF  }
0xc0: {  	[dreg:$0x0] =	wrdreg $0xFFFFFFFF;
	(pc) =	sbr.abs _section_cstart, $3  }
0xc1: {  	[dreg:$0x1] =	wrdreg $0xFFFFFFFF  }
0xc2: {  	_ =	task.clear_ibuf [dreg:s7], $0x2FFFF;
	_ =	strace $0x9FFFFFFF  }
0xc3: {  	(tm) =	ssettm $0x7FFFFFFF  }
tec
execute0_lowered:
.L_overlay_start_1:
0x0: {  	(tag) =	ssettag $0x1  }
0x1: {  	s0 =	rddreg [dreg:$0x0]  }
0x2: {  	s1 =	rddreg [dreg:$0x1]  }
0x3: {  	s2 =	rddreg [dreg:$0x2]  }
0x4: {  	s3 =	srdreg.scid;
	s9 =	stileid.u32;
	s28 =	simm.s32 $0x4E20  }
0x5: {  	s29 =	simm.s32 $0x28;
	s30 =	simm.s32 $0x6220;
	s6 =	smul.u32 $0x14000, s9  }
0x6: {  	s5 =	sand.u32 $0x1, s3;
	s7 =	sshll.u32 s9, $0x1;
	s9 =	smul.u32 $0x50000, s9  }
0x7: {  	s31 =	simm.s32 $0x8A20;
	s3 =	simm.s32 $0x0;
	s4 =	smul.u32 $0x140000, s5  }
0x8: {  	[smem:$0x7FF] =	sst s3;
	s7 =	sor.u32 s5, s7;
	s18 =	ssub.s32 $0x2, s5  }
0x9: {  	_ =	strace $0x8000004A;
	s7 =	smul.u32 $0x2710, s7;
	s20 =	sshrl.u32 s18, $0x1  }
0xa: {  	s21 =	sshrl.u32 s9, $0x2;
	s8 =	sadd.s32 s6, s4;
	s4 =	sadd.s32 $0x2800, s0  }
0xb: {  	s8 =	sshrl.u32 s8, $0x3;
	s19 =	sshrl.u32 s7, $0x3;
	s7 =	sadd.s32 s6, s2  }
0xc: {  	s6 =	simm.s32 $0x2;
	s0 =	sadd.s32 s8, s0;
	s5 =	sadd.s32 s1, s19  }
0xd: {  	s8 =	ssub.s32 s18, s20;
	s1 =	sadd.s32 s21, s2;
	s22 =	sadd.s32 $0x9C40, s5  }
0xe: {  	s23 =	sadd.s32 $0x1400, s1;
	s24 =	sadd.s32 $0x2800, s1;
	s25 =	sadd.s32 $0x3C00, s1  }
0xf: {  	s26 =	sadd.s32 $0x5000, s1;
	s12 =	sadd.s32 $0x6400, s1;
	s13 =	sadd.s32 $0x7800, s1  }
0x10: {  	s14 =	sadd.s32 $0x8C00, s1;
	s15 =	sadd.s32 $0xA000, s1;
	[dreg:$0x4] =	wrdreg s22  }
0x11: {  	s16 =	sadd.s32 $0xB400, s1;
	s17 =	sadd.s32 $0xC800, s1;
	[dreg:$0x5] =	wrdreg s23  }
0x12: {  	s18 =	sadd.s32 $0xDC00, s1;
	s19 =	sadd.s32 $0xF000, s1;
	[dreg:$0x6] =	wrdreg s24  }
0x13: {  	s20 =	sadd.s32 $0x10400, s1;
	s21 =	sadd.s32 $0x11800, s1;
	[dreg:$0x7] =	wrdreg s25  }
0x14: {  	[dreg:$0x8] =	wrdreg s26;
	s22 =	sadd.s32 $0x12C00, s1;
	s23 =	sadd.s32 $0x29A00, s0  }
0x15: {  	s24 =	smax.u32 s8, $0x1;
	s25 =	simm.s32 $0x3;
	s26 =	simm.s32 $0x2710  }
0x16: {  	v0 =	vimm.f32 $0.0e+00;
	s0 =	simm.s32 $0x7620;
	s1 =	simm.s32 $0x1;
	s8 =	simm.s32 $0x9E20  }
.LBB2_1:
0x17: {  	s9 =	simm.s32 $0x0;
	s10 =	simm.s32 $0x200  }
.LBB2_2:
0x18: {  	p0 =	sne.s32 s10, $0x4E00;
	[tilespmem:s9+$0x4E90] =	vst v0  }
0x19: {  	[tilespmem:s9+$0x4E20] =	vst v0  }
0x1a: {  	[tilespmem:s9+$0x4E30] =	vst v0  }
.Ltmp0:
0x1b: {  	[tilespmem:s9+$0x4E40] =	vst v0;
	(pc) =	sbr.rel @p0 .LBB2_2-.Ltmp0, $4  }
0x1c: {  	[tilespmem:s9+$0x4E50] =	vst v0  }
0x1d: {  	[tilespmem:s9+$0x4E60] =	vst v0  }
0x1e: {  	[tilespmem:s9+$0x4E70] =	vst v0  }
0x1f: {  	[tilespmem:s9+$0x4E80] =	vst v0;
	s9 =	sshra.s32 s10, $0x2;
	s10 =	sadd.s32 $0x200, s10  }
0x20: {  	[tilespmem:s9+$0x4E90] =	vst v0  }
0x21: {  	[tilespmem:s9+$0x4E20] =	vst v0  }
0x22: {  	[tilespmem:s9+$0x4E30] =	vst v0  }
0x23: {  	[tilespmem:s9+$0x4E40] =	vst v0  }
0x24: {  	[tilespmem:s9+$0x4E50] =	vst v0  }
0x25: {  	[tilespmem:s9+$0x4E60] =	vst v0  }
0x26: {  	[tilespmem:s9+$0x4E70] =	vst v0  }
0x27: {  	[tilespmem:s9+$0x4E80] =	vst v0;
	s9 =	simm.s32 $0x0  }
0x28: {  	[tilespmem:s9], [sflag:$0x3] =	stream.linear.gather [hbm4b:s5+s9], $0x2710, $0x38;
	[tilespmem:$0x1F220] =	vst v63  }
0x29: {  	_ =	swait.ge [sflag:s25], $0x2710  }
0x2a: {  	[sflag:s25] =	ssyncset.done $0x0  }
0x2b: {  	s10 =	rddreg [dreg:$0x4];
	[sflag:s25] =	ssyncadd.s32 $0xFFFFD8F0  }
0x2c: {  	[tilespmem:s26], [sflag:$0x3] =	stream.linear.gather [hbm4b:s10+s9], $0x2710, $0x38;
	[tilespmem:$0x1F220] =	vst v63  }
0x2d: {  	_ =	swait.ge [sflag:s25], $0x2710  }
0x2e: {  	[sflag:s25] =	ssyncset.done $0x0  }
0x2f: {  	[sflag:s25] =	ssyncadd.s32 $0xFFFFD8F0  }
0x30: {  	[spmem:s7] =	stream.linear.scatter [tilespmem:s28], [sflag:$0x3], $0x1400, $0x38;
	[tilespmem:$0x1F220] =	vst v63  }
0x31: {  	_ =	swait.ge [sflag:s25], $0x1400  }
0x32: {  	[sflag:s25] =	ssyncset.done $0x0  }
0x33: {  	s11 =	rddreg [dreg:$0x5];
	[sflag:s25] =	ssyncadd.s32 $0xFFFFEC00  }
0x34: {  	[spmem:s11] =	stream.linear.scatter [tilespmem:s28], [sflag:$0x3], $0x1400, $0x38;
	[tilespmem:$0x1F220] =	vst v63  }
0x35: {  	_ =	swait.ge [sflag:s25], $0x1400  }
0x36: {  	[sflag:s25] =	ssyncset.done $0x0  }
0x37: {  	s11 =	rddreg [dreg:$0x6];
	[sflag:s25] =	ssyncadd.s32 $0xFFFFEC00  }
0x38: {  	[spmem:s11] =	stream.linear.scatter [tilespmem:s28], [sflag:$0x3], $0x1400, $0x38;
	[tilespmem:$0x1F220] =	vst v63  }
0x39: {  	_ =	swait.ge [sflag:s25], $0x1400  }
0x3a: {  	[sflag:s25] =	ssyncset.done $0x0  }
0x3b: {  	s11 =	rddreg [dreg:$0x7];
	[sflag:s25] =	ssyncadd.s32 $0xFFFFEC00  }
0x3c: {  	[spmem:s11] =	stream.linear.scatter [tilespmem:s28], [sflag:$0x3], $0x1400, $0x38;
	[tilespmem:$0x1F220] =	vst v63  }
0x3d: {  	_ =	swait.ge [sflag:s25], $0x1400  }
0x3e: {  	[sflag:s25] =	ssyncset.done $0x0  }
0x3f: {  	s11 =	rddreg [dreg:$0x8];
	[sflag:s25] =	ssyncadd.s32 $0xFFFFEC00  }
0x40: {  	[spmem:s11] =	stream.linear.scatter [tilespmem:s28], [sflag:$0x3], $0x1400, $0x38;
	[tilespmem:$0x1F220] =	vst v63  }
0x41: {  	_ =	swait.ge [sflag:s25], $0x1400  }
0x42: {  	[sflag:s25] =	ssyncset.done $0x0  }
0x43: {  	[sflag:s25] =	ssyncadd.s32 $0xFFFFEC00  }
0x44: {  	[spmem:s12] =	stream.linear.scatter [tilespmem:s28], [sflag:$0x3], $0x1400, $0x38;
	[tilespmem:$0x1F220] =	vst v63  }
0x45: {  	_ =	swait.ge [sflag:s25], $0x1400  }
0x46: {  	[sflag:s25] =	ssyncset.done $0x0  }
0x47: {  	[sflag:s25] =	ssyncadd.s32 $0xFFFFEC00  }
0x48: {  	[spmem:s13] =	stream.linear.scatter [tilespmem:s28], [sflag:$0x3], $0x1400, $0x38;
	[tilespmem:$0x1F220] =	vst v63  }
0x49: {  	_ =	swait.ge [sflag:s25], $0x1400  }
0x4a: {  	[sflag:s25] =	ssyncset.done $0x0  }
0x4b: {  	[sflag:s25] =	ssyncadd.s32 $0xFFFFEC00  }
0x4c: {  	[spmem:s14] =	stream.linear.scatter [tilespmem:s28], [sflag:$0x3], $0x1400, $0x38;
	[tilespmem:$0x1F220] =	vst v63  }
0x4d: {  	_ =	swait.ge [sflag:s25], $0x1400  }
0x4e: {  	[sflag:s25] =	ssyncset.done $0x0  }
0x4f: {  	[sflag:s25] =	ssyncadd.s32 $0xFFFFEC00  }
0x50: {  	[spmem:s15] =	stream.linear.scatter [tilespmem:s28], [sflag:$0x3], $0x1400, $0x38;
	[tilespmem:$0x1F220] =	vst v63  }
0x51: {  	_ =	swait.ge [sflag:s25], $0x1400  }
0x52: {  	[sflag:s25] =	ssyncset.done $0x0  }
0x53: {  	[sflag:s25] =	ssyncadd.s32 $0xFFFFEC00  }
0x54: {  	[spmem:s16] =	stream.linear.scatter [tilespmem:s28], [sflag:$0x3], $0x1400, $0x38;
	[tilespmem:$0x1F220] =	vst v63  }
0x55: {  	_ =	swait.ge [sflag:s25], $0x1400  }
0x56: {  	[sflag:s25] =	ssyncset.done $0x0  }
0x57: {  	[sflag:s25] =	ssyncadd.s32 $0xFFFFEC00  }
0x58: {  	[spmem:s17] =	stream.linear.scatter [tilespmem:s28], [sflag:$0x3], $0x1400, $0x38;
	[tilespmem:$0x1F220] =	vst v63  }
0x59: {  	_ =	swait.ge [sflag:s25], $0x1400  }
0x5a: {  	[sflag:s25] =	ssyncset.done $0x0  }
0x5b: {  	[sflag:s25] =	ssyncadd.s32 $0xFFFFEC00  }
0x5c: {  	[spmem:s18] =	stream.linear.scatter [tilespmem:s28], [sflag:$0x3], $0x1400, $0x38;
	[tilespmem:$0x1F220] =	vst v63  }
0x5d: {  	_ =	swait.ge [sflag:s25], $0x1400  }
0x5e: {  	[sflag:s25] =	ssyncset.done $0x0  }
0x5f: {  	[sflag:s25] =	ssyncadd.s32 $0xFFFFEC00  }
0x60: {  	[spmem:s19] =	stream.linear.scatter [tilespmem:s28], [sflag:$0x3], $0x1400, $0x38;
	[tilespmem:$0x1F220] =	vst v63  }
0x61: {  	_ =	swait.ge [sflag:s25], $0x1400  }
0x62: {  	[sflag:s25] =	ssyncset.done $0x0  }
0x63: {  	[sflag:s25] =	ssyncadd.s32 $0xFFFFEC00  }
0x64: {  	[spmem:s20] =	stream.linear.scatter [tilespmem:s28], [sflag:$0x3], $0x1400, $0x38;
	[tilespmem:$0x1F220] =	vst v63  }
0x65: {  	_ =	swait.ge [sflag:s25], $0x1400  }
0x66: {  	[sflag:s25] =	ssyncset.done $0x0  }
0x67: {  	[sflag:s25] =	ssyncadd.s32 $0xFFFFEC00  }
0x68: {  	[spmem:s21] =	stream.linear.scatter [tilespmem:s28], [sflag:$0x3], $0x1400, $0x38;
	[tilespmem:$0x1F220] =	vst v63  }
0x69: {  	_ =	swait.ge [sflag:s25], $0x1400  }
0x6a: {  	[sflag:s25] =	ssyncset.done $0x0  }
0x6b: {  	[sflag:s25] =	ssyncadd.s32 $0xFFFFEC00  }
0x6c: {  	[spmem:s22] =	stream.linear.scatter [tilespmem:s28], [sflag:$0x3], $0x1400, $0x38;
	[tilespmem:$0x1F220] =	vst v63  }
0x6d: {  	_ =	swait.ge [sflag:s25], $0x1400  }
0x6e: {  	[sflag:s25] =	ssyncset.done $0x0  }
0x6f: {  	[sflag:s25] =	ssyncadd.s32 $0xFFFFEC00  }
0x70: {  	[bflag:$0x0] =	sbarrier.arrive $0xFFFF  }
0x71: {  	[tilespmem:s28], [sflag:$0x1] =	stream.indirect.gather [hbm4b:s4+s29], $0x80, s9, s29, $0xb8;
	[tilespmem:$0x1F220] =	vst v63  }
0x72: {  	_ = 	snop  }
0x73: {  	[tilespmem:s30], [sflag:$0x1] =	stream.indirect.gather [hbm4b:s4+s29], $0x80, s29, s29, $0xb8;
	[tilespmem:$0x1F220] =	vst v63  }
0x74: {  	s10 =	simm.s32 $0x50  }
0x75: {  	[tilespmem:s0], [sflag:$0x1] =	stream.indirect.gather [hbm4b:s4+s29], $0x80, s10, s29, $0xb8;
	[tilespmem:$0x1F220] =	vst v63  }
0x76: {  	_ =	swait.ge [sflag:s1], $0x1400  }
0x77: {  	[sflag:s1] =	ssyncset.done $0x0  }
0x78: {  	[sflag:s1] =	ssyncadd.s32 $0xFFFFEC00  }
0x79: {  	[spmem:s2] =	stream.indirect.scatter.add.f32 [tilespmem:s28], [sflag:$0x2], $0x80, s26, s29, $0xb8;
	[tilespmem:$0x1F220] =	vst v63  }
0x7a: {  	s11 =	simm.s32 $0x78  }
0x7b: {  	[tilespmem:s31], [sflag:$0x1] =	stream.indirect.gather [hbm4b:s4+s29], $0x80, s11, s29, $0xb8;
	[tilespmem:$0x1F220] =	vst v63  }
0x7c: {  	_ =	swait.ge [sflag:s1], $0x1400  }
0x7d: {  	[sflag:s1] =	ssyncset.done $0x0  }
0x7e: {  	s10 =	simm.s32 $0x2738;
	[sflag:s1] =	ssyncadd.s32 $0xFFFFEC00  }
0x7f: {  	[spmem:s2] =	stream.indirect.scatter.add.f32 [tilespmem:s30], [sflag:$0x2], $0x80, s10, s29, $0xb8;
	[tilespmem:$0x1F220] =	vst v63  }
0x80: {  	_ =	swait.ge [sflag:s6], $0x1400  }
0x81: {  	[sflag:s6] =	ssyncset.done $0x0  }
0x82: {  	s11 =	simm.s32 $0xA0;
	[sflag:s6] =	ssyncadd.s32 $0xFFFFEC00  }
0x83: {  	[tilespmem:s8], [sflag:$0x1] =	stream.indirect.gather [hbm4b:s4+s29], $0x80, s11, s29, $0xb8;
	[tilespmem:$0x1F220] =	vst v63  }
0x84: {  	_ =	swait.ge [sflag:s1], $0x1400  }
0x85: {  	[sflag:s1] =	ssyncset.done $0x0  }
0x86: {  	s10 =	simm.s32 $0x2760;
	[sflag:s1] =	ssyncadd.s32 $0xFFFFEC00  }
0x87: {  	[spmem:s2] =	stream.indirect.scatter.add.f32 [tilespmem:s0], [sflag:$0x2], $0x80, s10, s29, $0xb8;
	[tilespmem:$0x1F220] =	vst v63  }
0x88: {  	_ =	swait.ge [sflag:s6], $0x1400  }
0x89: {  	[sflag:s6] =	ssyncset.done $0x0  }
0x8a: {  	s11 =	simm.s32 $0xC8;
	[sflag:s6] =	ssyncadd.s32 $0xFFFFEC00  }
0x8b: {  	[tilespmem:s28], [sflag:$0x1] =	stream.indirect.gather [hbm4b:s4+s29], $0x80, s11, s29, $0xb8;
	[tilespmem:$0x1F220] =	vst v63  }
0x8c: {  	_ =	swait.ge [sflag:s1], $0x1400  }
0x8d: {  	[sflag:s1] =	ssyncset.done $0x0  }
0x8e: {  	s10 =	simm.s32 $0x2788;
	[sflag:s1] =	ssyncadd.s32 $0xFFFFEC00  }
0x8f: {  	[spmem:s2] =	stream.indirect.scatter.add.f32 [tilespmem:s31], [sflag:$0x2], $0x80, s10, s29, $0xb8;
	[tilespmem:$0x1F220] =	vst v63  }
0x90: {  	_ =	swait.ge [sflag:s6], $0x1400  }
0x91: {  	[sflag:s6] =	ssyncset.done $0x0  }
0x92: {  	s11 =	simm.s32 $0xF0;
	[sflag:s6] =	ssyncadd.s32 $0xFFFFEC00  }
0x93: {  	[tilespmem:s30], [sflag:$0x1] =	stream.indirect.gather [hbm4b:s4+s29], $0x80, s11, s29, $0xb8;
	[tilespmem:$0x1F220] =	vst v63  }
0x94: {  	_ =	swait.ge [sflag:s1], $0x1400  }
0x95: {  	[sflag:s1] =	ssyncset.done $0x0  }
0x96: {  	s10 =	simm.s32 $0x27B0;
	[sflag:s1] =	ssyncadd.s32 $0xFFFFEC00  }
0x97: {  	[spmem:s2] =	stream.indirect.scatter.add.f32 [tilespmem:s8], [sflag:$0x2], $0x80, s10, s29, $0xb8;
	[tilespmem:$0x1F220] =	vst v63  }
0x98: {  	_ =	swait.ge [sflag:s6], $0x1400  }
0x99: {  	[sflag:s6] =	ssyncset.done $0x0  }
0x9a: {  	s11 =	simm.s32 $0x118;
	[sflag:s6] =	ssyncadd.s32 $0xFFFFEC00  }
0x9b: {  	[tilespmem:s0], [sflag:$0x1] =	stream.indirect.gather [hbm4b:s4+s29], $0x80, s11, s29, $0xb8;
	[tilespmem:$0x1F220] =	vst v63  }
0x9c: {  	_ =	swait.ge [sflag:s1], $0x1400  }
0x9d: {  	[sflag:s1] =	ssyncset.done $0x0  }
0x9e: {  	s10 =	simm.s32 $0x27D8;
	[sflag:s1] =	ssyncadd.s32 $0xFFFFEC00  }
0x9f: {  	[spmem:s2] =	stream.indirect.scatter.add.f32 [tilespmem:s28], [sflag:$0x2], $0x80, s10, s29, $0xb8;
	[tilespmem:$0x1F220] =	vst v63  }
0xa0: {  	_ =	swait.ge [sflag:s6], $0x1400  }
0xa1: {  	[sflag:s6] =	ssyncset.done $0x0  }
0xa2: {  	s11 =	simm.s32 $0x140;
	[sflag:s6] =	ssyncadd.s32 $0xFFFFEC00  }
0xa3: {  	[tilespmem:s31], [sflag:$0x1] =	stream.indirect.gather [hbm4b:s4+s29], $0x80, s11, s29, $0xb8;
	[tilespmem:$0x1F220] =	vst v63  }
0xa4: {  	_ =	swait.ge [sflag:s1], $0x1400  }
0xa5: {  	[sflag:s1] =	ssyncset.done $0x0  }
0xa6: {  	s10 =	simm.s32 $0x2800;
	[sflag:s1] =	ssyncadd.s32 $0xFFFFEC00  }
0xa7: {  	[spmem:s2] =	stream.indirect.scatter.add.f32 [tilespmem:s30], [sflag:$0x2], $0x80, s10, s29, $0xb8;
	[tilespmem:$0x1F220] =	vst v63  }
0xa8: {  	_ =	swait.ge [sflag:s6], $0x1400  }
0xa9: {  	[sflag:s6] =	ssyncset.done $0x0  }
0xaa: {  	s11 =	simm.s32 $0x168;
	[sflag:s6] =	ssyncadd.s32 $0xFFFFEC00  }
0xab: {  	[tilespmem:s8], [sflag:$0x1] =	stream.indirect.gather [hbm4b:s4+s29], $0x80, s11, s29, $0xb8;
	[tilespmem:$0x1F220] =	vst v63  }
0xac: {  	_ =	swait.ge [sflag:s1], $0x1400  }
0xad: {  	[sflag:s1] =	ssyncset.done $0x0  }
0xae: {  	s10 =	simm.s32 $0x2828;
	[sflag:s1] =	ssyncadd.s32 $0xFFFFEC00  }
0xaf: {  	[spmem:s2] =	stream.indirect.scatter.add.f32 [tilespmem:s0], [sflag:$0x2], $0x80, s10, s29, $0xb8;
	[tilespmem:$0x1F220] =	vst v63  }
0xb0: {  	_ =	swait.ge [sflag:s6], $0x1400  }
0xb1: {  	[sflag:s6] =	ssyncset.done $0x0  }
0xb2: {  	s11 =	simm.s32 $0x190;
	[sflag:s6] =	ssyncadd.s32 $0xFFFFEC00  }
0xb3: {  	[tilespmem:s28], [sflag:$0x1] =	stream.indirect.gather [hbm4b:s4+s29], $0x80, s11, s29, $0xb8;
	[tilespmem:$0x1F220] =	vst v63  }
0xb4: {  	_ =	swait.ge [sflag:s1], $0x1400  }
0xb5: {  	[sflag:s1] =	ssyncset.done $0x0  }
0xb6: {  	s10 =	simm.s32 $0x2850;
	[sflag:s1] =	ssyncadd.s32 $0xFFFFEC00  }
0xb7: {  	[spmem:s2] =	stream.indirect.scatter.add.f32 [tilespmem:s31], [sflag:$0x2], $0x80, s10, s29, $0xb8;
	[tilespmem:$0x1F220] =	vst v63  }
0xb8: {  	_ =	swait.ge [sflag:s6], $0x1400  }
0xb9: {  	[sflag:s6] =	ssyncset.done $0x0  }
0xba: {  	s11 =	simm.s32 $0x1B8;
	[sflag:s6] =	ssyncadd.s32 $0xFFFFEC00  }
0xbb: {  	[tilespmem:s30], [sflag:$0x1] =	stream.indirect.gather [hbm4b:s4+s29], $0x80, s11, s29, $0xb8;
	[tilespmem:$0x1F220] =	vst v63  }
0xbc: {  	_ =	swait.ge [sflag:s1], $0x1400  }
0xbd: {  	[sflag:s1] =	ssyncset.done $0x0  }
0xbe: {  	s9 =	simm.s32 $0x320;
	s10 =	simm.s32 $0x2878;
	[sflag:s1] =	ssyncadd.s32 $0xFFFFEC00  }
.LBB2_4:
0xbf: {  	[spmem:s2] =	stream.indirect.scatter.add.f32 [tilespmem:s8], [sflag:$0x2], $0x80, s10, s29, $0xb8;
	[tilespmem:$0x1F220] =	vst v63  }
0xc0: {  	s10 =	smov.u32 s9;
	s9 =	sadd.s32 $0x320, s9;
	_ =	swait.ge [sflag:s6], $0x1400  }
0xc1: {  	s10 =	sshra.s32 s10, $0x2;
	p0 =	sne.s32 s9, $0x9600;
	[sflag:s6] =	ssyncset.done $0x0  }
0xc2: {  	s11 =	sadd.s32 $0x118, s10;
	[sflag:s6] =	ssyncadd.s32 $0xFFFFEC00  }
0xc3: {  	[tilespmem:s0], [sflag:$0x1] =	stream.indirect.gather [hbm4b:s4+s29], $0x80, s11, s29, $0xb8;
	[tilespmem:$0x1F220] =	vst v63  }
0xc4: {  	_ =	swait.ge [sflag:s1], $0x1400  }
0xc5: {  	[sflag:s1] =	ssyncset.done $0x0  }
0xc6: {  	s11 =	sadd.s32 $0x27D8, s10;
	[sflag:s1] =	ssyncadd.s32 $0xFFFFEC00  }
0xc7: {  	[spmem:s2] =	stream.indirect.scatter.add.f32 [tilespmem:s28], [sflag:$0x2], $0x80, s11, s29, $0xb8;
	[tilespmem:$0x1F220] =	vst v63  }
0xc8: {  	_ =	swait.ge [sflag:s6], $0x1400  }
0xc9: {  	[sflag:s6] =	ssyncset.done $0x0  }
0xca: {  	s11 =	sadd.s32 $0x140, s10;
	[sflag:s6] =	ssyncadd.s32 $0xFFFFEC00  }
0xcb: {  	[tilespmem:s31], [sflag:$0x1] =	stream.indirect.gather [hbm4b:s4+s29], $0x80, s11, s29, $0xb8;
	[tilespmem:$0x1F220] =	vst v63  }
0xcc: {  	_ =	swait.ge [sflag:s1], $0x1400  }
0xcd: {  	[sflag:s1] =	ssyncset.done $0x0  }
0xce: {  	s11 =	sadd.s32 $0x2800, s10;
	[sflag:s1] =	ssyncadd.s32 $0xFFFFEC00  }
0xcf: {  	[spmem:s2] =	stream.indirect.scatter.add.f32 [tilespmem:s30], [sflag:$0x2], $0x80, s11, s29, $0xb8;
	[tilespmem:$0x1F220] =	vst v63  }
0xd0: {  	_ =	swait.ge [sflag:s6], $0x1400  }
0xd1: {  	[sflag:s6] =	ssyncset.done $0x0  }
0xd2: {  	s11 =	sadd.s32 $0x168, s10;
	[sflag:s6] =	ssyncadd.s32 $0xFFFFEC00  }
0xd3: {  	[tilespmem:s8], [sflag:$0x1] =	stream.indirect.gather [hbm4b:s4+s29], $0x80, s11, s29, $0xb8;
	[tilespmem:$0x1F220] =	vst v63  }
0xd4: {  	_ =	swait.ge [sflag:s1], $0x1400  }
0xd5: {  	[sflag:s1] =	ssyncset.done $0x0  }
0xd6: {  	s11 =	sadd.s32 $0x2828, s10;
	[sflag:s1] =	ssyncadd.s32 $0xFFFFEC00  }
0xd7: {  	[spmem:s2] =	stream.indirect.scatter.add.f32 [tilespmem:s0], [sflag:$0x2], $0x80, s11, s29, $0xb8;
	[tilespmem:$0x1F220] =	vst v63  }
0xd8: {  	_ =	swait.ge [sflag:s6], $0x1400  }
0xd9: {  	[sflag:s6] =	ssyncset.done $0x0  }
0xda: {  	s11 =	sadd.s32 $0x190, s10;
	[sflag:s6] =	ssyncadd.s32 $0xFFFFEC00  }
0xdb: {  	[tilespmem:s28], [sflag:$0x1] =	stream.indirect.gather [hbm4b:s4+s29], $0x80, s11, s29, $0xb8;
	[tilespmem:$0x1F220] =	vst v63  }
0xdc: {  	_ =	swait.ge [sflag:s1], $0x1400  }
0xdd: {  	[sflag:s1] =	ssyncset.done $0x0  }
0xde: {  	s11 =	sadd.s32 $0x2850, s10;
	[sflag:s1] =	ssyncadd.s32 $0xFFFFEC00  }
0xdf: {  	[spmem:s2] =	stream.indirect.scatter.add.f32 [tilespmem:s31], [sflag:$0x2], $0x80, s11, s29, $0xb8;
	[tilespmem:$0x1F220] =	vst v63  }
0xe0: {  	_ =	swait.ge [sflag:s6], $0x1400  }
0xe1: {  	[sflag:s6] =	ssyncset.done $0x0  }
.Ltmp1:
0xe2: {  	s11 =	sadd.s32 $0x1B8, s10;
	[sflag:s6] =	ssyncadd.s32 $0xFFFFEC00;
	(pc) =	sbr.rel @p0 .LBB2_4-.Ltmp1, $4  }
0xe3: {  	[tilespmem:s30], [sflag:$0x1] =	stream.indirect.gather [hbm4b:s4+s29], $0x80, s11, s29, $0xb8;
	[tilespmem:$0x1F220] =	vst v63  }
0xe4: {  	_ =	swait.ge [sflag:s1], $0x1400  }
0xe5: {  	[sflag:s1] =	ssyncset.done $0x0  }
0xe6: {  	s10 =	sadd.s32 $0x2878, s10;
	[sflag:s1] =	ssyncadd.s32 $0xFFFFEC00  }
0xe7: {  	[spmem:s2] =	stream.indirect.scatter.add.f32 [tilespmem:s8], [sflag:$0x2], $0x80, s10, s29, $0xb8;
	[tilespmem:$0x1F220] =	vst v63  }
0xe8: {  	_ =	swait.ge [sflag:s6], $0x1400  }
0xe9: {  	s9 =	sshra.s32 s9, $0x2;
	[sflag:s6] =	ssyncset.done $0x0  }
0xea: {  	s11 =	sadd.s32 $0x118, s9;
	[sflag:s6] =	ssyncadd.s32 $0xFFFFEC00  }
0xeb: {  	[tilespmem:s0], [sflag:$0x1] =	stream.indirect.gather [hbm4b:s4+s29], $0x80, s11, s29, $0xb8;
	[tilespmem:$0x1F220] =	vst v63  }
0xec: {  	_ =	swait.ge [sflag:s1], $0x1400  }
0xed: {  	[sflag:s1] =	ssyncset.done $0x0  }
0xee: {  	s11 =	sadd.s32 $0x27D8, s9;
	[sflag:s1] =	ssyncadd.s32 $0xFFFFEC00  }
0xef: {  	[spmem:s2] =	stream.indirect.scatter.add.f32 [tilespmem:s28], [sflag:$0x2], $0x80, s11, s29, $0xb8;
	[tilespmem:$0x1F220] =	vst v63  }
0xf0: {  	_ =	swait.ge [sflag:s6], $0x1400  }
0xf1: {  	[sflag:s6] =	ssyncset.done $0x0  }
0xf2: {  	s11 =	sadd.s32 $0x140, s9;
	[sflag:s6] =	ssyncadd.s32 $0xFFFFEC00  }
0xf3: {  	[tilespmem:s31], [sflag:$0x1] =	stream.indirect.gather [hbm4b:s4+s29], $0x80, s11, s29, $0xb8;
	[tilespmem:$0x1F220] =	vst v63  }
0xf4: {  	_ =	swait.ge [sflag:s1], $0x1400  }
0xf5: {  	[sflag:s1] =	ssyncset.done $0x0  }
0xf6: {  	s11 =	sadd.s32 $0x2800, s9;
	[sflag:s1] =	ssyncadd.s32 $0xFFFFEC00  }
0xf7: {  	[spmem:s2] =	stream.indirect.scatter.add.f32 [tilespmem:s30], [sflag:$0x2], $0x80, s11, s29, $0xb8;
	[tilespmem:$0x1F220] =	vst v63  }
0xf8: {  	_ =	swait.ge [sflag:s6], $0x1400  }
0xf9: {  	[sflag:s6] =	ssyncset.done $0x0  }
0xfa: {  	s11 =	simm.s32 $0x26E8;
	[sflag:s6] =	ssyncadd.s32 $0xFFFFEC00  }
0xfb: {  	[tilespmem:s8], [sflag:$0x1] =	stream.indirect.gather [hbm4b:s4+s29], $0x80, s11, s29, $0xb8;
	[tilespmem:$0x1F220] =	vst v63  }
0xfc: {  	_ =	swait.ge [sflag:s1], $0x1400  }
0xfd: {  	[sflag:s1] =	ssyncset.done $0x0  }
0xfe: {  	s11 =	sadd.s32 $0x2828, s9;
	[sflag:s1] =	ssyncadd.s32 $0xFFFFEC00  }
0xff: {  	[spmem:s2] =	stream.indirect.scatter.add.f32 [tilespmem:s0], [sflag:$0x2], $0x80, s11, s29, $0xb8;
	[tilespmem:$0x1F220] =	vst v63  }
0x100: {  	_ =	swait.ge [sflag:s6], $0x1400  }
0x101: {  	[sflag:s6] =	ssyncset.done $0x0  }
0x102: {  	[sflag:s6] =	ssyncadd.s32 $0xFFFFEC00  }
0x103: {  	_ =	swait.ge [sflag:s1], $0x1400  }
0x104: {  	[sflag:s1] =	ssyncset.done $0x0  }
0x105: {  	s9 =	sadd.s32 $0x2850, s9;
	[sflag:s1] =	ssyncadd.s32 $0xFFFFEC00  }
0x106: {  	[spmem:s2] =	stream.indirect.scatter.add.f32 [tilespmem:s31], [sflag:$0x2], $0x80, s9, s29, $0xb8;
	[tilespmem:$0x1F220] =	vst v63  }
0x107: {  	_ =	swait.ge [sflag:s6], $0x1400  }
0x108: {  	[sflag:s6] =	ssyncset.done $0x0  }
0x109: {  	[sflag:s6] =	ssyncadd.s32 $0xFFFFEC00  }
0x10a: {  	_ =	swait.ge [sflag:s1], $0x1400  }
0x10b: {  	[sflag:s1] =	ssyncset.done $0x0  }
0x10c: {  	s11 =	simm.s32 $0x4DF8;
	[sflag:s1] =	ssyncadd.s32 $0xFFFFEC00  }
0x10d: {  	[spmem:s2] =	stream.indirect.scatter.add.f32 [tilespmem:s8], [sflag:$0x2], $0x80, s11, s29, $0xb8;
	[tilespmem:$0x1F220] =	vst v63  }
0x10e: {  	_ =	swait.ge [sflag:s6], $0x1400  }
0x10f: {  	[sflag:s6] =	ssyncset.done $0x0  }
0x110: {  	[sflag:s6] =	ssyncadd.s32 $0xFFFFEC00  }
0x111: {  	s10 =	stileid.u32;
	_ =	swait.ge [sflag:s6], $0x1400  }
0x112: {  	s3 =	sadd.s32 $0x1, s3;
	s9 =	sshll.u32 s10, $0x6;
	[sflag:s6] =	ssyncset.done $0x0  }
0x113: {  	p0 =	sne.s32 s3, s24;
	s9 =	sor.u32 $0x1C03, s9;
	[sflag:s6] =	ssyncadd.s32 $0xFFFFEC00  }
.Ltmp2:
0x114: {  	s11 =	sshrl.u32 s7, $0x3;
	[bflag:$0x0] =	sbarrier.arrive $0xFFFF;
	(pc) =	sbr.rel @p0 .LBB2_1-.Ltmp2, $4  }
0x115: {  	[hbm:s23], [sflag:s9] =	dma.local [spmem:s11], $0x2800  }
0x116: {  	_ =	swait.ge [sflag:s25], $0x2800  }
0x117: {  	[sflag:s25] =	ssyncset.done $0x0  }
0x118: {  	[sflag:s25] =	ssyncadd.s32 $0xFFFFD800  }
0x119: {  	_ =	sfence.sel $0x180000  }
0x11a: {  	[bflag:$0x0] =	sbarrier.arrive $0xFFFF  }
0x11b: {  	_ =	strace $0x9000004A  }
0x11c: {  	s0 =	stileid.u32;
	[bflag:$0x2] =	sbarrier.arrive $0xFFFF  }
0x11d: {  	p0 =	sne.s32 s0, $0x0;
	s0 =	rddreg [dreg:$0x3]  }
0x11e: {  	s0 =	sadd.s32 @!p0 $0x100000, s0  }
0x11f: {  	[sflag:s0] =	ssyncadd.tile.s32 @!p0 $0x1;
	_ =	shalt  }
.Lfunc_end2:
_tile_overlayer_lowered:
.L_overlay_start_2:
0x120: {  	(tag) =	ssettag $0x2  }
0x121: {  	s0 =	rddreg [dreg:$0x0];
	s2 =	stileid.u32  }
0x122: {  	s1 =	rddreg [dreg:$0x1];
	p0 =	sne.s32 s2, $0x0  }
0x123: {  	s3 =	rddreg [dreg:$0x2];
	[bflag:$0x3] =	sbarrier.arrive $0xFFFF;
	s2 =	simm.s32 @!p0 $0x1C03  }
0x124: {  	[timem:s3], [sflag:s2] =	dma.local @!p0 [hbm:s0], s1  }
0x125: {  	s0 =	simm.s32 @!p0 $0x3  }
0x126: {  	_ =	swait.ge @!p0 [sflag:s0], s1  }
0x127: {  	s1 =	ssub.s32 @!p0 $0x0, s1;
	[sflag:s0] =	ssyncset.done @!p0 $0x0  }
0x128: {  	[sflag:s0] =	ssyncadd.s32 @!p0 s1  }
0x129: {  	[bflag:$0x3] =	sbarrier.arrive $0xFFFF  }
0x12a: {  	_ =	shalt  }

// kernel: kernel.14.cloned.1.call-start
scs
__scs_entry_jumppad:
0x0: {  	(pc) =	sbr.rel $0x88, $3  }
0x1: {  	(tag) =	ssettag $0x0;
	lr =	simm.s32 $0x1  }
0x2: {  	[smem:$0x3F99] =	sst lr;
	_ =	strace $0xD0000000  }
0x3: {  	_ = 	snop  }
0x4: {  	_ = 	snop  }
0x5: {  	_ = 	snop  }
0x6: {  	_ = 	snop  }
0x7: {  	_ = 	snop  }
__scs_overlays_trampoline_lowered:
0x8: {  	[smem:$0x3FA8] =	sst s0  }
0x9: {  	[smem:$0x3FA9] =	sst s1  }
0xa: {  	[smem:$0x3FAA] =	sst s2  }
0xb: {  	[smem:$0x3FAB] =	sst s3  }
0xc: {  	[smem:$0x3FAC] =	sst s4  }
0xd: {  	[smem:$0x3FAD] =	sst s5  }
0xe: {  	[smem:$0x3FAE] =	sst s6  }
0xf: {  	[smem:$0x3FAF] =	sst s7  }
0x10: {  	[smem:$0x3FB0] =	sst s8  }
0x11: {  	[smem:$0x3FB1] =	sst s9;
	s0 =	simm.s32 @!p0 $0x0  }
0x12: {  	s1 =	sld [smem:$0x3F97];
	s0 =	simm.s32 @p0 $0x1  }
0x13: {  	[smem:$0x3FB2] =	sst s0;
	s0 =	simm.s32 @!p1 $0x0  }
0x14: {  	s2 =	sld [smem:$0x3F96];
	s0 =	simm.s32 @p1 $0x1  }
0x15: {  	[smem:$0x3FB3] =	sst s0;
	s0 =	simm.s32 @!p2 $0x0  }
0x16: {  	s3 =	sld [smem:$0x3FDB];
	s0 =	simm.s32 @p2 $0x1  }
0x17: {  	s4 =	simm.s32 $0x1BF5;
	[smem:$0x3FB5] =	sst s0  }
0x18: {  	s0 =	sld [smem:$0x3F98];
	_ =	swait.ge [sflag:s4], $0x0  }
0x19: {  	s7 =	sld [smem:$0x3F99]  }
0x1a: {  	s8 =	sadd.s32 $0xFFFFE003, lr  }
0x1b: {  	s9 =	sadd.s32 $0xFFFFFEF7, lr;
	s5 =	simm.s32 $0xFFFFFFFF;
	p2 =	slt.u32 s8, $0xFFFFF086  }
0x1c: {  	p1 =	slt.u32 s9, $0xF7A;
	s5 =	simm.s32 @!p2 $0x0  }
0x1d: {  	s5 =	simm.s32 @p1 $0x1;
	p0 =	seq.s32 s7, s2  }
0x1e: {  	s7 =	smul.u32 @!p0 $0xF7A, s2;
	p2 =	seq.s32 @!p0 s5, $0x0  }
0x1f: {  	s9 =	smul.u32 $0xF7A, s1;
	s8 =	simm.s32 @!p0 $0x1BF5;
	p2 =	por !p2, p0  }
0x20: {  	[sflag:s8] =	ssyncset.s32 @!p0 $0xFFFFF086;
	s6 =	sadd.s32 @!p0 s3, s7;
	s7 =	simm.s32 @!p0 $0x108  }
0x21: {  	s3 =	sadd.s32 s3, s9;
	s6 =	sadd.s32 @!p0 $0x88, s6;
	s7 =	simm.s32 @p2 $0x1082  }
0x22: {  	[simem:s7], [sflag:s8] =	dma.local @!p0 [hbm:s6], $0xF7A  }
0x23: {  	s9 =	sor.u32 $0xD0000000, s2;
	s6 =	simm.s32 $0x108;
	_ =	swait.ge @!p0 [sflag:s8], $0x0  }
0x24: {  	s3 =	sadd.s32 $0x88, s3;
	s6 =	simm.s32 @!p1 $0x1082;
	[sflag:s4] =	ssyncset.s32 $0xFFFFF086  }
0x25: {  	[simem:s6], [sflag:s4] =	dma.local [hbm:s3], $0xF7A  }
0x26: {  	[smem:$0x3F99] =	sst s1;
	(tag) =	ssettag s2;
	_ =	strace s9  }
0x27: {  	s1 =	sld [smem:$0x3FA9]  }
0x28: {  	s2 =	sld [smem:$0x3FAA]  }
0x29: {  	s4 =	sld [smem:$0x3FAC]  }
0x2a: {  	p0 =	seq.s32 s5, $0x0;
	s5 =	sld [smem:$0x3FAD]  }
0x2b: {  	s6 =	sld [smem:$0x3FAE]  }
0x2c: {  	s7 =	sld [smem:$0x3FAF]  }
0x2d: {  	s3 =	simm.s32 $0x108;
	s8 =	sld [smem:$0x3FB0]  }
0x2e: {  	s3 =	simm.s32 @!p0 $0x1082;
	s9 =	sld [smem:$0x3FB1]  }
0x2f: {  	lr =	sadd.s32 s0, s3;
	s0 =	sld [smem:$0x3FA8]  }
0x30: {  	s3 =	sld [smem:$0x3FAB]  }
0x31: {  	[smem:$0x3FB4] =	sst s10  }
0x32: {  	s10 =	sld [smem:$0x3FB2];
	_ =	sdelay $0x3  }
0x33: {  	p0 =	seq.s32 s10, $0x1;
	s10 =	sld [smem:$0x3FB4];
	_ =	sdelay $0x3  }
0x34: {  	[smem:$0x3FB4] =	sst s10  }
0x35: {  	s10 =	sld [smem:$0x3FB3];
	_ =	sdelay $0x3  }
0x36: {  	p1 =	seq.s32 s10, $0x1;
	s10 =	sld [smem:$0x3FB4];
	_ =	sdelay $0x3  }
0x37: {  	[smem:$0x3FB4] =	sst s10  }
0x38: {  	s10 =	sld [smem:$0x3FB5]  }
0x39: {  	_ = 	snop;
	(pc) =	sbr.ind lr, $3  }
0x3a: {  	_ = 	snop  }
0x3b: {  	_ = 	snop  }
0x3c: {  	p2 =	seq.s32 s10, $0x1;
	s10 =	sld [smem:$0x3FB4]  }
0x3d: {  	_ =	shalt  }
0x3e: {  	_ =	shalt  }
0x3f: {  	_ =	shalt  }
0x40: {  	_ =	shalt  }
0x41: {  	_ =	shalt  }
0x42: {  	_ =	shalt  }
0x43: {  	_ =	shalt  }
0x44: {  	_ =	shalt  }
0x45: {  	_ =	shalt  }
0x46: {  	_ =	shalt  }
0x47: {  	_ =	shalt  }
0x48: {  	_ =	shalt  }
0x49: {  	_ =	shalt  }
0x4a: {  	_ =	shalt  }
0x4b: {  	_ =	shalt  }
0x4c: {  	_ =	shalt  }
0x4d: {  	_ =	shalt  }
0x4e: {  	_ =	shalt  }
0x4f: {  	_ =	shalt  }
0x50: {  	_ =	shalt  }
0x51: {  	_ =	shalt  }
0x52: {  	_ =	shalt  }
0x53: {  	_ =	shalt  }
0x54: {  	_ =	shalt  }
0x55: {  	_ =	shalt  }
0x56: {  	_ =	shalt  }
0x57: {  	_ =	shalt  }
0x58: {  	_ =	shalt  }
0x59: {  	_ =	shalt  }
0x5a: {  	_ =	shalt  }
0x5b: {  	_ =	shalt  }
0x5c: {  	_ =	shalt  }
0x5d: {  	_ =	shalt  }
0x5e: {  	_ =	shalt  }
0x5f: {  	_ =	shalt  }
0x60: {  	_ =	shalt  }
0x61: {  	_ =	shalt  }
0x62: {  	_ =	shalt  }
0x63: {  	_ =	shalt  }
0x64: {  	_ =	shalt  }
0x65: {  	_ =	shalt  }
0x66: {  	_ =	shalt  }
0x67: {  	_ =	shalt  }
0x68: {  	_ =	shalt  }
0x69: {  	_ =	shalt  }
0x6a: {  	_ =	shalt  }
0x6b: {  	_ =	shalt  }
0x6c: {  	_ =	shalt  }
0x6d: {  	_ =	shalt  }
0x6e: {  	_ =	shalt  }
0x6f: {  	_ =	shalt  }
0x70: {  	_ =	shalt  }
0x71: {  	_ =	shalt  }
0x72: {  	_ =	shalt  }
0x73: {  	_ =	shalt  }
0x74: {  	_ =	shalt  }
0x75: {  	_ =	shalt  }
0x76: {  	_ =	shalt  }
0x77: {  	_ =	shalt  }
0x78: {  	_ =	shalt  }
0x79: {  	_ =	shalt  }
0x7a: {  	_ =	shalt  }
0x7b: {  	_ =	shalt  }
0x7c: {  	_ =	shalt  }
0x7d: {  	_ =	shalt  }
0x7e: {  	_ =	shalt  }
0x7f: {  	_ =	shalt  }
0x80: {  	_ =	shalt  }
0x81: {  	_ =	shalt  }
0x82: {  	_ =	shalt  }
0x83: {  	_ =	shalt  }
0x84: {  	_ =	shalt  }
0x85: {  	_ =	shalt  }
0x86: {  	_ =	shalt  }
0x87: {  	_ =	shalt  }
.Lfunc_end0:
.L_simem_size_0:
called_computation.2_lowered:
.L_overlay_start_0:
0x88: {  	s2 =	sld [smem:$0x3FD9]  }
0x89: {  	s3 =	sld [smem:$0x3FFE];
	_ =	sdelay $0x1  }
0x8a: {  	s1 =	srdreg.scid  }
0x8b: {  	s0 =	sand.u32 $0x1, s1  }
0x8c: {  	s17 =	sshll.u32 s0, $0xA;
	s2 =	sadd.s32 s3, s2  }
0x8d: {  	s2 =	sadd.s32 s2, s17  }
0x8e: {  	[smem:$0x3FC0] =	sst s2  }
0x8f: {  	_ = 	snop  }
0x90: {  	s2 =	sld [smem:$0x3FD0];
	(tm) =	ssettm $0x1  }
0x91: {  	s18 =	sld [smem:$0x3FFB];
	_ =	sdelay $0x3  }
0x92: {  	_ =	strace s18  }
0x93: {  	s3 =	sld [smem:$0x3FFC];
	_ =	sdelay $0x3  }
0x94: {  	_ =	strace s3  }
0x95: {  	s3 =	sld [smem:$0x3FFD];
	_ =	sdelay $0x3  }
0x96: {  	_ =	strace s3  }
0x97: {  	_ =	strace $0x8FFFFFFF  }
0x98: {  	s19 =	sld [smem:$0x3FDB];
	_ =	sdelay $0x1  }
0x99: {  	s4 =	simm.s32 $_scs_section_size  }
0x9a: {  	s5 =	simm.s32 $_size__tile_overlayer_lowered;
	s6 =	simm.s32 $_tile_overlayer_lowered  }
0x9b: {  	s22 =	simm.s32 $0x1BFF;
	s21 =	sshll.u32 s6, $0x1;
	s3 =	sadd.s32 s4, s19  }
0x9c: {  	s7 =	simm.s32 $0x0;
	s20 =	sshll.u32 s5, $0x1;
	s5 =	sadd.s32 s21, s3  }
0x9d: {  	[timem:s7], [sflag:s22] =	dma.local [hbm:s5], s20  }
0x9e: {  	_ =	swait.ge [sflag:s22], s20  }
0x9f: {  	s4 =	ssub.s32 $0x0, s20;
	[sflag:s22] =	ssyncset.done $0x0  }
0xa0: {  	[sflag:s22] =	ssyncadd.s32 s4;
	_ =	sdelay $0x1  }
0xa1: {  	s23 =	simm.s32 $0x1B8B  }
0xa2: {  	_ =	swait.ge [sflag:s23], $0x1  }
0xa3: {  	[sflag:s23] =	ssyncset.done $0x0  }
0xa4: {  	s25 =	simm.s32 $0x1B8E;
	s24 =	sld [smem:$0x3FFE];
	[sflag:s23] =	ssyncadd.s32 $0xFFFFFFFF  }
0xa5: {  	s26 =	simm.s32 $execute0_lowered;
	[smem:$0x3FD2] =	sst s25  }
0xa6: {  	s5 =	sshll.u32 s26, $0x1;
	_ =	strace $0x8000004C;
	[dreg:$0x1] =	wrdreg $0xFFFFFFFF  }
0xa7: {  	s28 =	simm.s32 $_size_execute0_lowered;
	s3 =	sadd.s32 s3, s5;
	[dreg:$0x0] =	wrdreg $0x0  }
0xa8: {  	s5 =	sshll.u32 s28, $0x1;
	[dreg:$0x2] =	wrdreg s3  }
0xa9: {  	[dreg:$0x3] =	wrdreg s5  }
0xaa: {  	[dreg:$0x4] =	wrdreg $0xC0  }
0xab: {  	_ =	task [dreg:s7], $0x5FFFF  }
0xac: {  	[dreg:$0x1] =	wrdreg $0xFFFFFFFF  }
0xad: {  	[dreg:$0x0] =	wrdreg $0x60  }
0xae: {  	[dreg:$0x2] =	wrdreg s24  }
0xaf: {  	[dreg:$0x3] =	wrdreg s2  }
0xb0: {  	[dreg:$0x4] =	wrdreg $0xB2200  }
0xb1: {  	[dreg:$0x5] =	wrdreg $0x9  }
0xb2: {  	_ =	task.clear_ibuf [dreg:s7], $0x6FFFF;
	_ =	strace $0x9000004C  }
0xb3: {  	s29 =	simm.s32 $0x9;
	_ =	strace $0x8000004E  }
0xb4: {  	_ =	swait.ge [sflag:s29], $0x1  }
0xb5: {  	[sflag:s29] =	ssyncadd.s32 $0xFFFFFFFF  }
0xb6: {  	_ =	strace $0x9000004E  }
0xb7: {  	_ =	sfence  }
0xb8: {  	s30 =	sld [smem:$0x0];
	_ =	sdelay $0x2  }
0xb9: {  	s31 =	sshll.u32 s1, $0xD;
	s1 =	sshrl.u32 s1, $0x2  }
0xba: {  	s3 =	sand.u32 $0x4000, s31;
	s1 =	sadd.s32 s1, s30  }
0xbb: {  	s0 =	sor.u32 s3, s0;
	s1 =	sshll.u32 s1, $0x11  }
0xbc: {  	s0 =	sor.u32 s1, s0  }
0xbd: {  	s0 =	sadd.s32 $0x8F2B, s0  }
0xbe: {  	[sflag:s0] =	ssyncadd.remote.s32 $0x1  }
0xbf: {  	_ =	sfence.sel $0xFFFF  }
0xc0: {  	[dreg:$0x0] =	wrdreg $0xFFFFFFFF;
	(pc) =	sbr.abs _section_cstart, $3  }
0xc1: {  	[dreg:$0x1] =	wrdreg $0xFFFFFFFF  }
0xc2: {  	_ =	task.clear_ibuf [dreg:s7], $0x2FFFF;
	_ =	strace $0x9FFFFFFF  }
0xc3: {  	(tm) =	ssettm $0x7FFFFFFF  }
tec
execute0_lowered:
.L_overlay_start_1:
0x0: {  	(tag) =	ssettag $0x1  }
0x1: {  	s0 =	rddreg [dreg:$0x0]  }
0x2: {  	s1 =	srdreg.scid;
	s5 =	rddreg [dreg:$0x1]  }
0x3: {  	s9 =	stileid.u32;
	s2 =	rddreg [dreg:$0x2]  }
0x4: {  	s3 =	simm.s32 $0x0;
	s17 =	simm.s32 $0x3;
	s18 =	simm.s32 $0x2710  }
0x5: {  	s19 =	simm.s32 $0x4E20;
	s20 =	simm.s32 $0x50;
	s21 =	simm.s32 $0x6220  }
0x6: {  	s23 =	simm.s32 $0x7620;
	s24 =	simm.s32 $0x1;
	s26 =	simm.s32 $0x8A20  }
0x7: {  	s29 =	simm.s32 $0x2;
	s31 =	simm.s32 $0x9E20;
	s22 =	simm.s32 $0x2800  }
0x8: {  	s25 =	simm.s32 $0x1E0;
	s28 =	simm.s32 $0x2850;
	s7 =	smul.u32 $0xA000, s9  }
0x9: {  	s1 =	sand.u32 $0x1, s1;
	s6 =	sshll.u32 s9, $0x1;
	s9 =	smul.u32 $0x28000, s9  }
0xa: {  	[smem:$0x7FF] =	sst s3;
	s4 =	smul.u32 $0xA0000, s1;
	s6 =	sor.u32 s1, s6  }
0xb: {  	_ =	strace $0x8000004D;
	s1 =	ssub.s32 $0x2, s1;
	s6 =	smul.u32 $0x2710, s6  }
0xc: {  	s30 =	sshrl.u32 s1, $0x1;
	s9 =	sshrl.u32 s9, $0x2;
	s4 =	sadd.s32 s7, s4  }
0xd: {  	s1 =	ssub.s32 s1, s30;
	s14 =	sadd.s32 s9, s2;
	s7 =	sadd.s32 s7, s2  }
0xe: {  	s8 =	sshrl.u32 s4, $0x3;
	s4 =	sadd.s32 $0x2800, s0;
	s6 =	sshrl.u32 s6, $0x3  }
0xf: {  	s9 =	sadd.s32 $0x2800, s14;
	s10 =	sadd.s32 $0x3C00, s14;
	s11 =	sadd.s32 $0x5000, s14  }
0x10: {  	s12 =	sadd.s32 $0x6400, s14;
	s13 =	sadd.s32 $0x7800, s14;
	s16 =	smax.u32 s1, $0x1  }
0x11: {  	s0 =	sadd.s32 s8, s0;
	s5 =	sadd.s32 s5, s6;
	s8 =	sadd.s32 $0x1400, s14  }
0x12: {  	v0 =	vimm.f32 $0.0e+00;
	s14 =	sadd.s32 $0x8C00, s14;
	s6 =	sadd.s32 $0x9C40, s5;
	s15 =	sadd.s32 $0x16200, s0  }
.LBB2_1:
0x13: {  	s30 =	simm.s32 $0x100;
	s1 =	simm.s32 $0x0  }
.LBB2_2:
0x14: {  	p0 =	sne.s32 s30, $0x4F00;
	[tilespmem:s1+$0x4E50] =	vst v0;
	s0 =	smov.u32 s30;
	s30 =	sadd.s32 $0x100, s30  }
.Ltmp0:
0x15: {  	[tilespmem:s1+$0x4E40] =	vst v0;
	(pc) =	sbr.rel @p0 .LBB2_2-.Ltmp0, $3  }
0x16: {  	[tilespmem:s1+$0x4E20] =	vst v0  }
0x17: {  	[tilespmem:s1+$0x4E30] =	vst v0;
	_ =	sdelay $0x1  }
0x18: {  	s1 =	sshra.s32 s0, $0x2  }
0x19: {  	[tilespmem:s1+$0x4E50] =	vst v0  }
0x1a: {  	[tilespmem:s1+$0x4E40] =	vst v0  }
0x1b: {  	[tilespmem:s1+$0x4E20] =	vst v0  }
0x1c: {  	[tilespmem:s1+$0x4E30] =	vst v0;
	s0 =	simm.s32 $0x0  }
0x1d: {  	[tilespmem:s0], [sflag:$0x3] =	stream.linear.gather [hbm4b:s5+s0], $0x2710, $0x38;
	[tilespmem:$0x15220] =	vst v63  }
0x1e: {  	_ =	swait.ge [sflag:s17], $0x2710  }
0x1f: {  	[sflag:s17] =	ssyncset.done $0x0  }
0x20: {  	[sflag:s17] =	ssyncadd.s32 $0xFFFFD8F0  }
0x21: {  	[tilespmem:s18], [sflag:$0x3] =	stream.linear.gather [hbm4b:s6+s0], $0x2710, $0x38;
	[tilespmem:$0x15220] =	vst v63  }
0x22: {  	_ =	swait.ge [sflag:s17], $0x2710  }
0x23: {  	[sflag:s17] =	ssyncset.done $0x0  }
0x24: {  	[sflag:s17] =	ssyncadd.s32 $0xFFFFD8F0  }
0x25: {  	[spmem:s7] =	stream.linear.scatter [tilespmem:s19], [sflag:$0x3], $0x1400, $0x38;
	[tilespmem:$0x15220] =	vst v63  }
0x26: {  	_ =	swait.ge [sflag:s17], $0x1400  }
0x27: {  	[sflag:s17] =	ssyncset.done $0x0  }
0x28: {  	[sflag:s17] =	ssyncadd.s32 $0xFFFFEC00  }
0x29: {  	[spmem:s8] =	stream.linear.scatter [tilespmem:s19], [sflag:$0x3], $0x1400, $0x38;
	[tilespmem:$0x15220] =	vst v63  }
0x2a: {  	_ =	swait.ge [sflag:s17], $0x1400  }
0x2b: {  	[sflag:s17] =	ssyncset.done $0x0  }
0x2c: {  	[sflag:s17] =	ssyncadd.s32 $0xFFFFEC00  }
0x2d: {  	[spmem:s9] =	stream.linear.scatter [tilespmem:s19], [sflag:$0x3], $0x1400, $0x38;
	[tilespmem:$0x15220] =	vst v63  }
0x2e: {  	_ =	swait.ge [sflag:s17], $0x1400  }
0x2f: {  	[sflag:s17] =	ssyncset.done $0x0  }
0x30: {  	[sflag:s17] =	ssyncadd.s32 $0xFFFFEC00  }
0x31: {  	[spmem:s10] =	stream.linear.scatter [tilespmem:s19], [sflag:$0x3], $0x1400, $0x38;
	[tilespmem:$0x15220] =	vst v63  }
0x32: {  	_ =	swait.ge [sflag:s17], $0x1400  }
0x33: {  	[sflag:s17] =	ssyncset.done $0x0  }
0x34: {  	[sflag:s17] =	ssyncadd.s32 $0xFFFFEC00  }
0x35: {  	[spmem:s11] =	stream.linear.scatter [tilespmem:s19], [sflag:$0x3], $0x1400, $0x38;
	[tilespmem:$0x15220] =	vst v63  }
0x36: {  	_ =	swait.ge [sflag:s17], $0x1400  }
0x37: {  	[sflag:s17] =	ssyncset.done $0x0  }
0x38: {  	[sflag:s17] =	ssyncadd.s32 $0xFFFFEC00  }
0x39: {  	[spmem:s12] =	stream.linear.scatter [tilespmem:s19], [sflag:$0x3], $0x1400, $0x38;
	[tilespmem:$0x15220] =	vst v63  }
0x3a: {  	_ =	swait.ge [sflag:s17], $0x1400  }
0x3b: {  	[sflag:s17] =	ssyncset.done $0x0  }
0x3c: {  	[sflag:s17] =	ssyncadd.s32 $0xFFFFEC00  }
0x3d: {  	[spmem:s13] =	stream.linear.scatter [tilespmem:s19], [sflag:$0x3], $0x1400, $0x38;
	[tilespmem:$0x15220] =	vst v63  }
0x3e: {  	_ =	swait.ge [sflag:s17], $0x1400  }
0x3f: {  	[sflag:s17] =	ssyncset.done $0x0  }
0x40: {  	[sflag:s17] =	ssyncadd.s32 $0xFFFFEC00  }
0x41: {  	[spmem:s14] =	stream.linear.scatter [tilespmem:s19], [sflag:$0x3], $0x1400, $0x38;
	[tilespmem:$0x15220] =	vst v63  }
0x42: {  	_ =	swait.ge [sflag:s17], $0x1400  }
0x43: {  	[sflag:s17] =	ssyncset.done $0x0  }
0x44: {  	[sflag:s17] =	ssyncadd.s32 $0xFFFFEC00  }
0x45: {  	[bflag:$0x0] =	sbarrier.arrive $0xFFFF  }
0x46: {  	[tilespmem:s19], [sflag:$0x1] =	stream.indirect.gather [hbm4b:s4+s20], $0x40, s0, s20, $0xb8;
	[tilespmem:$0x15220] =	vst v63  }
0x47: {  	_ = 	snop  }
0x48: {  	[tilespmem:s21], [sflag:$0x1] =	stream.indirect.gather [hbm4b:s4+s20], $0x40, s20, s20, $0xb8;
	[tilespmem:$0x15220] =	vst v63  }
0x49: {  	s1 =	simm.s32 $0xA0  }
0x4a: {  	[tilespmem:s23], [sflag:$0x1] =	stream.indirect.gather [hbm4b:s4+s20], $0x40, s1, s20, $0xb8;
	[tilespmem:$0x15220] =	vst v63  }
0x4b: {  	_ =	swait.ge [sflag:s24], $0x1400  }
0x4c: {  	[sflag:s24] =	ssyncset.done $0x0  }
0x4d: {  	[sflag:s24] =	ssyncadd.s32 $0xFFFFEC00  }
0x4e: {  	[spmem:s2] =	stream.indirect.scatter.add.f32 [tilespmem:s19], [sflag:$0x2], $0x40, s18, s20, $0xb8;
	[tilespmem:$0x15220] =	vst v63  }
0x4f: {  	s1 =	simm.s32 $0xF0  }
0x50: {  	[tilespmem:s26], [sflag:$0x1] =	stream.indirect.gather [hbm4b:s4+s20], $0x40, s1, s20, $0xb8;
	[tilespmem:$0x15220] =	vst v63  }
0x51: {  	_ =	swait.ge [sflag:s24], $0x1400  }
0x52: {  	[sflag:s24] =	ssyncset.done $0x0  }
0x53: {  	s1 =	simm.s32 $0x2760;
	[sflag:s24] =	ssyncadd.s32 $0xFFFFEC00  }
0x54: {  	[spmem:s2] =	stream.indirect.scatter.add.f32 [tilespmem:s21], [sflag:$0x2], $0x40, s1, s20, $0xb8;
	[tilespmem:$0x15220] =	vst v63  }
0x55: {  	_ =	swait.ge [sflag:s29], $0x1400  }
0x56: {  	[sflag:s29] =	ssyncset.done $0x0  }
0x57: {  	s1 =	simm.s32 $0x140;
	[sflag:s29] =	ssyncadd.s32 $0xFFFFEC00  }
0x58: {  	[tilespmem:s31], [sflag:$0x1] =	stream.indirect.gather [hbm4b:s4+s20], $0x40, s1, s20, $0xb8;
	[tilespmem:$0x15220] =	vst v63  }
0x59: {  	_ =	swait.ge [sflag:s24], $0x1400  }
0x5a: {  	[sflag:s24] =	ssyncset.done $0x0  }
0x5b: {  	s1 =	simm.s32 $0x27B0;
	[sflag:s24] =	ssyncadd.s32 $0xFFFFEC00  }
0x5c: {  	[spmem:s2] =	stream.indirect.scatter.add.f32 [tilespmem:s23], [sflag:$0x2], $0x40, s1, s20, $0xb8;
	[tilespmem:$0x15220] =	vst v63  }
0x5d: {  	_ =	swait.ge [sflag:s29], $0x1400  }
0x5e: {  	[sflag:s29] =	ssyncset.done $0x0  }
0x5f: {  	s1 =	simm.s32 $0x190;
	[sflag:s29] =	ssyncadd.s32 $0xFFFFEC00  }
0x60: {  	[tilespmem:s19], [sflag:$0x1] =	stream.indirect.gather [hbm4b:s4+s20], $0x40, s1, s20, $0xb8;
	[tilespmem:$0x15220] =	vst v63  }
0x61: {  	_ =	swait.ge [sflag:s24], $0x1400  }
0x62: {  	[sflag:s24] =	ssyncset.done $0x0  }
0x63: {  	[sflag:s24] =	ssyncadd.s32 $0xFFFFEC00  }
0x64: {  	[spmem:s2] =	stream.indirect.scatter.add.f32 [tilespmem:s26], [sflag:$0x2], $0x40, s22, s20, $0xb8;
	[tilespmem:$0x15220] =	vst v63  }
0x65: {  	_ =	swait.ge [sflag:s29], $0x1400  }
0x66: {  	[sflag:s29] =	ssyncset.done $0x0  }
0x67: {  	[sflag:s29] =	ssyncadd.s32 $0xFFFFEC00  }
0x68: {  	[tilespmem:s21], [sflag:$0x1] =	stream.indirect.gather [hbm4b:s4+s20], $0x40, s25, s20, $0xb8;
	[tilespmem:$0x15220] =	vst v63  }
0x69: {  	_ =	swait.ge [sflag:s24], $0x1400  }
0x6a: {  	[sflag:s24] =	ssyncset.done $0x0  }
0x6b: {  	[sflag:s24] =	ssyncadd.s32 $0xFFFFEC00  }
0x6c: {  	[spmem:s2] =	stream.indirect.scatter.add.f32 [tilespmem:s31], [sflag:$0x2], $0x40, s28, s20, $0xb8;
	[tilespmem:$0x15220] =	vst v63  }
0x6d: {  	_ =	swait.ge [sflag:s29], $0x1400  }
0x6e: {  	[sflag:s29] =	ssyncset.done $0x0  }
0x6f: {  	s1 =	simm.s32 $0x230;
	[sflag:s29] =	ssyncadd.s32 $0xFFFFEC00  }
0x70: {  	[tilespmem:s23], [sflag:$0x1] =	stream.indirect.gather [hbm4b:s4+s20], $0x40, s1, s20, $0xb8;
	[tilespmem:$0x15220] =	vst v63  }
0x71: {  	_ =	swait.ge [sflag:s24], $0x1400  }
0x72: {  	[sflag:s24] =	ssyncset.done $0x0  }
0x73: {  	s1 =	simm.s32 $0x28A0;
	[sflag:s24] =	ssyncadd.s32 $0xFFFFEC00  }
0x74: {  	[spmem:s2] =	stream.indirect.scatter.add.f32 [tilespmem:s19], [sflag:$0x2], $0x40, s1, s20, $0xb8;
	[tilespmem:$0x15220] =	vst v63  }
0x75: {  	_ =	swait.ge [sflag:s29], $0x1400  }
0x76: {  	[sflag:s29] =	ssyncset.done $0x0  }
0x77: {  	s1 =	simm.s32 $0x280;
	[sflag:s29] =	ssyncadd.s32 $0xFFFFEC00  }
0x78: {  	[tilespmem:s26], [sflag:$0x1] =	stream.indirect.gather [hbm4b:s4+s20], $0x40, s1, s20, $0xb8;
	[tilespmem:$0x15220] =	vst v63  }
0x79: {  	_ =	swait.ge [sflag:s24], $0x1400  }
0x7a: {  	[sflag:s24] =	ssyncset.done $0x0  }
0x7b: {  	s1 =	simm.s32 $0x28F0;
	[sflag:s24] =	ssyncadd.s32 $0xFFFFEC00  }
0x7c: {  	[spmem:s2] =	stream.indirect.scatter.add.f32 [tilespmem:s21], [sflag:$0x2], $0x40, s1, s20, $0xb8;
	[tilespmem:$0x15220] =	vst v63  }
0x7d: {  	_ =	swait.ge [sflag:s29], $0x1400  }
0x7e: {  	[sflag:s29] =	ssyncset.done $0x0  }
0x7f: {  	s1 =	simm.s32 $0x2D0;
	[sflag:s29] =	ssyncadd.s32 $0xFFFFEC00  }
0x80: {  	[tilespmem:s31], [sflag:$0x1] =	stream.indirect.gather [hbm4b:s4+s20], $0x40, s1, s20, $0xb8;
	[tilespmem:$0x15220] =	vst v63  }
0x81: {  	_ =	swait.ge [sflag:s24], $0x1400  }
0x82: {  	[sflag:s24] =	ssyncset.done $0x0  }
0x83: {  	s1 =	simm.s32 $0x2940;
	[sflag:s24] =	ssyncadd.s32 $0xFFFFEC00  }
0x84: {  	[spmem:s2] =	stream.indirect.scatter.add.f32 [tilespmem:s23], [sflag:$0x2], $0x40, s1, s20, $0xb8;
	[tilespmem:$0x15220] =	vst v63  }
0x85: {  	_ =	swait.ge [sflag:s29], $0x1400  }
0x86: {  	[sflag:s29] =	ssyncset.done $0x0  }
0x87: {  	s1 =	simm.s32 $0x320;
	[sflag:s29] =	ssyncadd.s32 $0xFFFFEC00  }
0x88: {  	[tilespmem:s19], [sflag:$0x1] =	stream.indirect.gather [hbm4b:s4+s20], $0x40, s1, s20, $0xb8;
	[tilespmem:$0x15220] =	vst v63  }
0x89: {  	_ =	swait.ge [sflag:s24], $0x1400  }
0x8a: {  	[sflag:s24] =	ssyncset.done $0x0  }
0x8b: {  	s1 =	simm.s32 $0x2990;
	[sflag:s24] =	ssyncadd.s32 $0xFFFFEC00  }
0x8c: {  	[spmem:s2] =	stream.indirect.scatter.add.f32 [tilespmem:s26], [sflag:$0x2], $0x40, s1, s20, $0xb8;
	[tilespmem:$0x15220] =	vst v63  }
0x8d: {  	_ =	swait.ge [sflag:s29], $0x1400  }
0x8e: {  	[sflag:s29] =	ssyncset.done $0x0  }
0x8f: {  	s1 =	simm.s32 $0x370;
	[sflag:s29] =	ssyncadd.s32 $0xFFFFEC00  }
0x90: {  	[tilespmem:s21], [sflag:$0x1] =	stream.indirect.gather [hbm4b:s4+s20], $0x40, s1, s20, $0xb8;
	[tilespmem:$0x15220] =	vst v63  }
0x91: {  	_ =	swait.ge [sflag:s24], $0x1400  }
0x92: {  	[sflag:s24] =	ssyncset.done $0x0  }
0x93: {  	s30 =	simm.s32 $0x640;
	s1 =	simm.s32 $0x29E0;
	[sflag:s24] =	ssyncadd.s32 $0xFFFFEC00  }
.LBB2_4:
0x94: {  	[spmem:s2] =	stream.indirect.scatter.add.f32 [tilespmem:s31], [sflag:$0x2], $0x40, s1, s20, $0xb8;
	[tilespmem:$0x15220] =	vst v63  }
0x95: {  	s0 =	smov.u32 s30;
	s30 =	sadd.s32 $0x640, s30;
	_ =	swait.ge [sflag:s29], $0x1400  }
0x96: {  	s1 =	sshra.s32 s0, $0x2;
	p0 =	sne.s32 s30, $0x8FC0;
	[sflag:s29] =	ssyncset.done $0x0  }
0x97: {  	s0 =	sadd.s32 $0x230, s1;
	[sflag:s29] =	ssyncadd.s32 $0xFFFFEC00  }
0x98: {  	[tilespmem:s23], [sflag:$0x1] =	stream.indirect.gather [hbm4b:s4+s20], $0x40, s0, s20, $0xb8;
	[tilespmem:$0x15220] =	vst v63  }
0x99: {  	_ =	swait.ge [sflag:s24], $0x1400  }
0x9a: {  	[sflag:s24] =	ssyncset.done $0x0  }
0x9b: {  	s0 =	sadd.s32 $0x28A0, s1;
	[sflag:s24] =	ssyncadd.s32 $0xFFFFEC00  }
0x9c: {  	[spmem:s2] =	stream.indirect.scatter.add.f32 [tilespmem:s19], [sflag:$0x2], $0x40, s0, s20, $0xb8;
	[tilespmem:$0x15220] =	vst v63  }
0x9d: {  	_ =	swait.ge [sflag:s29], $0x1400  }
0x9e: {  	[sflag:s29] =	ssyncset.done $0x0  }
0x9f: {  	s0 =	sadd.s32 $0x280, s1;
	[sflag:s29] =	ssyncadd.s32 $0xFFFFEC00  }
0xa0: {  	[tilespmem:s26], [sflag:$0x1] =	stream.indirect.gather [hbm4b:s4+s20], $0x40, s0, s20, $0xb8;
	[tilespmem:$0x15220] =	vst v63  }
0xa1: {  	_ =	swait.ge [sflag:s24], $0x1400  }
0xa2: {  	[sflag:s24] =	ssyncset.done $0x0  }
0xa3: {  	s0 =	sadd.s32 $0x28F0, s1;
	[sflag:s24] =	ssyncadd.s32 $0xFFFFEC00  }
0xa4: {  	[spmem:s2] =	stream.indirect.scatter.add.f32 [tilespmem:s21], [sflag:$0x2], $0x40, s0, s20, $0xb8;
	[tilespmem:$0x15220] =	vst v63  }
0xa5: {  	_ =	swait.ge [sflag:s29], $0x1400  }
0xa6: {  	[sflag:s29] =	ssyncset.done $0x0  }
0xa7: {  	s0 =	sadd.s32 $0x2D0, s1;
	[sflag:s29] =	ssyncadd.s32 $0xFFFFEC00  }
0xa8: {  	[tilespmem:s31], [sflag:$0x1] =	stream.indirect.gather [hbm4b:s4+s20], $0x40, s0, s20, $0xb8;
	[tilespmem:$0x15220] =	vst v63  }
0xa9: {  	_ =	swait.ge [sflag:s24], $0x1400  }
0xaa: {  	[sflag:s24] =	ssyncset.done $0x0  }
0xab: {  	s0 =	sadd.s32 $0x2940, s1;
	[sflag:s24] =	ssyncadd.s32 $0xFFFFEC00  }
0xac: {  	[spmem:s2] =	stream.indirect.scatter.add.f32 [tilespmem:s23], [sflag:$0x2], $0x40, s0, s20, $0xb8;
	[tilespmem:$0x15220] =	vst v63  }
0xad: {  	_ =	swait.ge [sflag:s29], $0x1400  }
0xae: {  	[sflag:s29] =	ssyncset.done $0x0  }
0xaf: {  	s0 =	sadd.s32 $0x320, s1;
	[sflag:s29] =	ssyncadd.s32 $0xFFFFEC00  }
0xb0: {  	[tilespmem:s19], [sflag:$0x1] =	stream.indirect.gather [hbm4b:s4+s20], $0x40, s0, s20, $0xb8;
	[tilespmem:$0x15220] =	vst v63  }
0xb1: {  	_ =	swait.ge [sflag:s24], $0x1400  }
0xb2: {  	[sflag:s24] =	ssyncset.done $0x0  }
0xb3: {  	s0 =	sadd.s32 $0x2990, s1;
	[sflag:s24] =	ssyncadd.s32 $0xFFFFEC00  }
0xb4: {  	[spmem:s2] =	stream.indirect.scatter.add.f32 [tilespmem:s26], [sflag:$0x2], $0x40, s0, s20, $0xb8;
	[tilespmem:$0x15220] =	vst v63  }
0xb5: {  	_ =	swait.ge [sflag:s29], $0x1400  }
0xb6: {  	[sflag:s29] =	ssyncset.done $0x0  }
.Ltmp1:
0xb7: {  	s0 =	sadd.s32 $0x370, s1;
	[sflag:s29] =	ssyncadd.s32 $0xFFFFEC00;
	(pc) =	sbr.rel @p0 .LBB2_4-.Ltmp1, $4  }
0xb8: {  	[tilespmem:s21], [sflag:$0x1] =	stream.indirect.gather [hbm4b:s4+s20], $0x40, s0, s20, $0xb8;
	[tilespmem:$0x15220] =	vst v63  }
0xb9: {  	_ =	swait.ge [sflag:s24], $0x1400  }
0xba: {  	[sflag:s24] =	ssyncset.done $0x0  }
0xbb: {  	s1 =	sadd.s32 $0x29E0, s1;
	[sflag:s24] =	ssyncadd.s32 $0xFFFFEC00  }
0xbc: {  	[spmem:s2] =	stream.indirect.scatter.add.f32 [tilespmem:s31], [sflag:$0x2], $0x40, s1, s20, $0xb8;
	[tilespmem:$0x15220] =	vst v63  }
0xbd: {  	_ =	swait.ge [sflag:s29], $0x1400  }
0xbe: {  	s0 =	sshra.s32 s30, $0x2;
	[sflag:s29] =	ssyncset.done $0x0  }
0xbf: {  	s30 =	sadd.s32 $0x230, s0;
	[sflag:s29] =	ssyncadd.s32 $0xFFFFEC00  }
0xc0: {  	[tilespmem:s23], [sflag:$0x1] =	stream.indirect.gather [hbm4b:s4+s20], $0x40, s30, s20, $0xb8;
	[tilespmem:$0x15220] =	vst v63  }
0xc1: {  	_ =	swait.ge [sflag:s24], $0x1400  }
0xc2: {  	[sflag:s24] =	ssyncset.done $0x0  }
0xc3: {  	s30 =	sadd.s32 $0x28A0, s0;
	[sflag:s24] =	ssyncadd.s32 $0xFFFFEC00  }
0xc4: {  	[spmem:s2] =	stream.indirect.scatter.add.f32 [tilespmem:s19], [sflag:$0x2], $0x40, s30, s20, $0xb8;
	[tilespmem:$0x15220] =	vst v63  }
0xc5: {  	_ =	swait.ge [sflag:s29], $0x1400  }
0xc6: {  	[sflag:s29] =	ssyncset.done $0x0  }
0xc7: {  	s30 =	sadd.s32 $0x280, s0;
	[sflag:s29] =	ssyncadd.s32 $0xFFFFEC00  }
0xc8: {  	[tilespmem:s26], [sflag:$0x1] =	stream.indirect.gather [hbm4b:s4+s20], $0x40, s30, s20, $0xb8;
	[tilespmem:$0x15220] =	vst v63  }
0xc9: {  	_ =	swait.ge [sflag:s24], $0x1400  }
0xca: {  	[sflag:s24] =	ssyncset.done $0x0  }
0xcb: {  	s30 =	sadd.s32 $0x28F0, s0;
	[sflag:s24] =	ssyncadd.s32 $0xFFFFEC00  }
0xcc: {  	[spmem:s2] =	stream.indirect.scatter.add.f32 [tilespmem:s21], [sflag:$0x2], $0x40, s30, s20, $0xb8;
	[tilespmem:$0x15220] =	vst v63  }
0xcd: {  	_ =	swait.ge [sflag:s29], $0x1400  }
0xce: {  	[sflag:s29] =	ssyncset.done $0x0  }
0xcf: {  	s30 =	sadd.s32 $0x2D0, s0;
	[sflag:s29] =	ssyncadd.s32 $0xFFFFEC00  }
0xd0: {  	[tilespmem:s31], [sflag:$0x1] =	stream.indirect.gather [hbm4b:s4+s20], $0x40, s30, s20, $0xb8;
	[tilespmem:$0x15220] =	vst v63  }
0xd1: {  	_ =	swait.ge [sflag:s24], $0x1400  }
0xd2: {  	[sflag:s24] =	ssyncset.done $0x0  }
0xd3: {  	s30 =	sadd.s32 $0x2940, s0;
	[sflag:s24] =	ssyncadd.s32 $0xFFFFEC00  }
0xd4: {  	[spmem:s2] =	stream.indirect.scatter.add.f32 [tilespmem:s23], [sflag:$0x2], $0x40, s30, s20, $0xb8;
	[tilespmem:$0x15220] =	vst v63  }
0xd5: {  	_ =	swait.ge [sflag:s29], $0x1400  }
0xd6: {  	[sflag:s29] =	ssyncset.done $0x0  }
0xd7: {  	[sflag:s29] =	ssyncadd.s32 $0xFFFFEC00  }
0xd8: {  	_ =	swait.ge [sflag:s24], $0x1400  }
0xd9: {  	[sflag:s24] =	ssyncset.done $0x0  }
0xda: {  	s30 =	sadd.s32 $0x2990, s0;
	[sflag:s24] =	ssyncadd.s32 $0xFFFFEC00  }
0xdb: {  	[spmem:s2] =	stream.indirect.scatter.add.f32 [tilespmem:s26], [sflag:$0x2], $0x40, s30, s20, $0xb8;
	[tilespmem:$0x15220] =	vst v63  }
0xdc: {  	_ =	swait.ge [sflag:s29], $0x1400  }
0xdd: {  	[sflag:s29] =	ssyncset.done $0x0  }
0xde: {  	[sflag:s29] =	ssyncadd.s32 $0xFFFFEC00  }
0xdf: {  	_ =	swait.ge [sflag:s24], $0x1400  }
0xe0: {  	[sflag:s24] =	ssyncset.done $0x0  }
0xe1: {  	s0 =	sadd.s32 $0x29E0, s0;
	[sflag:s24] =	ssyncadd.s32 $0xFFFFEC00  }
0xe2: {  	[spmem:s2] =	stream.indirect.scatter.add.f32 [tilespmem:s31], [sflag:$0x2], $0x40, s0, s20, $0xb8;
	[tilespmem:$0x15220] =	vst v63  }
0xe3: {  	_ =	swait.ge [sflag:s29], $0x1400  }
0xe4: {  	[sflag:s29] =	ssyncset.done $0x0  }
0xe5: {  	[sflag:s29] =	ssyncadd.s32 $0xFFFFEC00  }
0xe6: {  	s3 =	sadd.s32 $0x1, s3;
	_ =	swait.ge [sflag:s29], $0x1400  }
0xe7: {  	s1 =	stileid.u32;
	p0 =	sne.s32 s3, s16;
	[sflag:s29] =	ssyncset.done $0x0  }
0xe8: {  	s30 =	sshrl.u32 s7, $0x3;
	s0 =	sshll.u32 s1, $0x6;
	[sflag:s29] =	ssyncadd.s32 $0xFFFFEC00  }
.Ltmp2:
0xe9: {  	s0 =	sor.u32 $0x1C03, s0;
	[bflag:$0x0] =	sbarrier.arrive $0xFFFF;
	(pc) =	sbr.rel @p0 .LBB2_1-.Ltmp2, $4  }
0xea: {  	[hbm:s15], [sflag:s0] =	dma.local [spmem:s30], $0x1400  }
0xeb: {  	_ =	swait.ge [sflag:s17], $0x1400  }
0xec: {  	[sflag:s17] =	ssyncset.done $0x0  }
0xed: {  	[sflag:s17] =	ssyncadd.s32 $0xFFFFEC00  }
0xee: {  	_ =	sfence.sel $0x180000  }
0xef: {  	[bflag:$0x0] =	sbarrier.arrive $0xFFFF  }
0xf0: {  	_ =	strace $0x9000004D  }
0xf1: {  	s0 =	stileid.u32;
	[bflag:$0x2] =	sbarrier.arrive $0xFFFF  }
0xf2: {  	p0 =	sne.s32 s0, $0x0;
	s0 =	rddreg [dreg:$0x3]  }
0xf3: {  	s0 =	sadd.s32 @!p0 $0x100000, s0  }
0xf4: {  	[sflag:s0] =	ssyncadd.tile.s32 @!p0 $0x1;
	_ =	shalt  }
.Lfunc_end2:
_tile_overlayer_lowered:
.L_overlay_start_2:
0xf5: {  	(tag) =	ssettag $0x2  }
0xf6: {  	s0 =	rddreg [dreg:$0x0];
	s2 =	stileid.u32  }
0xf7: {  	s1 =	rddreg [dreg:$0x1];
	p0 =	sne.s32 s2, $0x0  }
0xf8: {  	s3 =	rddreg [dreg:$0x2];
	[bflag:$0x3] =	sbarrier.arrive $0xFFFF;
	s2 =	simm.s32 @!p0 $0x1C03  }
0xf9: {  	[timem:s3], [sflag:s2] =	dma.local @!p0 [hbm:s0], s1  }
0xfa: {  	s0 =	simm.s32 @!p0 $0x3  }
0xfb: {  	_ =	swait.ge @!p0 [sflag:s0], s1  }
0xfc: {  	s1 =	ssub.s32 @!p0 $0x0, s1;
	[sflag:s0] =	ssyncset.done @!p0 $0x0  }
0xfd: {  	[sflag:s0] =	ssyncadd.s32 @!p0 s1  }
0xfe: {  	[bflag:$0x3] =	sbarrier.arrive $0xFFFF  }
0xff: {  	_ =	shalt  }

// kernel: kernel.8.cloned.1.call-start
scs
__scs_entry_jumppad:
0x0: {  	(pc) =	sbr.rel $0x88, $3  }
0x1: {  	(tag) =	ssettag $0x0;
	lr =	simm.s32 $0x1  }
0x2: {  	[smem:$0x3F99] =	sst lr;
	_ =	strace $0xD0000000  }
0x3: {  	_ = 	snop  }
0x4: {  	_ = 	snop  }
0x5: {  	_ = 	snop  }
0x6: {  	_ = 	snop  }
0x7: {  	_ = 	snop  }
__scs_overlays_trampoline_lowered:
0x8: {  	[smem:$0x3FA8] =	sst s0  }
0x9: {  	[smem:$0x3FA9] =	sst s1  }
0xa: {  	[smem:$0x3FAA] =	sst s2  }
0xb: {  	[smem:$0x3FAB] =	sst s3  }
0xc: {  	[smem:$0x3FAC] =	sst s4  }
0xd: {  	[smem:$0x3FAD] =	sst s5  }
0xe: {  	[smem:$0x3FAE] =	sst s6  }
0xf: {  	[smem:$0x3FAF] =	sst s7  }
0x10: {  	[smem:$0x3FB0] =	sst s8  }
0x11: {  	[smem:$0x3FB1] =	sst s9;
	s0 =	simm.s32 @!p0 $0x0  }
0x12: {  	s1 =	sld [smem:$0x3F97];
	s0 =	simm.s32 @p0 $0x1  }
0x13: {  	[smem:$0x3FB2] =	sst s0;
	s0 =	simm.s32 @!p1 $0x0  }
0x14: {  	s2 =	sld [smem:$0x3F96];
	s0 =	simm.s32 @p1 $0x1  }
0x15: {  	[smem:$0x3FB3] =	sst s0;
	s0 =	simm.s32 @!p2 $0x0  }
0x16: {  	s3 =	sld [smem:$0x3FDB];
	s0 =	simm.s32 @p2 $0x1  }
0x17: {  	s4 =	simm.s32 $0x1BF5;
	[smem:$0x3FB5] =	sst s0  }
0x18: {  	s0 =	sld [smem:$0x3F98];
	_ =	swait.ge [sflag:s4], $0x0  }
0x19: {  	s7 =	sld [smem:$0x3F99]  }
0x1a: {  	s8 =	sadd.s32 $0xFFFFE003, lr  }
0x1b: {  	s9 =	sadd.s32 $0xFFFFFEF7, lr;
	s5 =	simm.s32 $0xFFFFFFFF;
	p2 =	slt.u32 s8, $0xFFFFF086  }
0x1c: {  	p1 =	slt.u32 s9, $0xF7A;
	s5 =	simm.s32 @!p2 $0x0  }
0x1d: {  	s5 =	simm.s32 @p1 $0x1;
	p0 =	seq.s32 s7, s2  }
0x1e: {  	s7 =	smul.u32 @!p0 $0xF7A, s2;
	p2 =	seq.s32 @!p0 s5, $0x0  }
0x1f: {  	s9 =	smul.u32 $0xF7A, s1;
	s8 =	simm.s32 @!p0 $0x1BF5;
	p2 =	por !p2, p0  }
0x20: {  	[sflag:s8] =	ssyncset.s32 @!p0 $0xFFFFF086;
	s6 =	sadd.s32 @!p0 s3, s7;
	s7 =	simm.s32 @!p0 $0x108  }
0x21: {  	s3 =	sadd.s32 s3, s9;
	s6 =	sadd.s32 @!p0 $0x88, s6;
	s7 =	simm.s32 @p2 $0x1082  }
0x22: {  	[simem:s7], [sflag:s8] =	dma.local @!p0 [hbm:s6], $0xF7A  }
0x23: {  	s9 =	sor.u32 $0xD0000000, s2;
	s6 =	simm.s32 $0x108;
	_ =	swait.ge @!p0 [sflag:s8], $0x0  }
0x24: {  	s3 =	sadd.s32 $0x88, s3;
	s6 =	simm.s32 @!p1 $0x1082;
	[sflag:s4] =	ssyncset.s32 $0xFFFFF086  }
0x25: {  	[simem:s6], [sflag:s4] =	dma.local [hbm:s3], $0xF7A  }
0x26: {  	[smem:$0x3F99] =	sst s1;
	(tag) =	ssettag s2;
	_ =	strace s9  }
0x27: {  	s1 =	sld [smem:$0x3FA9]  }
0x28: {  	s2 =	sld [smem:$0x3FAA]  }
0x29: {  	s4 =	sld [smem:$0x3FAC]  }
0x2a: {  	p0 =	seq.s32 s5, $0x0;
	s5 =	sld [smem:$0x3FAD]  }
0x2b: {  	s6 =	sld [smem:$0x3FAE]  }
0x2c: {  	s7 =	sld [smem:$0x3FAF]  }
0x2d: {  	s3 =	simm.s32 $0x108;
	s8 =	sld [smem:$0x3FB0]  }
0x2e: {  	s3 =	simm.s32 @!p0 $0x1082;
	s9 =	sld [smem:$0x3FB1]  }
0x2f: {  	lr =	sadd.s32 s0, s3;
	s0 =	sld [smem:$0x3FA8]  }
0x30: {  	s3 =	sld [smem:$0x3FAB]  }
0x31: {  	[smem:$0x3FB4] =	sst s10  }
0x32: {  	s10 =	sld [smem:$0x3FB2];
	_ =	sdelay $0x3  }
0x33: {  	p0 =	seq.s32 s10, $0x1;
	s10 =	sld [smem:$0x3FB4];
	_ =	sdelay $0x3  }
0x34: {  	[smem:$0x3FB4] =	sst s10  }
0x35: {  	s10 =	sld [smem:$0x3FB3];
	_ =	sdelay $0x3  }
0x36: {  	p1 =	seq.s32 s10, $0x1;
	s10 =	sld [smem:$0x3FB4];
	_ =	sdelay $0x3  }
0x37: {  	[smem:$0x3FB4] =	sst s10  }
0x38: {  	s10 =	sld [smem:$0x3FB5]  }
0x39: {  	_ = 	snop;
	(pc) =	sbr.ind lr, $3  }
0x3a: {  	_ = 	snop  }
0x3b: {  	_ = 	snop  }
0x3c: {  	p2 =	seq.s32 s10, $0x1;
	s10 =	sld [smem:$0x3FB4]  }
0x3d: {  	_ =	shalt  }
0x3e: {  	_ =	shalt  }
0x3f: {  	_ =	shalt  }
0x40: {  	_ =	shalt  }
0x41: {  	_ =	shalt  }
0x42: {  	_ =	shalt  }
0x43: {  	_ =	shalt  }
0x44: {  	_ =	shalt  }
0x45: {  	_ =	shalt  }
0x46: {  	_ =	shalt  }
0x47: {  	_ =	shalt  }
0x48: {  	_ =	shalt  }
0x49: {  	_ =	shalt  }
0x4a: {  	_ =	shalt  }
0x4b: {  	_ =	shalt  }
0x4c: {  	_ =	shalt  }
0x4d: {  	_ =	shalt  }
0x4e: {  	_ =	shalt  }
0x4f: {  	_ =	shalt  }
0x50: {  	_ =	shalt  }
0x51: {  	_ =	shalt  }
0x52: {  	_ =	shalt  }
0x53: {  	_ =	shalt  }
0x54: {  	_ =	shalt  }
0x55: {  	_ =	shalt  }
0x56: {  	_ =	shalt  }
0x57: {  	_ =	shalt  }
0x58: {  	_ =	shalt  }
0x59: {  	_ =	shalt  }
0x5a: {  	_ =	shalt  }
0x5b: {  	_ =	shalt  }
0x5c: {  	_ =	shalt  }
0x5d: {  	_ =	shalt  }
0x5e: {  	_ =	shalt  }
0x5f: {  	_ =	shalt  }
0x60: {  	_ =	shalt  }
0x61: {  	_ =	shalt  }
0x62: {  	_ =	shalt  }
0x63: {  	_ =	shalt  }
0x64: {  	_ =	shalt  }
0x65: {  	_ =	shalt  }
0x66: {  	_ =	shalt  }
0x67: {  	_ =	shalt  }
0x68: {  	_ =	shalt  }
0x69: {  	_ =	shalt  }
0x6a: {  	_ =	shalt  }
0x6b: {  	_ =	shalt  }
0x6c: {  	_ =	shalt  }
0x6d: {  	_ =	shalt  }
0x6e: {  	_ =	shalt  }
0x6f: {  	_ =	shalt  }
0x70: {  	_ =	shalt  }
0x71: {  	_ =	shalt  }
0x72: {  	_ =	shalt  }
0x73: {  	_ =	shalt  }
0x74: {  	_ =	shalt  }
0x75: {  	_ =	shalt  }
0x76: {  	_ =	shalt  }
0x77: {  	_ =	shalt  }
0x78: {  	_ =	shalt  }
0x79: {  	_ =	shalt  }
0x7a: {  	_ =	shalt  }
0x7b: {  	_ =	shalt  }
0x7c: {  	_ =	shalt  }
0x7d: {  	_ =	shalt  }
0x7e: {  	_ =	shalt  }
0x7f: {  	_ =	shalt  }
0x80: {  	_ =	shalt  }
0x81: {  	_ =	shalt  }
0x82: {  	_ =	shalt  }
0x83: {  	_ =	shalt  }
0x84: {  	_ =	shalt  }
0x85: {  	_ =	shalt  }
0x86: {  	_ =	shalt  }
0x87: {  	_ =	shalt  }
.Lfunc_end0:
.L_simem_size_0:
called_computation_lowered:
.L_overlay_start_0:
0x88: {  	s2 =	sld [smem:$0x3FD9]  }
0x89: {  	s3 =	sld [smem:$0x3FFE];
	_ =	sdelay $0x1  }
0x8a: {  	s1 =	srdreg.scid  }
0x8b: {  	s0 =	sand.u32 $0x1, s1  }
0x8c: {  	s17 =	sshll.u32 s0, $0xA;
	s2 =	sadd.s32 s3, s2  }
0x8d: {  	s2 =	sadd.s32 s2, s17  }
0x8e: {  	[smem:$0x3FC0] =	sst s2  }
0x8f: {  	_ = 	snop  }
0x90: {  	s2 =	sld [smem:$0x3FD0];
	(tm) =	ssettm $0x1  }
0x91: {  	s18 =	sld [smem:$0x3FFB];
	_ =	sdelay $0x3  }
0x92: {  	_ =	strace s18  }
0x93: {  	s3 =	sld [smem:$0x3FFC];
	_ =	sdelay $0x3  }
0x94: {  	_ =	strace s3  }
0x95: {  	s3 =	sld [smem:$0x3FFD];
	_ =	sdelay $0x3  }
0x96: {  	_ =	strace s3  }
0x97: {  	_ =	strace $0x8FFFFFFF  }
0x98: {  	s19 =	sld [smem:$0x3FDB];
	_ =	sdelay $0x1  }
0x99: {  	s4 =	simm.s32 $_scs_section_size  }
0x9a: {  	s5 =	simm.s32 $_size__tile_overlayer_lowered;
	s6 =	simm.s32 $_tile_overlayer_lowered  }
0x9b: {  	s22 =	simm.s32 $0x1BFF;
	s21 =	sshll.u32 s6, $0x1;
	s3 =	sadd.s32 s4, s19  }
0x9c: {  	s7 =	simm.s32 $0x0;
	s20 =	sshll.u32 s5, $0x1;
	s5 =	sadd.s32 s21, s3  }
0x9d: {  	[timem:s7], [sflag:s22] =	dma.local [hbm:s5], s20  }
0x9e: {  	_ =	swait.ge [sflag:s22], s20  }
0x9f: {  	s4 =	ssub.s32 $0x0, s20;
	[sflag:s22] =	ssyncset.done $0x0  }
0xa0: {  	[sflag:s22] =	ssyncadd.s32 s4;
	_ =	sdelay $0x1  }
0xa1: {  	s23 =	simm.s32 $0x1B8B  }
0xa2: {  	_ =	swait.ge [sflag:s23], $0x1  }
0xa3: {  	[sflag:s23] =	ssyncset.done $0x0  }
0xa4: {  	s25 =	simm.s32 $0x1B8E;
	s24 =	sld [smem:$0x3FFE];
	[sflag:s23] =	ssyncadd.s32 $0xFFFFFFFF  }
0xa5: {  	s26 =	simm.s32 $execute0_lowered;
	[smem:$0x3FD2] =	sst s25  }
0xa6: {  	s5 =	sshll.u32 s26, $0x1;
	_ =	strace $0x80000046;
	[dreg:$0x1] =	wrdreg $0xFFFFFFFF  }
0xa7: {  	s28 =	simm.s32 $_size_execute0_lowered;
	s3 =	sadd.s32 s3, s5;
	[dreg:$0x0] =	wrdreg $0x0  }
0xa8: {  	s5 =	sshll.u32 s28, $0x1;
	[dreg:$0x2] =	wrdreg s3  }
0xa9: {  	[dreg:$0x3] =	wrdreg s5  }
0xaa: {  	[dreg:$0x4] =	wrdreg $0xC0  }
0xab: {  	_ =	task [dreg:s7], $0x5FFFF  }
0xac: {  	[dreg:$0x1] =	wrdreg $0xFFFFFFFF  }
0xad: {  	[dreg:$0x0] =	wrdreg $0x60  }
0xae: {  	[dreg:$0x2] =	wrdreg s2  }
0xaf: {  	[dreg:$0x3] =	wrdreg s24  }
0xb0: {  	[dreg:$0x4] =	wrdreg $0x29E00  }
0xb1: {  	[dreg:$0x5] =	wrdreg $0x9  }
0xb2: {  	_ =	task.clear_ibuf [dreg:s7], $0x6FFFF;
	_ =	strace $0x90000046  }
0xb3: {  	s29 =	simm.s32 $0x9;
	_ =	strace $0x80000048  }
0xb4: {  	_ =	swait.ge [sflag:s29], $0x1  }
0xb5: {  	[sflag:s29] =	ssyncadd.s32 $0xFFFFFFFF  }
0xb6: {  	_ =	strace $0x90000048  }
0xb7: {  	_ =	sfence  }
0xb8: {  	s30 =	sld [smem:$0x0];
	_ =	sdelay $0x2  }
0xb9: {  	s31 =	sshll.u32 s1, $0xD;
	s1 =	sshrl.u32 s1, $0x2  }
0xba: {  	s3 =	sand.u32 $0x4000, s31;
	s1 =	sadd.s32 s1, s30  }
0xbb: {  	s0 =	sor.u32 s3, s0;
	s1 =	sshll.u32 s1, $0x11  }
0xbc: {  	s0 =	sor.u32 s1, s0  }
0xbd: {  	s0 =	sadd.s32 $0x8F2B, s0  }
0xbe: {  	[sflag:s0] =	ssyncadd.remote.s32 $0x1  }
0xbf: {  	_ =	sfence.sel $0xFFFF  }
0xc0: {  	[dreg:$0x0] =	wrdreg $0xFFFFFFFF;
	(pc) =	sbr.abs _section_cstart, $3  }
0xc1: {  	[dreg:$0x1] =	wrdreg $0xFFFFFFFF  }
0xc2: {  	_ =	task.clear_ibuf [dreg:s7], $0x2FFFF;
	_ =	strace $0x9FFFFFFF  }
0xc3: {  	(tm) =	ssettm $0x7FFFFFFF  }
tec
execute0_lowered:
.L_overlay_start_1:
0x0: {  	(tag) =	ssettag $0x1  }
0x1: {  	s4 =	rddreg [dreg:$0x0]  }
0x2: {  	s5 =	rddreg [dreg:$0x1]  }
0x3: {  	s2 =	rddreg [dreg:$0x2]  }
0x4: {  	s0 =	rddreg [dreg:$0x3];
	s3 =	srdreg.scid  }
0x5: {  	s1 =	stileid.u32;
	s11 =	simm.s32 $0x2710;
	s12 =	simm.s32 $0xA0  }
0x6: {  	s13 =	simm.s32 $0xF0;
	s14 =	simm.s32 $0x1;
	s17 =	simm.s32 $0x0  }
0x7: {  	s6 =	sand.u32 $0x1, s3;
	s7 =	smul.u32 $0x280, s1;
	s8 =	sshll.u32 s1, $0x1  }
0x8: {  	s3 =	simm.s32 $0x0;
	s15 =	sshll.u32 s1, $0x6;
	s9 =	smul.u32 $0x2800, s6  }
0x9: {  	s8 =	sor.u32 s6, s8;
	[smem:$0x7FF] =	sst s3;
	s6 =	ssub.s32 $0x2, s6  }
0xa: {  	s15 =	sor.u32 $0x1C02, s15;
	s8 =	smul.u32 $0x2710, s8;
	s9 =	sadd.s32 s7, s9  }
0xb: {  	_ =	strace $0x80000047;
	s10 =	sshrl.u32 s6, $0x1;
	s9 =	sshrl.u32 s9, $0x3  }
0xc: {  	s10 =	ssub.s32 s6, s10;
	s8 =	sshrl.u32 s8, $0x3;
	s9 =	sadd.s32 s9, s5  }
0xd: {  	s4 =	sadd.s32 s4, s8;
	s5 =	sadd.s32 s7, s2;
	s7 =	smax.u32 s10, $0x1  }
0xe: {  	s8 =	simm.s32 $0x2;
	s10 =	simm.s32 $0x50;
	s4 =	sadd.s32 $0x9C40, s4  }
0xf: {  	v0 =	vimm.f32 $0.0e+00;
	v1 =	vimm.f32 $1.000000000e+00;
	s6 =	sadd.s32 $0x2800, s9;
	s9 =	simm.s32 $0x2760;
	s16 =	sshrl.u32 s5, $0x3  }
.LBB2_1:
0x10: {  	[tilespmem:$0x2760] =	vst v0  }
0x11: {  	[tilespmem:$0x2770] =	vst v0  }
0x12: {  	[tilespmem:$0x2780] =	vst v0  }
0x13: {  	[tilespmem:$0x2790] =	vst v0  }
0x14: {  	[tilespmem:$0x27A0] =	vst v0  }
0x15: {  	[tilespmem:$0x27B0] =	vst v0  }
0x16: {  	[tilespmem:$0x27C0] =	vst v0  }
0x17: {  	[tilespmem:$0x27D0] =	vst v0  }
0x18: {  	[tilespmem:$0x27E0] =	vst v0  }
0x19: {  	[tilespmem:$0x27F0] =	vst v0  }
0x1a: {  	[tilespmem:$0x2800] =	vst v0  }
0x1b: {  	[tilespmem:$0x2810] =	vst v0  }
0x1c: {  	[tilespmem:$0x2820] =	vst v0  }
0x1d: {  	[tilespmem:$0x2830] =	vst v0  }
0x1e: {  	[tilespmem:$0x2840] =	vst v0  }
0x1f: {  	[tilespmem:$0x2850] =	vst v0  }
0x20: {  	[tilespmem:$0x2860] =	vst v0  }
0x21: {  	[tilespmem:$0x2870] =	vst v0  }
0x22: {  	[tilespmem:$0x2880] =	vst v0  }
0x23: {  	[tilespmem:$0x2890] =	vst v0  }
0x24: {  	[tilespmem:$0x28A0] =	vst v0  }
0x25: {  	[tilespmem:$0x28B0] =	vst v0  }
0x26: {  	[tilespmem:$0x28C0] =	vst v0  }
0x27: {  	[tilespmem:$0x28D0] =	vst v0  }
0x28: {  	[tilespmem:$0x28E0] =	vst v0  }
0x29: {  	[tilespmem:$0x28F0] =	vst v0  }
0x2a: {  	[tilespmem:$0x2900] =	vst v0  }
0x2b: {  	[tilespmem:$0x2910] =	vst v0  }
0x2c: {  	[tilespmem:$0x2920] =	vst v0  }
0x2d: {  	[tilespmem:$0x2930] =	vst v0  }
0x2e: {  	[tilespmem:$0x2940] =	vst v0  }
0x2f: {  	[tilespmem:$0x2950] =	vst v0  }
0x30: {  	[tilespmem:$0x2960] =	vst v0  }
0x31: {  	[tilespmem:$0x2970] =	vst v0  }
0x32: {  	[tilespmem:$0x2980] =	vst v0  }
0x33: {  	[tilespmem:$0x2990] =	vst v0  }
0x34: {  	[tilespmem:$0x29A0] =	vst v0  }
0x35: {  	[tilespmem:$0x29B0] =	vst v0  }
0x36: {  	[tilespmem:$0x29C0] =	vst v0  }
0x37: {  	[tilespmem:$0x29D0] =	vst v0  }
0x38: {  	[tilespmem:$0x2710] =	vst v1  }
0x39: {  	[tilespmem:$0x2720] =	vst v1  }
0x3a: {  	[tilespmem:$0x2730] =	vst v1  }
0x3b: {  	[tilespmem:$0x2740] =	vst v1  }
0x3c: {  	[tilespmem:$0x2750] =	vst v1  }
0x3d: {  	[tilespmem:s3], [sflag:$0x2] =	stream.linear.gather [hbm4b:s4+s3], $0x2710, $0x38;
	[tilespmem:$0x2C60] =	vst v63  }
0x3e: {  	_ =	swait.ge [sflag:s8], $0x2710  }
0x3f: {  	[sflag:s8] =	ssyncset.done $0x0  }
0x40: {  	[sflag:s8] =	ssyncadd.s32 $0xFFFFD8F0  }
0x41: {  	[spmem:s5] =	stream.linear.scatter [tilespmem:s9], [sflag:$0x2], $0x280, $0x38;
	[tilespmem:$0x2C60] =	vst v63  }
0x42: {  	_ =	swait.ge [sflag:s8], $0x280  }
0x43: {  	[sflag:s8] =	ssyncset.done $0x0  }
0x44: {  	[sflag:s8] =	ssyncadd.s32 $0xFFFFFD80  }
0x45: {  	[bflag:$0x0] =	sbarrier.arrive $0xFFFF  }
0x46: {  	[spmem:s2] =	stream.indirect.scatter.add.f32 [tilespmem:s11], [sflag:$0x1], $0x1, s3, s10, $0xb8;
	[tilespmem:$0x2C60] =	vst v63  }
0x47: {  	_ = 	snop  }
0x48: {  	[spmem:s2] =	stream.indirect.scatter.add.f32 [tilespmem:s11], [sflag:$0x1], $0x1, s10, s10, $0xb8;
	[tilespmem:$0x2C60] =	vst v63  }
0x49: {  	_ = 	snop  }
0x4a: {  	[spmem:s2] =	stream.indirect.scatter.add.f32 [tilespmem:s11], [sflag:$0x1], $0x1, s12, s10, $0xb8;
	[tilespmem:$0x2C60] =	vst v63  }
0x4b: {  	_ = 	snop  }
0x4c: {  	[spmem:s2] =	stream.indirect.scatter.add.f32 [tilespmem:s11], [sflag:$0x1], $0x1, s13, s10, $0xb8;
	[tilespmem:$0x2C60] =	vst v63  }
0x4d: {  	s18 =	simm.s32 $0x140  }
0x4e: {  	[spmem:s2] =	stream.indirect.scatter.add.f32 [tilespmem:s11], [sflag:$0x1], $0x1, s18, s10, $0xb8;
	[tilespmem:$0x2C60] =	vst v63  }
0x4f: {  	_ =	swait.ge [sflag:s14], $0x50  }
0x50: {  	s18 =	simm.s32 $0x640;
	[sflag:s14] =	ssyncset.done $0x0  }
.LBB2_2:
0x51: {  	s19 =	sshra.s32 s18, $0x2;
	[sflag:s14] =	ssyncadd.s32 $0xFFFFFFB0;
	p0 =	sne.s32 s18, $0x9B00  }
0x52: {  	[spmem:s2] =	stream.indirect.scatter.add.f32 [tilespmem:s11], [sflag:$0x1], $0x1, s19, s10, $0xb8;
	[tilespmem:$0x2C60] =	vst v63  }
.Ltmp0:
0x53: {  	_ = 	snop;
	(pc) =	sbr.rel @p0 .LBB2_2-.Ltmp0, $4  }
0x54: {  	_ = 	snop  }
0x55: {  	s18 =	sadd.s32 $0x140, s18  }
0x56: {  	_ =	swait.ge [sflag:s14], $0x50  }
0x57: {  	[sflag:s14] =	ssyncset.done $0x0  }
0x58: {  	[sflag:s14] =	ssyncadd.s32 $0xFFFFFFB0  }
0x59: {  	_ =	swait.ge [sflag:s14], $0x50  }
0x5a: {  	[sflag:s14] =	ssyncset.done $0x0  }
0x5b: {  	[sflag:s14] =	ssyncadd.s32 $0xFFFFFFB0  }
0x5c: {  	_ =	swait.ge [sflag:s14], $0x50  }
0x5d: {  	[sflag:s14] =	ssyncset.done $0x0  }
0x5e: {  	[sflag:s14] =	ssyncadd.s32 $0xFFFFFFB0  }
0x5f: {  	_ =	swait.ge [sflag:s14], $0x50  }
0x60: {  	[sflag:s14] =	ssyncset.done $0x0  }
0x61: {  	[sflag:s14] =	ssyncadd.s32 $0xFFFFFFB0  }
0x62: {  	_ =	swait.ge [sflag:s14], $0x50  }
0x63: {  	s17 =	sadd.s32 $0x1, s17;
	[sflag:s14] =	ssyncset.done $0x0  }
0x64: {  	p0 =	sne.s32 s17, s7;
	[sflag:s14] =	ssyncadd.s32 $0xFFFFFFB0  }
.Ltmp1:
0x65: {  	[bflag:$0x0] =	sbarrier.arrive $0xFFFF;
	(pc) =	sbr.rel @p0 .LBB2_1-.Ltmp1, $4  }
0x66: {  	[hbm:s6], [sflag:s15] =	dma.local [spmem:s16], $0x50  }
0x67: {  	_ =	swait.ge [sflag:s8], $0x50  }
0x68: {  	[sflag:s8] =	ssyncset.done $0x0  }
0x69: {  	[sflag:s8] =	ssyncadd.s32 $0xFFFFFFB0  }
0x6a: {  	_ =	sfence.sel $0x180000  }
0x6b: {  	[bflag:$0x0] =	sbarrier.arrive $0xFFFF  }
0x6c: {  	p0 =	sne.s32 s1, $0x0;
	_ =	strace $0x90000047  }
0x6d: {  	s0 =	sadd.s32 @!p0 $0x100000, s0;
	[bflag:$0x2] =	sbarrier.arrive $0xFFFF  }
0x6e: {  	[sflag:s0] =	ssyncadd.tile.s32 @!p0 $0x1;
	_ =	shalt  }
.Lfunc_end2:
_tile_overlayer_lowered:
.L_overlay_start_2:
0x6f: {  	(tag) =	ssettag $0x2  }
0x70: {  	s0 =	rddreg [dreg:$0x0];
	s2 =	stileid.u32  }
0x71: {  	s1 =	rddreg [dreg:$0x1];
	p0 =	sne.s32 s2, $0x0  }
0x72: {  	s3 =	rddreg [dreg:$0x2];
	[bflag:$0x3] =	sbarrier.arrive $0xFFFF;
	s2 =	simm.s32 @!p0 $0x1C02  }
0x73: {  	[timem:s3], [sflag:s2] =	dma.local @!p0 [hbm:s0], s1  }
0x74: {  	s0 =	simm.s32 @!p0 $0x2  }
0x75: {  	_ =	swait.ge @!p0 [sflag:s0], s1  }
0x76: {  	s1 =	ssub.s32 @!p0 $0x0, s1;
	[sflag:s0] =	ssyncset.done @!p0 $0x0  }
0x77: {  	[sflag:s0] =	ssyncadd.s32 @!p0 s1  }
0x78: {  	[bflag:$0x3] =	sbarrier.arrive $0xFFFF  }
0x79: {  	_ =	shalt  }

</sc_bundles>
